<compile_context>
chip_gen: v7x
topology: tpu7x:2x2x1
jax: 0.10.2.dev20260603
libtpu: 0.0.44.dev20260713+nightly
codegen_flags: <defaults>
</compile_context>

<pallas_src>
import jax
import jax.numpy as jnp
from jax import lax
from jax.experimental import pallas as pl
from jax.experimental.pallas import tpu as pltpu
from jax.experimental.pallas import tpu_sc as plsc

D = 1001000
LAT = 64
W = 384
NG = W // 16
NC = 2
NS = 16
NW = NC * NS
BC = 6144
SC_CHUNKS = 1600
NCHUNK = SC_CHUNKS
D1 = SC_CHUNKS * W
D2 = D - D1
NTC = -(-D2 // BC)


def _sc_body(zt_hbm, theta_hbm, bT_hbm, out_hbm,
             zt_v, b0_v, b1_v, a0_v, a1_v, bsem0, bsem1, osem0, osem1):
    wid = lax.axis_index("s") * NC + lax.axis_index("c")
    n_mine = NCHUNK // NW + jnp.where(wid < NCHUNK % NW, 1, 0)

    pltpu.sync_copy(zt_hbm, zt_v)

    bufs = ((b0_v, a0_v, bsem0, osem0), (b1_v, a1_v, bsem1, osem1))

    def chunk_col0(j):
        return pl.multiple_of((wid + j * NW) * W, 128)

    def start_in(j, b):
        col0 = chunk_col0(j)
        bv, av, bsem, _ = bufs[b]
        pltpu.async_copy(bT_hbm.at[:, pl.ds(col0, W)], bv, bsem)
        pltpu.async_copy(theta_hbm.at[pl.ds(col0, W)], av, bsem)

    def wait_in(b):
        bv, av, bsem, _ = bufs[b]
        pltpu.make_async_copy(bT_hbm.at[:, pl.ds(0, W)], bv, bsem).wait()
        pltpu.make_async_copy(theta_hbm.at[pl.ds(0, W)], av, bsem).wait()

    def start_out(j, b):
        col0 = chunk_col0(j)
        _, av, _, osem = bufs[b]
        pltpu.async_copy(av, out_hbm.at[pl.ds(col0, W)], osem)

    def wait_out(b):
        _, av, _, osem = bufs[b]
        pltpu.make_async_copy(av, out_hbm.at[pl.ds(0, W)], osem).wait()

    def compute(b):
        bv, av, _, _ = bufs[b]
        accs0 = tuple(av[pl.ds(g * 16, 16)] for g in range(NG))

        def do_k(k, accs):
            zb = zt_v[pl.ds(pl.multiple_of(k * 16, 16), 16)]
            return tuple(accs[g] + bv[k, pl.ds(g * 16, 16)] * zb
                         for g in range(NG))

        accs = lax.fori_loop(0, LAT, do_k, accs0, unroll=2)
        for g in range(NG):
            av[pl.ds(g * 16, 16)] = accs[g]

    @pl.when(n_mine > 0)
    def _prologue():
        start_in(0, 0)

    def pair_body(p, carry):
        for b in (0, 1):
            j = 2 * p + b

            @pl.when(j < n_mine)
            def _step():
                @pl.when(j + 1 < n_mine)
                def _prefetch():
                    @pl.when(j >= 1)
                    def _drain():
                        wait_out(1 - b)
                    start_in(j + 1, 1 - b)

                wait_in(b)
                compute(b)
                start_out(j, b)
        return carry

    lax.fori_loop(0, (n_mine + 1) // 2, pair_body, 0)

    last = n_mine - 1

    @pl.when(n_mine > 0)
    def _final_drain():
        @pl.when(last % 2 == 0)
        def _d0():
            wait_out(0)

        @pl.when(last % 2 == 1)
        def _d1():
            wait_out(1)


def _tc_body(z_ref, theta_ref, b_ref, o_ref):
    zv = z_ref[...]
    x = jax.lax.dot_general(zv, b_ref[...], (((1,), (0,)), ((), ())),
                            precision=jax.lax.Precision.HIGHEST)
    o_ref[...] = theta_ref[...] + x[0]


def _tc_part(z2, theta_base, bT):
    off = D1 // BC
    return pl.pallas_call(
        _tc_body,
        grid=(NTC,),
        in_specs=[
            pl.BlockSpec((1, LAT), lambda i: (0, 0)),
            pl.BlockSpec((BC,), lambda i: (i + off,)),
            pl.BlockSpec((LAT, BC), lambda i: (0, i + off)),
        ],
        out_specs=pl.BlockSpec((BC,), lambda i: (i,)),
        out_shape=jax.ShapeDtypeStruct((D2,), jnp.float32),
    )(z2, theta_base, bT)


@jax.jit
def _projection(zt, z2, theta_base, bT):
    mesh = plsc.VectorSubcoreMesh(core_axis_name="c", subcore_axis_name="s",
                                  num_cores=NC, num_subcores=NS)
    sc_out = pl.kernel(
        _sc_body,
        out_type=jax.ShapeDtypeStruct((D1,), jnp.float32),
        mesh=mesh,
        scratch_types=[
            pltpu.VMEM((LAT * 16,), jnp.float32),
            pltpu.VMEM((LAT, W), jnp.float32),
            pltpu.VMEM((LAT, W), jnp.float32),
            pltpu.VMEM((W,), jnp.float32),
            pltpu.VMEM((W,), jnp.float32),
            pltpu.SemaphoreType.DMA,
            pltpu.SemaphoreType.DMA,
            pltpu.SemaphoreType.DMA,
            pltpu.SemaphoreType.DMA,
        ],
        compiler_params=pltpu.CompilerParams(needs_layout_passes=False),
    )(zt, theta_base, bT)
    tc_out = _tc_part(z2, theta_base, bT)
    return jnp.concatenate([sc_out, tc_out])


def kernel(z, theta_base, basis_matrix):
    zt = jnp.broadcast_to(z[:, None], (LAT, 16)).reshape(-1)
    z2 = z[None, :]
    return _projection(zt, z2, theta_base, basis_matrix.T)

# --- scband reference (transcript-rebuilt; emitter-appended) ---
"""Pipeline reference for scband-learned-basis-projection-27642409517624 (READ-ONLY COPY).

The authoritative reference and input builder live on the scoring server;
editing this copy changes nothing except your own understanding.
"""

import jax, jax.numpy as jnp
import numpy as np

D = 1001000  # number of params in nn.Linear(1000, 1000): 1000*1000 + 1000
d = 64       # latent dimension
ALPHA = 1.0


def setup_inputs(seed: int = 0) -> dict:
    key = jax.random.key(seed)
    k1, k2, k3 = jax.random.split(key, 3)
    z = jax.random.normal(k1, (d,), dtype=jnp.float32)
    # theta_base: flattened base parameters of the wrapped model (buffer)
    theta_base = jax.random.normal(k2, (D,), dtype=jnp.float32) * 0.02
    # basis_matrix: randn [D, d] with columns normalized (matches _init_basis)
    basis = jax.random.normal(k3, (D, d), dtype=jnp.float32)
    basis = basis / jnp.linalg.norm(basis, axis=0, keepdims=True)
    return {"z": z, "theta_base": theta_base, "basis_matrix": basis}


def reference(z, theta_base, basis_matrix):
    # LearnedBasisProjection.forward:
    #   x = basis_matrix @ z
    #   x = alpha * x          (process)
    #   return theta_base + x
    # (basis update path is skipped: update_freq set huge)
    x = basis_matrix @ z
    x = ALPHA * x
    return theta_base + x

if __name__ == "__main__":
    import jax
    _d = setup_inputs()
    print(jax.jit(kernel)(*tuple(_d.values())))

</pallas_src>

<mosaic_0001>
#map = affine_map<(d0, d1) -> (0)>
#map1 = affine_map<(d0, d1) -> (0, 0)>
module attributes {stable_mosaic.version = 14 : i64} {
  func.func @_sc_body(%arg0: i32, %arg1: i32, %arg2: memref<1024xf32, #tpu.memory_space<hbm>>, %arg3: memref<1001000xf32, #tpu.memory_space<hbm>>, %arg4: memref<64x1001000xf32, #tpu.memory_space<hbm>>, %arg5: memref<614400xf32, #tpu.memory_space<hbm>>, %arg6: memref<1024xf32, #tpu.memory_space<vmem>>, %arg7: memref<64x384xf32, #tpu.memory_space<vmem>>, %arg8: memref<64x384xf32, #tpu.memory_space<vmem>>, %arg9: memref<384xf32, #tpu.memory_space<vmem>>, %arg10: memref<384xf32, #tpu.memory_space<vmem>>, %arg11: memref<!tpu.dma_semaphore, #tpu.memory_space<semaphore_mem>>, %arg12: memref<!tpu.dma_semaphore, #tpu.memory_space<semaphore_mem>>, %arg13: memref<!tpu.dma_semaphore, #tpu.memory_space<semaphore_mem>>, %arg14: memref<!tpu.dma_semaphore, #tpu.memory_space<semaphore_mem>>) attributes {dimension_semantics = [#tpu.dimension_semantics<core_parallel>, #tpu.dimension_semantics<subcore_parallel>], iteration_bounds = array<i64: 2, 16>, scalar_prefetch = 0 : i64, scratch_operands = 9 : i64, tpu.core_type = #tpu.core_type<sc_vector_subcore>, window_params = [{transform_indices = #map}, {transform_indices = #map}, {transform_indices = #map1}, {transform_indices = #map}]} {
    %mul3A = arith.constant 2 : i32
    %mul3A_0 = arith.muli %arg1, %mul3A : i32
    %add3A = arith.addi %mul3A_0, %arg0 : i32
    %lt3A = arith.constant 0 : i32
    %lt3A_1 = arith.cmpi slt, %add3A, %lt3A : i32
    %jit3A = arith.constant 1 : i32
    %jit3A_2 = arith.constant 0 : i32
    %select_n3A = arith.select %lt3A_1, %jit3A, %jit3A_2 : i32
    %add3A_3 = arith.constant 50 : i32
    %add3A_4 = arith.addi %add3A_3, %select_n3A : i32
    "tpu.region"() ({
      %run_scoped3A = tpu.sem_alloc : memref<!tpu.dma_semaphore, #tpu.memory_space<semaphore_mem>>
      tpu.enqueue_dma source(%arg2 : memref<1024xf32, #tpu.memory_space<hbm>>) target(%arg6 : memref<1024xf32, #tpu.memory_space<vmem>>) target_semaphore(%run_scoped3A : memref<!tpu.dma_semaphore, #tpu.memory_space<semaphore_mem>>)
      tpu.wait_dma2 semaphore(%run_scoped3A : memref<!tpu.dma_semaphore, #tpu.memory_space<semaphore_mem>>) src(%arg2 : memref<1024xf32, #tpu.memory_space<hbm>>) dst(%arg6 : memref<1024xf32, #tpu.memory_space<vmem>>)
      tpu.yield
    }) : () -> ()
    %gt3A = arith.constant 0 : i32
    %gt3A_5 = arith.cmpi sgt, %add3A_4, %gt3A : i32
    %convert_element_type3A = arith.extui %gt3A_5 : i1 to i32
    %cond3A = arith.constant 0 : i32
    %cond3A_6 = arith.cmpi ne, %convert_element_type3A, %cond3A : i32
    scf.if %cond3A_6 {
      %add3A_43 = arith.constant 0 : i32
      %add3A_44 = arith.addi %add3A, %add3A_43 : i32
      %mul3A_45 = arith.constant 384 : i32
      %mul3A_46 = arith.muli %add3A_44, %mul3A_45 : i32
      %multiple_of3A = tpu.assume_multiple %mul3A_46, 128 : i32
      %dma_start3A = arith.constant 0 : i32
      %dma_start3A_47 = tpu.memref_slice %arg4[%dma_start3A, %multiple_of3A] : memref<64x1001000xf32, #tpu.memory_space<hbm>> -> memref<64x384xf32, #tpu.memory_space<hbm>>
      %dma_start3A_48 = arith.constant 0 : i32
      %dma_start3A_49 = tpu.memref_slice %arg4[%dma_start3A_48, %multiple_of3A] : memref<64x1001000xf32, #tpu.memory_space<hbm>> -> memref<64x384xf32, #tpu.memory_space<hbm>>
      tpu.enqueue_dma source(%dma_start3A_49 : memref<64x384xf32, #tpu.memory_space<hbm>>) target(%arg7 : memref<64x384xf32, #tpu.memory_space<vmem>>) target_semaphore(%arg11 : memref<!tpu.dma_semaphore, #tpu.memory_space<semaphore_mem>>)
      %dma_start3A_50 = tpu.memref_slice %arg3[%multiple_of3A] : memref<1001000xf32, #tpu.memory_space<hbm>> -> memref<384xf32, #tpu.memory_space<hbm>>
      %dma_start3A_51 = tpu.memref_slice %arg3[%multiple_of3A] : memref<1001000xf32, #tpu.memory_space<hbm>> -> memref<384xf32, #tpu.memory_space<hbm>>
      tpu.enqueue_dma source(%dma_start3A_51 : memref<384xf32, #tpu.memory_space<hbm>>) target(%arg9 : memref<384xf32, #tpu.memory_space<vmem>>) target_semaphore(%arg11 : memref<!tpu.dma_semaphore, #tpu.memory_space<semaphore_mem>>)
    } else {
    }
    %add3A_7 = arith.constant 1 : i32
    %add3A_8 = arith.addi %add3A_4, %add3A_7 : i32
    %jit3A_9 = arith.constant 2 : i32
    %div3A = arith.divsi %add3A_8, %jit3A_9 : i32
    %sign3A = arith.constant 0 : i32
    %sign3A_10 = arith.cmpi sgt, %add3A_8, %sign3A : i32
    %sign3A_11 = arith.extui %sign3A_10 : i1 to i32
    %sign3A_12 = arith.constant 0 : i32
    %sign3A_13 = arith.cmpi slt, %add3A_8, %sign3A_12 : i32
    %sign3A_14 = arith.extui %sign3A_13 : i1 to i32
    %sign3A_15 = arith.subi %sign3A_11, %sign3A_14 : i32
    %sign3A_16 = arith.constant 0 : i32
    %sign3A_17 = arith.cmpi sgt, %jit3A_9, %sign3A_16 : i32
    %sign3A_18 = arith.extui %sign3A_17 : i1 to i32
    %sign3A_19 = arith.constant 0 : i32
    %sign3A_20 = arith.cmpi slt, %jit3A_9, %sign3A_19 : i32
    %sign3A_21 = arith.extui %sign3A_20 : i1 to i32
    %sign3A_22 = arith.subi %sign3A_18, %sign3A_21 : i32
    %ne3A = arith.cmpi ne, %sign3A_15, %sign3A_22 : i32
    %rem3A = arith.remsi %add3A_8, %jit3A_9 : i32
    %ne3A_23 = arith.constant 0 : i32
    %ne3A_24 = arith.cmpi ne, %rem3A, %ne3A_23 : i32
    %and3A = arith.andi %ne3A, %ne3A_24 : i1
    %sub3A = arith.constant 1 : i32
    %sub3A_25 = arith.subi %div3A, %sub3A : i32
    %select_n3A_26 = arith.select %and3A, %sub3A_25, %div3A : i32
    %while3A = arith.constant 0 : i32
    %while3A_27 = arith.constant 0 : i32
    %while3A_28 = arith.subi %select_n3A_26, %while3A_27 : i32
    %while3A_29 = arith.addi %while3A_27, %while3A_28 : i32
    %while3A_30 = arith.constant 1 : i32
    %while3A_31 = arith.divsi %while3A_28, %while3A_30 : i32
    %while3A_32 = arith.muli %while3A_31, %while3A_30 : i32
    %while3A_33 = arith.addi %while3A_27, %while3A_32 : i32
    %while3A_34 = arith.constant 1 : i32
    scf.for %while3A_43 = %while3A_27 to %while3A_33 step %while3A_34  : i32 {
      %mul3A_44 = arith.constant 2 : i32
      %mul3A_45 = arith.muli %mul3A_44, %while3A_43 : i32
      %add3A_46 = arith.constant 0 : i32
      %add3A_47 = arith.addi %mul3A_45, %add3A_46 : i32
      %lt3A_48 = arith.cmpi slt, %add3A_47, %add3A_4 : i32
      %convert_element_type3A_49 = arith.extui %lt3A_48 : i1 to i32
      %cond3A_50 = arith.constant 0 : i32
      %cond3A_51 = arith.cmpi ne, %convert_element_type3A_49, %cond3A_50 : i32
      scf.if %cond3A_51 {
        %add3A_60 = arith.constant 1 : i32
        %add3A_61 = arith.addi %add3A_47, %add3A_60 : i32
        %lt3A_62 = arith.cmpi slt, %add3A_61, %add3A_4 : i32
        %convert_element_type3A_63 = arith.extui %lt3A_62 : i1 to i32
        %cond3A_64 = arith.constant 0 : i32
        %cond3A_65 = arith.cmpi ne, %convert_element_type3A_63, %cond3A_64 : i32
        scf.if %cond3A_65 {
          %ge3A = arith.constant 1 : i32
          %ge3A_180 = arith.cmpi sge, %add3A_47, %ge3A : i32
          %convert_element_type3A_181 = arith.extui %ge3A_180 : i1 to i32
          %cond3A_182 = arith.constant 0 : i32
          %cond3A_183 = arith.cmpi ne, %convert_element_type3A_181, %cond3A_182 : i32
          scf.if %cond3A_183 {
            %dma_wait3A_198 = arith.constant 0 : i32
            %dma_wait3A_199 = tpu.memref_slice %arg5[%dma_wait3A_198] : memref<614400xf32, #tpu.memory_space<hbm>> -> memref<384xf32, #tpu.memory_space<hbm>>
            %dma_wait3A_200 = arith.constant 0 : i32
            %dma_wait3A_201 = tpu.memref_slice %arg5[%dma_wait3A_200] : memref<614400xf32, #tpu.memory_space<hbm>> -> memref<384xf32, #tpu.memory_space<hbm>>
            tpu.wait_dma2 semaphore(%arg14 : memref<!tpu.dma_semaphore, #tpu.memory_space<semaphore_mem>>) src(%arg10 : memref<384xf32, #tpu.memory_space<vmem>>) dst(%dma_wait3A_201 : memref<384xf32, #tpu.memory_space<hbm>>)
          } else {
          }
          %add3A_184 = arith.constant 1 : i32
          %add3A_185 = arith.addi %add3A_47, %add3A_184 : i32
          %mul3A_186 = arith.constant 32 : i32
          %mul3A_187 = arith.muli %add3A_185, %mul3A_186 : i32
          %add3A_188 = arith.addi %add3A, %mul3A_187 : i32
          %mul3A_189 = arith.constant 384 : i32
          %mul3A_190 = arith.muli %add3A_188, %mul3A_189 : i32
          %multiple_of3A_191 = tpu.assume_multiple %mul3A_190, 128 : i32
          %dma_start3A_192 = arith.constant 0 : i32
          %dma_start3A_193 = tpu.memref_slice %arg4[%dma_start3A_192, %multiple_of3A_191] : memref<64x1001000xf32, #tpu.memory_space<hbm>> -> memref<64x384xf32, #tpu.memory_space<hbm>>
          %dma_start3A_194 = arith.constant 0 : i32
          %dma_start3A_195 = tpu.memref_slice %arg4[%dma_start3A_194, %multiple_of3A_191] : memref<64x1001000xf32, #tpu.memory_space<hbm>> -> memref<64x384xf32, #tpu.memory_space<hbm>>
          tpu.enqueue_dma source(%dma_start3A_195 : memref<64x384xf32, #tpu.memory_space<hbm>>) target(%arg8 : memref<64x384xf32, #tpu.memory_space<vmem>>) target_semaphore(%arg12 : memref<!tpu.dma_semaphore, #tpu.memory_space<semaphore_mem>>)
          %dma_start3A_196 = tpu.memref_slice %arg3[%multiple_of3A_191] : memref<1001000xf32, #tpu.memory_space<hbm>> -> memref<384xf32, #tpu.memory_space<hbm>>
          %dma_start3A_197 = tpu.memref_slice %arg3[%multiple_of3A_191] : memref<1001000xf32, #tpu.memory_space<hbm>> -> memref<384xf32, #tpu.memory_space<hbm>>
          tpu.enqueue_dma source(%dma_start3A_197 : memref<384xf32, #tpu.memory_space<hbm>>) target(%arg10 : memref<384xf32, #tpu.memory_space<vmem>>) target_semaphore(%arg12 : memref<!tpu.dma_semaphore, #tpu.memory_space<semaphore_mem>>)
        } else {
        }
        %dma_wait3A = arith.constant 0 : i32
        %dma_wait3A_66 = arith.constant 0 : i32
        %dma_wait3A_67 = tpu.memref_slice %arg4[%dma_wait3A, %dma_wait3A_66] : memref<64x1001000xf32, #tpu.memory_space<hbm>> -> memref<64x384xf32, #tpu.memory_space<hbm>>
        %dma_wait3A_68 = arith.constant 0 : i32
        %dma_wait3A_69 = arith.constant 0 : i32
        %dma_wait3A_70 = tpu.memref_slice %arg4[%dma_wait3A_68, %dma_wait3A_69] : memref<64x1001000xf32, #tpu.memory_space<hbm>> -> memref<64x384xf32, #tpu.memory_space<hbm>>
        tpu.wait_dma2 semaphore(%arg11 : memref<!tpu.dma_semaphore, #tpu.memory_space<semaphore_mem>>) src(%dma_wait3A_70 : memref<64x384xf32, #tpu.memory_space<hbm>>) dst(%arg7 : memref<64x384xf32, #tpu.memory_space<vmem>>)
        %dma_wait3A_71 = arith.constant 0 : i32
        %dma_wait3A_72 = tpu.memref_slice %arg3[%dma_wait3A_71] : memref<1001000xf32, #tpu.memory_space<hbm>> -> memref<384xf32, #tpu.memory_space<hbm>>
        %dma_wait3A_73 = arith.constant 0 : i32
        %dma_wait3A_74 = tpu.memref_slice %arg3[%dma_wait3A_73] : memref<1001000xf32, #tpu.memory_space<hbm>> -> memref<384xf32, #tpu.memory_space<hbm>>
        tpu.wait_dma2 semaphore(%arg11 : memref<!tpu.dma_semaphore, #tpu.memory_space<semaphore_mem>>) src(%dma_wait3A_74 : memref<384xf32, #tpu.memory_space<hbm>>) dst(%arg9 : memref<384xf32, #tpu.memory_space<vmem>>)
        %get3A = arith.constant 0 : index
        %get3A_75 = tpu.vector_load %arg9[%get3A] {strides = array<i32>} : memref<384xf32, #tpu.memory_space<vmem>>, vector<16xf32>,
        %get3A_76 = arith.constant 16 : index
        %get3A_77 = tpu.vector_load %arg9[%get3A_76] {strides = array<i32>} : memref<384xf32, #tpu.memory_space<vmem>>, vector<16xf32>,
        %get3A_78 = arith.constant 32 : index
        %get3A_79 = tpu.vector_load %arg9[%get3A_78] {strides = array<i32>} : memref<384xf32, #tpu.memory_space<vmem>>, vector<16xf32>,
        %get3A_80 = arith.constant 48 : index
        %get3A_81 = tpu.vector_load %arg9[%get3A_80] {strides = array<i32>} : memref<384xf32, #tpu.memory_space<vmem>>, vector<16xf32>,
        %get3A_82 = arith.constant 64 : index
        %get3A_83 = tpu.vector_load %arg9[%get3A_82] {strides = array<i32>} : memref<384xf32, #tpu.memory_space<vmem>>, vector<16xf32>,
        %get3A_84 = arith.constant 80 : index
        %get3A_85 = tpu.vector_load %arg9[%get3A_84] {strides = array<i32>} : memref<384xf32, #tpu.memory_space<vmem>>, vector<16xf32>,
        %get3A_86 = arith.constant 96 : index
        %get3A_87 = tpu.vector_load %arg9[%get3A_86] {strides = array<i32>} : memref<384xf32, #tpu.memory_space<vmem>>, vector<16xf32>,
        %get3A_88 = arith.constant 112 : index
        %get3A_89 = tpu.vector_load %arg9[%get3A_88] {strides = array<i32>} : memref<384xf32, #tpu.memory_space<vmem>>, vector<16xf32>,
        %get3A_90 = arith.constant 128 : index
        %get3A_91 = tpu.vector_load %arg9[%get3A_90] {strides = array<i32>} : memref<384xf32, #tpu.memory_space<vmem>>, vector<16xf32>,
        %get3A_92 = arith.constant 144 : index
        %get3A_93 = tpu.vector_load %arg9[%get3A_92] {strides = array<i32>} : memref<384xf32, #tpu.memory_space<vmem>>, vector<16xf32>,
        %get3A_94 = arith.constant 160 : index
        %get3A_95 = tpu.vector_load %arg9[%get3A_94] {strides = array<i32>} : memref<384xf32, #tpu.memory_space<vmem>>, vector<16xf32>,
        %get3A_96 = arith.constant 176 : index
        %get3A_97 = tpu.vector_load %arg9[%get3A_96] {strides = array<i32>} : memref<384xf32, #tpu.memory_space<vmem>>, vector<16xf32>,
        %get3A_98 = arith.constant 192 : index
        %get3A_99 = tpu.vector_load %arg9[%get3A_98] {strides = array<i32>} : memref<384xf32, #tpu.memory_space<vmem>>, vector<16xf32>,
        %get3A_100 = arith.constant 208 : index
        %get3A_101 = tpu.vector_load %arg9[%get3A_100] {strides = array<i32>} : memref<384xf32, #tpu.memory_space<vmem>>, vector<16xf32>,
        %get3A_102 = arith.constant 224 : index
        %get3A_103 = tpu.vector_load %arg9[%get3A_102] {strides = array<i32>} : memref<384xf32, #tpu.memory_space<vmem>>, vector<16xf32>,
        %get3A_104 = arith.constant 240 : index
        %get3A_105 = tpu.vector_load %arg9[%get3A_104] {strides = array<i32>} : memref<384xf32, #tpu.memory_space<vmem>>, vector<16xf32>,
        %get3A_106 = arith.constant 256 : index
        %get3A_107 = tpu.vector_load %arg9[%get3A_106] {strides = array<i32>} : memref<384xf32, #tpu.memory_space<vmem>>, vector<16xf32>,
        %get3A_108 = arith.constant 272 : index
        %get3A_109 = tpu.vector_load %arg9[%get3A_108] {strides = array<i32>} : memref<384xf32, #tpu.memory_space<vmem>>, vector<16xf32>,
        %get3A_110 = arith.constant 288 : index
        %get3A_111 = tpu.vector_load %arg9[%get3A_110] {strides = array<i32>} : memref<384xf32, #tpu.memory_space<vmem>>, vector<16xf32>,
        %get3A_112 = arith.constant 304 : index
        %get3A_113 = tpu.vector_load %arg9[%get3A_112] {strides = array<i32>} : memref<384xf32, #tpu.memory_space<vmem>>, vector<16xf32>,
        %get3A_114 = arith.constant 320 : index
        %get3A_115 = tpu.vector_load %arg9[%get3A_114] {strides = array<i32>} : memref<384xf32, #tpu.memory_space<vmem>>, vector<16xf32>,
        %get3A_116 = arith.constant 336 : index
        %get3A_117 = tpu.vector_load %arg9[%get3A_116] {strides = array<i32>} : memref<384xf32, #tpu.memory_space<vmem>>, vector<16xf32>,
        %get3A_118 = arith.constant 352 : index
        %get3A_119 = tpu.vector_load %arg9[%get3A_118] {strides = array<i32>} : memref<384xf32, #tpu.memory_space<vmem>>, vector<16xf32>,
        %get3A_120 = arith.constant 368 : index
        %get3A_121 = tpu.vector_load %arg9[%get3A_120] {strides = array<i32>} : memref<384xf32, #tpu.memory_space<vmem>>, vector<16xf32>,
        %scan3A = arith.constant 0 : i32
        %scan3A_122 = arith.constant 64 : i32
        %scan3A_123 = arith.addi %scan3A, %scan3A_122 : i32
        %scan3A_124 = arith.constant 2 : i32
        %scan3A_125:24 = scf.for %scan3A_180 = %scan3A to %scan3A_123 step %scan3A_124 iter_args(%scan3A_181 = %get3A_75, %scan3A_182 = %get3A_77, %scan3A_183 = %get3A_79, %scan3A_184 = %get3A_81, %scan3A_185 = %get3A_83, %scan3A_186 = %get3A_85, %scan3A_187 = %get3A_87, %scan3A_188 = %get3A_89, %scan3A_189 = %get3A_91, %scan3A_190 = %get3A_93, %scan3A_191 = %get3A_95, %scan3A_192 = %get3A_97, %scan3A_193 = %get3A_99, %scan3A_194 = %get3A_101, %scan3A_195 = %get3A_103, %scan3A_196 = %get3A_105, %scan3A_197 = %get3A_107, %scan3A_198 = %get3A_109, %scan3A_199 = %get3A_111, %scan3A_200 = %get3A_113, %scan3A_201 = %get3A_115, %scan3A_202 = %get3A_117, %scan3A_203 = %get3A_119, %scan3A_204 = %get3A_121) -> (vector<16xf32>, vector<16xf32>, vector<16xf32>, vector<16xf32>, vector<16xf32>, vector<16xf32>, vector<16xf32>, vector<16xf32>, vector<16xf32>, vector<16xf32>, vector<16xf32>, vector<16xf32>, vector<16xf32>, vector<16xf32>, vector<16xf32>, vector<16xf32>, vector<16xf32>, vector<16xf32>, vector<16xf32>, vector<16xf32>, vector<16xf32>, vector<16xf32>, vector<16xf32>, vector<16xf32>)  : i32 {
          %mul3A_205 = arith.constant 16 : i32
          %mul3A_206 = arith.muli %scan3A_180, %mul3A_205 : i32
          %multiple_of3A_207 = tpu.assume_multiple %mul3A_206, 16 : i32
          %get3A_208 = arith.index_cast %multiple_of3A_207 : i32 to index
          %get3A_209 = tpu.vector_load %arg6[%get3A_208] {strides = array<i32>} : memref<1024xf32, #tpu.memory_space<vmem>>, vector<16xf32>,
          %get3A_210 = arith.index_cast %scan3A_180 : i32 to index
          %get3A_211 = arith.constant 0 : index
          %get3A_212 = tpu.vector_load %arg7[%get3A_210, %get3A_211] {strides = array<i32>} : memref<64x384xf32, #tpu.memory_space<vmem>>, vector<16xf32>,
          %mul3A_213 = arith.mulf %get3A_212, %get3A_209 : vector<16xf32>
          %add3A_214 = arith.addf %scan3A_181, %mul3A_213 : vector<16xf32>
          %get3A_215 = arith.index_cast %scan3A_180 : i32 to index
          %get3A_216 = arith.constant 16 : index
          %get3A_217 = tpu.vector_load %arg7[%get3A_215, %get3A_216] {strides = array<i32>} : memref<64x384xf32, #tpu.memory_space<vmem>>, vector<16xf32>,
          %mul3A_218 = arith.mulf %get3A_217, %get3A_209 : vector<16xf32>
          %add3A_219 = arith.addf %scan3A_182, %mul3A_218 : vector<16xf32>
          %get3A_220 = arith.index_cast %scan3A_180 : i32 to index
          %get3A_221 = arith.constant 32 : index
          %get3A_222 = tpu.vector_load %arg7[%get3A_220, %get3A_221] {strides = array<i32>} : memref<64x384xf32, #tpu.memory_space<vmem>>, vector<16xf32>,
          %mul3A_223 = arith.mulf %get3A_222, %get3A_209 : vector<16xf32>
          %add3A_224 = arith.addf %scan3A_183, %mul3A_223 : vector<16xf32>
          %get3A_225 = arith.index_cast %scan3A_180 : i32 to index
          %get3A_226 = arith.constant 48 : index
          %get3A_227 = tpu.vector_load %arg7[%get3A_225, %get3A_226] {strides = array<i32>} : memref<64x384xf32, #tpu.memory_space<vmem>>, vector<16xf32>,
          %mul3A_228 = arith.mulf %get3A_227, %get3A_209 : vector<16xf32>
          %add3A_229 = arith.addf %scan3A_184, %mul3A_228 : vector<16xf32>
          %get3A_230 = arith.index_cast %scan3A_180 : i32 to index
          %get3A_231 = arith.constant 64 : index
          %get3A_232 = tpu.vector_load %arg7[%get3A_230, %get3A_231] {strides = array<i32>} : memref<64x384xf32, #tpu.memory_space<vmem>>, vector<16xf32>,
          %mul3A_233 = arith.mulf %get3A_232, %get3A_209 : vector<16xf32>
          %add3A_234 = arith.addf %scan3A_185, %mul3A_233 : vector<16xf32>
          %get3A_235 = arith.index_cast %scan3A_180 : i32 to index
          %get3A_236 = arith.constant 80 : index
          %get3A_237 = tpu.vector_load %arg7[%get3A_235, %get3A_236] {strides = array<i32>} : memref<64x384xf32, #tpu.memory_space<vmem>>, vector<16xf32>,
          %mul3A_238 = arith.mulf %get3A_237, %get3A_209 : vector<16xf32>
          %add3A_239 = arith.addf %scan3A_186, %mul3A_238 : vector<16xf32>
          %get3A_240 = arith.index_cast %scan3A_180 : i32 to index
          %get3A_241 = arith.constant 96 : index
          %get3A_242 = tpu.vector_load %arg7[%get3A_240, %get3A_241] {strides = array<i32>} : memref<64x384xf32, #tpu.memory_space<vmem>>, vector<16xf32>,
          %mul3A_243 = arith.mulf %get3A_242, %get3A_209 : vector<16xf32>
          %add3A_244 = arith.addf %scan3A_187, %mul3A_243 : vector<16xf32>
          %get3A_245 = arith.index_cast %scan3A_180 : i32 to index
          %get3A_246 = arith.constant 112 : index
          %get3A_247 = tpu.vector_load %arg7[%get3A_245, %get3A_246] {strides = array<i32>} : memref<64x384xf32, #tpu.memory_space<vmem>>, vector<16xf32>,
          %mul3A_248 = arith.mulf %get3A_247, %get3A_209 : vector<16xf32>
          %add3A_249 = arith.addf %scan3A_188, %mul3A_248 : vector<16xf32>
          %get3A_250 = arith.index_cast %scan3A_180 : i32 to index
          %get3A_251 = arith.constant 128 : index
          %get3A_252 = tpu.vector_load %arg7[%get3A_250, %get3A_251] {strides = array<i32>} : memref<64x384xf32, #tpu.memory_space<vmem>>, vector<16xf32>,
          %mul3A_253 = arith.mulf %get3A_252, %get3A_209 : vector<16xf32>
          %add3A_254 = arith.addf %scan3A_189, %mul3A_253 : vector<16xf32>
          %get3A_255 = arith.index_cast %scan3A_180 : i32 to index
          %get3A_256 = arith.constant 144 : index
          %get3A_257 = tpu.vector_load %arg7[%get3A_255, %get3A_256] {strides = array<i32>} : memref<64x384xf32, #tpu.memory_space<vmem>>, vector<16xf32>,
          %mul3A_258 = arith.mulf %get3A_257, %get3A_209 : vector<16xf32>
          %add3A_259 = arith.addf %scan3A_190, %mul3A_258 : vector<16xf32>
          %get3A_260 = arith.index_cast %scan3A_180 : i32 to index
          %get3A_261 = arith.constant 160 : index
          %get3A_262 = tpu.vector_load %arg7[%get3A_260, %get3A_261] {strides = array<i32>} : memref<64x384xf32, #tpu.memory_space<vmem>>, vector<16xf32>,
          %mul3A_263 = arith.mulf %get3A_262, %get3A_209 : vector<16xf32>
          %add3A_264 = arith.addf %scan3A_191, %mul3A_263 : vector<16xf32>
          %get3A_265 = arith.index_cast %scan3A_180 : i32 to index
          %get3A_266 = arith.constant 176 : index
          %get3A_267 = tpu.vector_load %arg7[%get3A_265, %get3A_266] {strides = array<i32>} : memref<64x384xf32, #tpu.memory_space<vmem>>, vector<16xf32>,
          %mul3A_268 = arith.mulf %get3A_267, %get3A_209 : vector<16xf32>
          %add3A_269 = arith.addf %scan3A_192, %mul3A_268 : vector<16xf32>
          %get3A_270 = arith.index_cast %scan3A_180 : i32 to index
          %get3A_271 = arith.constant 192 : index
          %get3A_272 = tpu.vector_load %arg7[%get3A_270, %get3A_271] {strides = array<i32>} : memref<64x384xf32, #tpu.memory_space<vmem>>, vector<16xf32>,
          %mul3A_273 = arith.mulf %get3A_272, %get3A_209 : vector<16xf32>
          %add3A_274 = arith.addf %scan3A_193, %mul3A_273 : vector<16xf32>
          %get3A_275 = arith.index_cast %scan3A_180 : i32 to index
          %get3A_276 = arith.constant 208 : index
          %get3A_277 = tpu.vector_load %arg7[%get3A_275, %get3A_276] {strides = array<i32>} : memref<64x384xf32, #tpu.memory_space<vmem>>, vector<16xf32>,
          %mul3A_278 = arith.mulf %get3A_277, %get3A_209 : vector<16xf32>
          %add3A_279 = arith.addf %scan3A_194, %mul3A_278 : vector<16xf32>
          %get3A_280 = arith.index_cast %scan3A_180 : i32 to index
          %get3A_281 = arith.constant 224 : index
          %get3A_282 = tpu.vector_load %arg7[%get3A_280, %get3A_281] {strides = array<i32>} : memref<64x384xf32, #tpu.memory_space<vmem>>, vector<16xf32>,
          %mul3A_283 = arith.mulf %get3A_282, %get3A_209 : vector<16xf32>
          %add3A_284 = arith.addf %scan3A_195, %mul3A_283 : vector<16xf32>
          %get3A_285 = arith.index_cast %scan3A_180 : i32 to index
          %get3A_286 = arith.constant 240 : index
          %get3A_287 = tpu.vector_load %arg7[%get3A_285, %get3A_286] {strides = array<i32>} : memref<64x384xf32, #tpu.memory_space<vmem>>, vector<16xf32>,
          %mul3A_288 = arith.mulf %get3A_287, %get3A_209 : vector<16xf32>
          %add3A_289 = arith.addf %scan3A_196, %mul3A_288 : vector<16xf32>
          %get3A_290 = arith.index_cast %scan3A_180 : i32 to index
          %get3A_291 = arith.constant 256 : index
          %get3A_292 = tpu.vector_load %arg7[%get3A_290, %get3A_291] {strides = array<i32>} : memref<64x384xf32, #tpu.memory_space<vmem>>, vector<16xf32>,
          %mul3A_293 = arith.mulf %get3A_292, %get3A_209 : vector<16xf32>
          %add3A_294 = arith.addf %scan3A_197, %mul3A_293 : vector<16xf32>
          %get3A_295 = arith.index_cast %scan3A_180 : i32 to index
          %get3A_296 = arith.constant 272 : index
          %get3A_297 = tpu.vector_load %arg7[%get3A_295, %get3A_296] {strides = array<i32>} : memref<64x384xf32, #tpu.memory_space<vmem>>, vector<16xf32>,
          %mul3A_298 = arith.mulf %get3A_297, %get3A_209 : vector<16xf32>
          %add3A_299 = arith.addf %scan3A_198, %mul3A_298 : vector<16xf32>
          %get3A_300 = arith.index_cast %scan3A_180 : i32 to index
          %get3A_301 = arith.constant 288 : index
          %get3A_302 = tpu.vector_load %arg7[%get3A_300, %get3A_301] {strides = array<i32>} : memref<64x384xf32, #tpu.memory_space<vmem>>, vector<16xf32>,
          %mul3A_303 = arith.mulf %get3A_302, %get3A_209 : vector<16xf32>
          %add3A_304 = arith.addf %scan3A_199, %mul3A_303 : vector<16xf32>
          %get3A_305 = arith.index_cast %scan3A_180 : i32 to index
          %get3A_306 = arith.constant 304 : index
          %get3A_307 = tpu.vector_load %arg7[%get3A_305, %get3A_306] {strides = array<i32>} : memref<64x384xf32, #tpu.memory_space<vmem>>, vector<16xf32>,
          %mul3A_308 = arith.mulf %get3A_307, %get3A_209 : vector<16xf32>
          %add3A_309 = arith.addf %scan3A_200, %mul3A_308 : vector<16xf32>
          %get3A_310 = arith.index_cast %scan3A_180 : i32 to index
          %get3A_311 = arith.constant 320 : index
          %get3A_312 = tpu.vector_load %arg7[%get3A_310, %get3A_311] {strides = array<i32>} : memref<64x384xf32, #tpu.memory_space<vmem>>, vector<16xf32>,
          %mul3A_313 = arith.mulf %get3A_312, %get3A_209 : vector<16xf32>
          %add3A_314 = arith.addf %scan3A_201, %mul3A_313 : vector<16xf32>
          %get3A_315 = arith.index_cast %scan3A_180 : i32 to index
          %get3A_316 = arith.constant 336 : index
          %get3A_317 = tpu.vector_load %arg7[%get3A_315, %get3A_316] {strides = array<i32>} : memref<64x384xf32, #tpu.memory_space<vmem>>, vector<16xf32>,
          %mul3A_318 = arith.mulf %get3A_317, %get3A_209 : vector<16xf32>
          %add3A_319 = arith.addf %scan3A_202, %mul3A_318 : vector<16xf32>
          %get3A_320 = arith.index_cast %scan3A_180 : i32 to index
          %get3A_321 = arith.constant 352 : index
          %get3A_322 = tpu.vector_load %arg7[%get3A_320, %get3A_321] {strides = array<i32>} : memref<64x384xf32, #tpu.memory_space<vmem>>, vector<16xf32>,
          %mul3A_323 = arith.mulf %get3A_322, %get3A_209 : vector<16xf32>
          %add3A_324 = arith.addf %scan3A_203, %mul3A_323 : vector<16xf32>
          %get3A_325 = arith.index_cast %scan3A_180 : i32 to index
          %get3A_326 = arith.constant 368 : index
          %get3A_327 = tpu.vector_load %arg7[%get3A_325, %get3A_326] {strides = array<i32>} : memref<64x384xf32, #tpu.memory_space<vmem>>, vector<16xf32>,
          %mul3A_328 = arith.mulf %get3A_327, %get3A_209 : vector<16xf32>
          %add3A_329 = arith.addf %scan3A_204, %mul3A_328 : vector<16xf32>
          %scan3A_330 = arith.constant 1 : i32
          %scan3A_331 = arith.addi %scan3A_180, %scan3A_330 : i32
          %mul3A_332 = arith.constant 16 : i32
          %mul3A_333 = arith.muli %scan3A_331, %mul3A_332 : i32
          %multiple_of3A_334 = tpu.assume_multiple %mul3A_333, 16 : i32
          %get3A_335 = arith.index_cast %multiple_of3A_334 : i32 to index
          %get3A_336 = tpu.vector_load %arg6[%get3A_335] {strides = array<i32>} : memref<1024xf32, #tpu.memory_space<vmem>>, vector<16xf32>,
          %get3A_337 = arith.index_cast %scan3A_331 : i32 to index
          %get3A_338 = arith.constant 0 : index
          %get3A_339 = tpu.vector_load %arg7[%get3A_337, %get3A_338] {strides = array<i32>} : memref<64x384xf32, #tpu.memory_space<vmem>>, vector<16xf32>,
          %mul3A_340 = arith.mulf %get3A_339, %get3A_336 : vector<16xf32>
          %add3A_341 = arith.addf %add3A_214, %mul3A_340 : vector<16xf32>
          %get3A_342 = arith.index_cast %scan3A_331 : i32 to index
          %get3A_343 = arith.constant 16 : index
          %get3A_344 = tpu.vector_load %arg7[%get3A_342, %get3A_343] {strides = array<i32>} : memref<64x384xf32, #tpu.memory_space<vmem>>, vector<16xf32>,
          %mul3A_345 = arith.mulf %get3A_344, %get3A_336 : vector<16xf32>
          %add3A_346 = arith.addf %add3A_219, %mul3A_345 : vector<16xf32>
          %get3A_347 = arith.index_cast %scan3A_331 : i32 to index
          %get3A_348 = arith.constant 32 : index
          %get3A_349 = tpu.vector_load %arg7[%get3A_347, %get3A_348] {strides = array<i32>} : memref<64x384xf32, #tpu.memory_space<vmem>>, vector<16xf32>,
          %mul3A_350 = arith.mulf %get3A_349, %get3A_336 : vector<16xf32>
          %add3A_351 = arith.addf %add3A_224, %mul3A_350 : vector<16xf32>
          %get3A_352 = arith.index_cast %scan3A_331 : i32 to index
          %get3A_353 = arith.constant 48 : index
          %get3A_354 = tpu.vector_load %arg7[%get3A_352, %get3A_353] {strides = array<i32>} : memref<64x384xf32, #tpu.memory_space<vmem>>, vector<16xf32>,
          %mul3A_355 = arith.mulf %get3A_354, %get3A_336 : vector<16xf32>
          %add3A_356 = arith.addf %add3A_229, %mul3A_355 : vector<16xf32>
          %get3A_357 = arith.index_cast %scan3A_331 : i32 to index
          %get3A_358 = arith.constant 64 : index
          %get3A_359 = tpu.vector_load %arg7[%get3A_357, %get3A_358] {strides = array<i32>} : memref<64x384xf32, #tpu.memory_space<vmem>>, vector<16xf32>,
          %mul3A_360 = arith.mulf %get3A_359, %get3A_336 : vector<16xf32>
          %add3A_361 = arith.addf %add3A_234, %mul3A_360 : vector<16xf32>
          %get3A_362 = arith.index_cast %scan3A_331 : i32 to index
          %get3A_363 = arith.constant 80 : index
          %get3A_364 = tpu.vector_load %arg7[%get3A_362, %get3A_363] {strides = array<i32>} : memref<64x384xf32, #tpu.memory_space<vmem>>, vector<16xf32>,
          %mul3A_365 = arith.mulf %get3A_364, %get3A_336 : vector<16xf32>
          %add3A_366 = arith.addf %add3A_239, %mul3A_365 : vector<16xf32>
          %get3A_367 = arith.index_cast %scan3A_331 : i32 to index
          %get3A_368 = arith.constant 96 : index
          %get3A_369 = tpu.vector_load %arg7[%get3A_367, %get3A_368] {strides = array<i32>} : memref<64x384xf32, #tpu.memory_space<vmem>>, vector<16xf32>,
          %mul3A_370 = arith.mulf %get3A_369, %get3A_336 : vector<16xf32>
          %add3A_371 = arith.addf %add3A_244, %mul3A_370 : vector<16xf32>
          %get3A_372 = arith.index_cast %scan3A_331 : i32 to index
          %get3A_373 = arith.constant 112 : index
          %get3A_374 = tpu.vector_load %arg7[%get3A_372, %get3A_373] {strides = array<i32>} : memref<64x384xf32, #tpu.memory_space<vmem>>, vector<16xf32>,
          %mul3A_375 = arith.mulf %get3A_374, %get3A_336 : vector<16xf32>
          %add3A_376 = arith.addf %add3A_249, %mul3A_375 : vector<16xf32>
          %get3A_377 = arith.index_cast %scan3A_331 : i32 to index
          %get3A_378 = arith.constant 128 : index
          %get3A_379 = tpu.vector_load %arg7[%get3A_377, %get3A_378] {strides = array<i32>} : memref<64x384xf32, #tpu.memory_space<vmem>>, vector<16xf32>,
          %mul3A_380 = arith.mulf %get3A_379, %get3A_336 : vector<16xf32>
          %add3A_381 = arith.addf %add3A_254, %mul3A_380 : vector<16xf32>
          %get3A_382 = arith.index_cast %scan3A_331 : i32 to index
          %get3A_383 = arith.constant 144 : index
          %get3A_384 = tpu.vector_load %arg7[%get3A_382, %get3A_383] {strides = array<i32>} : memref<64x384xf32, #tpu.memory_space<vmem>>, vector<16xf32>,
          %mul3A_385 = arith.mulf %get3A_384, %get3A_336 : vector<16xf32>
          %add3A_386 = arith.addf %add3A_259, %mul3A_385 : vector<16xf32>
          %get3A_387 = arith.index_cast %scan3A_331 : i32 to index
          %get3A_388 = arith.constant 160 : index
          %get3A_389 = tpu.vector_load %arg7[%get3A_387, %get3A_388] {strides = array<i32>} : memref<64x384xf32, #tpu.memory_space<vmem>>, vector<16xf32>,
          %mul3A_390 = arith.mulf %get3A_389, %get3A_336 : vector<16xf32>
          %add3A_391 = arith.addf %add3A_264, %mul3A_390 : vector<16xf32>
          %get3A_392 = arith.index_cast %scan3A_331 : i32 to index
          %get3A_393 = arith.constant 176 : index
          %get3A_394 = tpu.vector_load %arg7[%get3A_392, %get3A_393] {strides = array<i32>} : memref<64x384xf32, #tpu.memory_space<vmem>>, vector<16xf32>,
          %mul3A_395 = arith.mulf %get3A_394, %get3A_336 : vector<16xf32>
          %add3A_396 = arith.addf %add3A_269, %mul3A_395 : vector<16xf32>
          %get3A_397 = arith.index_cast %scan3A_331 : i32 to index
          %get3A_398 = arith.constant 192 : index
          %get3A_399 = tpu.vector_load %arg7[%get3A_397, %get3A_398] {strides = array<i32>} : memref<64x384xf32, #tpu.memory_space<vmem>>, vector<16xf32>,
          %mul3A_400 = arith.mulf %get3A_399, %get3A_336 : vector<16xf32>
          %add3A_401 = arith.addf %add3A_274, %mul3A_400 : vector<16xf32>
          %get3A_402 = arith.index_cast %scan3A_331 : i32 to index
          %get3A_403 = arith.constant 208 : index
          %get3A_404 = tpu.vector_load %arg7[%get3A_402, %get3A_403] {strides = array<i32>} : memref<64x384xf32, #tpu.memory_space<vmem>>, vector<16xf32>,
          %mul3A_405 = arith.mulf %get3A_404, %get3A_336 : vector<16xf32>
          %add3A_406 = arith.addf %add3A_279, %mul3A_405 : vector<16xf32>
          %get3A_407 = arith.index_cast %scan3A_331 : i32 to index
          %get3A_408 = arith.constant 224 : index
          %get3A_409 = tpu.vector_load %arg7[%get3A_407, %get3A_408] {strides = array<i32>} : memref<64x384xf32, #tpu.memory_space<vmem>>, vector<16xf32>,
          %mul3A_410 = arith.mulf %get3A_409, %get3A_336 : vector<16xf32>
          %add3A_411 = arith.addf %add3A_284, %mul3A_410 : vector<16xf32>
          %get3A_412 = arith.index_cast %scan3A_331 : i32 to index
          %get3A_413 = arith.constant 240 : index
          %get3A_414 = tpu.vector_load %arg7[%get3A_412, %get3A_413] {strides = array<i32>} : memref<64x384xf32, #tpu.memory_space<vmem>>, vector<16xf32>,
          %mul3A_415 = arith.mulf %get3A_414, %get3A_336 : vector<16xf32>
          %add3A_416 = arith.addf %add3A_289, %mul3A_415 : vector<16xf32>
          %get3A_417 = arith.index_cast %scan3A_331 : i32 to index
          %get3A_418 = arith.constant 256 : index
          %get3A_419 = tpu.vector_load %arg7[%get3A_417, %get3A_418] {strides = array<i32>} : memref<64x384xf32, #tpu.memory_space<vmem>>, vector<16xf32>,
          %mul3A_420 = arith.mulf %get3A_419, %get3A_336 : vector<16xf32>
          %add3A_421 = arith.addf %add3A_294, %mul3A_420 : vector<16xf32>
          %get3A_422 = arith.index_cast %scan3A_331 : i32 to index
          %get3A_423 = arith.constant 272 : index
          %get3A_424 = tpu.vector_load %arg7[%get3A_422, %get3A_423] {strides = array<i32>} : memref<64x384xf32, #tpu.memory_space<vmem>>, vector<16xf32>,
          %mul3A_425 = arith.mulf %get3A_424, %get3A_336 : vector<16xf32>
          %add3A_426 = arith.addf %add3A_299, %mul3A_425 : vector<16xf32>
          %get3A_427 = arith.index_cast %scan3A_331 : i32 to index
          %get3A_428 = arith.constant 288 : index
          %get3A_429 = tpu.vector_load %arg7[%get3A_427, %get3A_428] {strides = array<i32>} : memref<64x384xf32, #tpu.memory_space<vmem>>, vector<16xf32>,
          %mul3A_430 = arith.mulf %get3A_429, %get3A_336 : vector<16xf32>
          %add3A_431 = arith.addf %add3A_304, %mul3A_430 : vector<16xf32>
          %get3A_432 = arith.index_cast %scan3A_331 : i32 to index
          %get3A_433 = arith.constant 304 : index
          %get3A_434 = tpu.vector_load %arg7[%get3A_432, %get3A_433] {strides = array<i32>} : memref<64x384xf32, #tpu.memory_space<vmem>>, vector<16xf32>,
          %mul3A_435 = arith.mulf %get3A_434, %get3A_336 : vector<16xf32>
          %add3A_436 = arith.addf %add3A_309, %mul3A_435 : vector<16xf32>
          %get3A_437 = arith.index_cast %scan3A_331 : i32 to index
          %get3A_438 = arith.constant 320 : index
          %get3A_439 = tpu.vector_load %arg7[%get3A_437, %get3A_438] {strides = array<i32>} : memref<64x384xf32, #tpu.memory_space<vmem>>, vector<16xf32>,
          %mul3A_440 = arith.mulf %get3A_439, %get3A_336 : vector<16xf32>
          %add3A_441 = arith.addf %add3A_314, %mul3A_440 : vector<16xf32>
          %get3A_442 = arith.index_cast %scan3A_331 : i32 to index
          %get3A_443 = arith.constant 336 : index
          %get3A_444 = tpu.vector_load %arg7[%get3A_442, %get3A_443] {strides = array<i32>} : memref<64x384xf32, #tpu.memory_space<vmem>>, vector<16xf32>,
          %mul3A_445 = arith.mulf %get3A_444, %get3A_336 : vector<16xf32>
          %add3A_446 = arith.addf %add3A_319, %mul3A_445 : vector<16xf32>
          %get3A_447 = arith.index_cast %scan3A_331 : i32 to index
          %get3A_448 = arith.constant 352 : index
          %get3A_449 = tpu.vector_load %arg7[%get3A_447, %get3A_448] {strides = array<i32>} : memref<64x384xf32, #tpu.memory_space<vmem>>, vector<16xf32>,
          %mul3A_450 = arith.mulf %get3A_449, %get3A_336 : vector<16xf32>
          %add3A_451 = arith.addf %add3A_324, %mul3A_450 : vector<16xf32>
          %get3A_452 = arith.index_cast %scan3A_331 : i32 to index
          %get3A_453 = arith.constant 368 : index
          %get3A_454 = tpu.vector_load %arg7[%get3A_452, %get3A_453] {strides = array<i32>} : memref<64x384xf32, #tpu.memory_space<vmem>>, vector<16xf32>,
          %mul3A_455 = arith.mulf %get3A_454, %get3A_336 : vector<16xf32>
          %add3A_456 = arith.addf %add3A_329, %mul3A_455 : vector<16xf32>
          scf.yield %add3A_341, %add3A_346, %add3A_351, %add3A_356, %add3A_361, %add3A_366, %add3A_371, %add3A_376, %add3A_381, %add3A_386, %add3A_391, %add3A_396, %add3A_401, %add3A_406, %add3A_411, %add3A_416, %add3A_421, %add3A_426, %add3A_431, %add3A_436, %add3A_441, %add3A_446, %add3A_451, %add3A_456 : vector<16xf32>, vector<16xf32>, vector<16xf32>, vector<16xf32>, vector<16xf32>, vector<16xf32>, vector<16xf32>, vector<16xf32>, vector<16xf32>, vector<16xf32>, vector<16xf32>, vector<16xf32>, vector<16xf32>, vector<16xf32>, vector<16xf32>, vector<16xf32>, vector<16xf32>, vector<16xf32>, vector<16xf32>, vector<16xf32>, vector<16xf32>, vector<16xf32>, vector<16xf32>, vector<16xf32>
        }
        %scan3A_126 = arith.constant 64 : i32
        %swap3A = arith.constant 0 : index
        %swap3A_127 = tpu.vector_load %arg9[%swap3A] {strides = array<i32>} : memref<384xf32, #tpu.memory_space<vmem>>, vector<16xf32>,
        tpu.vector_store %arg9[%swap3A], %scan3A_125#0 {strides = array<i32>} : memref<384xf32, #tpu.memory_space<vmem>>, vector<16xf32>,
        %swap3A_128 = arith.constant 16 : index
        %swap3A_129 = tpu.vector_load %arg9[%swap3A_128] {strides = array<i32>} : memref<384xf32, #tpu.memory_space<vmem>>, vector<16xf32>,
        tpu.vector_store %arg9[%swap3A_128], %scan3A_125#1 {strides = array<i32>} : memref<384xf32, #tpu.memory_space<vmem>>, vector<16xf32>,
        %swap3A_130 = arith.constant 32 : index
        %swap3A_131 = tpu.vector_load %arg9[%swap3A_130] {strides = array<i32>} : memref<384xf32, #tpu.memory_space<vmem>>, vector<16xf32>,
        tpu.vector_store %arg9[%swap3A_130], %scan3A_125#2 {strides = array<i32>} : memref<384xf32, #tpu.memory_space<vmem>>, vector<16xf32>,
        %swap3A_132 = arith.constant 48 : index
        %swap3A_133 = tpu.vector_load %arg9[%swap3A_132] {strides = array<i32>} : memref<384xf32, #tpu.memory_space<vmem>>, vector<16xf32>,
        tpu.vector_store %arg9[%swap3A_132], %scan3A_125#3 {strides = array<i32>} : memref<384xf32, #tpu.memory_space<vmem>>, vector<16xf32>,
        %swap3A_134 = arith.constant 64 : index
        %swap3A_135 = tpu.vector_load %arg9[%swap3A_134] {strides = array<i32>} : memref<384xf32, #tpu.memory_space<vmem>>, vector<16xf32>,
        tpu.vector_store %arg9[%swap3A_134], %scan3A_125#4 {strides = array<i32>} : memref<384xf32, #tpu.memory_space<vmem>>, vector<16xf32>,
        %swap3A_136 = arith.constant 80 : index
        %swap3A_137 = tpu.vector_load %arg9[%swap3A_136] {strides = array<i32>} : memref<384xf32, #tpu.memory_space<vmem>>, vector<16xf32>,
        tpu.vector_store %arg9[%swap3A_136], %scan3A_125#5 {strides = array<i32>} : memref<384xf32, #tpu.memory_space<vmem>>, vector<16xf32>,
        %swap3A_138 = arith.constant 96 : index
        %swap3A_139 = tpu.vector_load %arg9[%swap3A_138] {strides = array<i32>} : memref<384xf32, #tpu.memory_space<vmem>>, vector<16xf32>,
        tpu.vector_store %arg9[%swap3A_138], %scan3A_125#6 {strides = array<i32>} : memref<384xf32, #tpu.memory_space<vmem>>, vector<16xf32>,
        %swap3A_140 = arith.constant 112 : index
        %swap3A_141 = tpu.vector_load %arg9[%swap3A_140] {strides = array<i32>} : memref<384xf32, #tpu.memory_space<vmem>>, vector<16xf32>,
        tpu.vector_store %arg9[%swap3A_140], %scan3A_125#7 {strides = array<i32>} : memref<384xf32, #tpu.memory_space<vmem>>, vector<16xf32>,
        %swap3A_142 = arith.constant 128 : index
        %swap3A_143 = tpu.vector_load %arg9[%swap3A_142] {strides = array<i32>} : memref<384xf32, #tpu.memory_space<vmem>>, vector<16xf32>,
        tpu.vector_store %arg9[%swap3A_142], %scan3A_125#8 {strides = array<i32>} : memref<384xf32, #tpu.memory_space<vmem>>, vector<16xf32>,
        %swap3A_144 = arith.constant 144 : index
        %swap3A_145 = tpu.vector_load %arg9[%swap3A_144] {strides = array<i32>} : memref<384xf32, #tpu.memory_space<vmem>>, vector<16xf32>,
        tpu.vector_store %arg9[%swap3A_144], %scan3A_125#9 {strides = array<i32>} : memref<384xf32, #tpu.memory_space<vmem>>, vector<16xf32>,
        %swap3A_146 = arith.constant 160 : index
        %swap3A_147 = tpu.vector_load %arg9[%swap3A_146] {strides = array<i32>} : memref<384xf32, #tpu.memory_space<vmem>>, vector<16xf32>,
        tpu.vector_store %arg9[%swap3A_146], %scan3A_125#10 {strides = array<i32>} : memref<384xf32, #tpu.memory_space<vmem>>, vector<16xf32>,
        %swap3A_148 = arith.constant 176 : index
        %swap3A_149 = tpu.vector_load %arg9[%swap3A_148] {strides = array<i32>} : memref<384xf32, #tpu.memory_space<vmem>>, vector<16xf32>,
        tpu.vector_store %arg9[%swap3A_148], %scan3A_125#11 {strides = array<i32>} : memref<384xf32, #tpu.memory_space<vmem>>, vector<16xf32>,
        %swap3A_150 = arith.constant 192 : index
        %swap3A_151 = tpu.vector_load %arg9[%swap3A_150] {strides = array<i32>} : memref<384xf32, #tpu.memory_space<vmem>>, vector<16xf32>,
        tpu.vector_store %arg9[%swap3A_150], %scan3A_125#12 {strides = array<i32>} : memref<384xf32, #tpu.memory_space<vmem>>, vector<16xf32>,
        %swap3A_152 = arith.constant 208 : index
        %swap3A_153 = tpu.vector_load %arg9[%swap3A_152] {strides = array<i32>} : memref<384xf32, #tpu.memory_space<vmem>>, vector<16xf32>,
        tpu.vector_store %arg9[%swap3A_152], %scan3A_125#13 {strides = array<i32>} : memref<384xf32, #tpu.memory_space<vmem>>, vector<16xf32>,
        %swap3A_154 = arith.constant 224 : index
        %swap3A_155 = tpu.vector_load %arg9[%swap3A_154] {strides = array<i32>} : memref<384xf32, #tpu.memory_space<vmem>>, vector<16xf32>,
        tpu.vector_store %arg9[%swap3A_154], %scan3A_125#14 {strides = array<i32>} : memref<384xf32, #tpu.memory_space<vmem>>, vector<16xf32>,
        %swap3A_156 = arith.constant 240 : index
        %swap3A_157 = tpu.vector_load %arg9[%swap3A_156] {strides = array<i32>} : memref<384xf32, #tpu.memory_space<vmem>>, vector<16xf32>,
        tpu.vector_store %arg9[%swap3A_156], %scan3A_125#15 {strides = array<i32>} : memref<384xf32, #tpu.memory_space<vmem>>, vector<16xf32>,
        %swap3A_158 = arith.constant 256 : index
        %swap3A_159 = tpu.vector_load %arg9[%swap3A_158] {strides = array<i32>} : memref<384xf32, #tpu.memory_space<vmem>>, vector<16xf32>,
        tpu.vector_store %arg9[%swap3A_158], %scan3A_125#16 {strides = array<i32>} : memref<384xf32, #tpu.memory_space<vmem>>, vector<16xf32>,
        %swap3A_160 = arith.constant 272 : index
        %swap3A_161 = tpu.vector_load %arg9[%swap3A_160] {strides = array<i32>} : memref<384xf32, #tpu.memory_space<vmem>>, vector<16xf32>,
        tpu.vector_store %arg9[%swap3A_160], %scan3A_125#17 {strides = array<i32>} : memref<384xf32, #tpu.memory_space<vmem>>, vector<16xf32>,
        %swap3A_162 = arith.constant 288 : index
        %swap3A_163 = tpu.vector_load %arg9[%swap3A_162] {strides = array<i32>} : memref<384xf32, #tpu.memory_space<vmem>>, vector<16xf32>,
        tpu.vector_store %arg9[%swap3A_162], %scan3A_125#18 {strides = array<i32>} : memref<384xf32, #tpu.memory_space<vmem>>, vector<16xf32>,
        %swap3A_164 = arith.constant 304 : index
        %swap3A_165 = tpu.vector_load %arg9[%swap3A_164] {strides = array<i32>} : memref<384xf32, #tpu.memory_space<vmem>>, vector<16xf32>,
        tpu.vector_store %arg9[%swap3A_164], %scan3A_125#19 {strides = array<i32>} : memref<384xf32, #tpu.memory_space<vmem>>, vector<16xf32>,
        %swap3A_166 = arith.constant 320 : index
        %swap3A_167 = tpu.vector_load %arg9[%swap3A_166] {strides = array<i32>} : memref<384xf32, #tpu.memory_space<vmem>>, vector<16xf32>,
        tpu.vector_store %arg9[%swap3A_166], %scan3A_125#20 {strides = array<i32>} : memref<384xf32, #tpu.memory_space<vmem>>, vector<16xf32>,
        %swap3A_168 = arith.constant 336 : index
        %swap3A_169 = tpu.vector_load %arg9[%swap3A_168] {strides = array<i32>} : memref<384xf32, #tpu.memory_space<vmem>>, vector<16xf32>,
        tpu.vector_store %arg9[%swap3A_168], %scan3A_125#21 {strides = array<i32>} : memref<384xf32, #tpu.memory_space<vmem>>, vector<16xf32>,
        %swap3A_170 = arith.constant 352 : index
        %swap3A_171 = tpu.vector_load %arg9[%swap3A_170] {strides = array<i32>} : memref<384xf32, #tpu.memory_space<vmem>>, vector<16xf32>,
        tpu.vector_store %arg9[%swap3A_170], %scan3A_125#22 {strides = array<i32>} : memref<384xf32, #tpu.memory_space<vmem>>, vector<16xf32>,
        %swap3A_172 = arith.constant 368 : index
        %swap3A_173 = tpu.vector_load %arg9[%swap3A_172] {strides = array<i32>} : memref<384xf32, #tpu.memory_space<vmem>>, vector<16xf32>,
        tpu.vector_store %arg9[%swap3A_172], %scan3A_125#23 {strides = array<i32>} : memref<384xf32, #tpu.memory_space<vmem>>, vector<16xf32>,
        %mul3A_174 = arith.constant 32 : i32
        %mul3A_175 = arith.muli %add3A_47, %mul3A_174 : i32
        %add3A_176 = arith.addi %add3A, %mul3A_175 : i32
        %mul3A_177 = arith.constant 384 : i32
        %mul3A_178 = arith.muli %add3A_176, %mul3A_177 : i32
        %multiple_of3A = tpu.assume_multiple %mul3A_178, 128 : i32
        %dma_start3A = tpu.memref_slice %arg5[%multiple_of3A] : memref<614400xf32, #tpu.memory_space<hbm>> -> memref<384xf32, #tpu.memory_space<hbm>>
        %dma_start3A_179 = tpu.memref_slice %arg5[%multiple_of3A] : memref<614400xf32, #tpu.memory_space<hbm>> -> memref<384xf32, #tpu.memory_space<hbm>>
        tpu.enqueue_dma source(%arg9 : memref<384xf32, #tpu.memory_space<vmem>>) target(%dma_start3A_179 : memref<384xf32, #tpu.memory_space<hbm>>) target_semaphore(%arg13 : memref<!tpu.dma_semaphore, #tpu.memory_space<semaphore_mem>>)
      } else {
      }
      %mul3A_52 = arith.constant 2 : i32
      %mul3A_53 = arith.muli %mul3A_52, %while3A_43 : i32
      %add3A_54 = arith.constant 1 : i32
      %add3A_55 = arith.addi %mul3A_53, %add3A_54 : i32
      %lt3A_56 = arith.cmpi slt, %add3A_55, %add3A_4 : i32
      %convert_element_type3A_57 = arith.extui %lt3A_56 : i1 to i32
      %cond3A_58 = arith.constant 0 : i32
      %cond3A_59 = arith.cmpi ne, %convert_element_type3A_57, %cond3A_58 : i32
      scf.if %cond3A_59 {
        %add3A_60 = arith.constant 1 : i32
        %add3A_61 = arith.addi %add3A_55, %add3A_60 : i32
        %lt3A_62 = arith.cmpi slt, %add3A_61, %add3A_4 : i32
        %convert_element_type3A_63 = arith.extui %lt3A_62 : i1 to i32
        %cond3A_64 = arith.constant 0 : i32
        %cond3A_65 = arith.cmpi ne, %convert_element_type3A_63, %cond3A_64 : i32
        scf.if %cond3A_65 {
          %ge3A = arith.constant 1 : i32
          %ge3A_180 = arith.cmpi sge, %add3A_55, %ge3A : i32
          %convert_element_type3A_181 = arith.extui %ge3A_180 : i1 to i32
          %cond3A_182 = arith.constant 0 : i32
          %cond3A_183 = arith.cmpi ne, %convert_element_type3A_181, %cond3A_182 : i32
          scf.if %cond3A_183 {
            %dma_wait3A_198 = arith.constant 0 : i32
            %dma_wait3A_199 = tpu.memref_slice %arg5[%dma_wait3A_198] : memref<614400xf32, #tpu.memory_space<hbm>> -> memref<384xf32, #tpu.memory_space<hbm>>
            %dma_wait3A_200 = arith.constant 0 : i32
            %dma_wait3A_201 = tpu.memref_slice %arg5[%dma_wait3A_200] : memref<614400xf32, #tpu.memory_space<hbm>> -> memref<384xf32, #tpu.memory_space<hbm>>
            tpu.wait_dma2 semaphore(%arg13 : memref<!tpu.dma_semaphore, #tpu.memory_space<semaphore_mem>>) src(%arg9 : memref<384xf32, #tpu.memory_space<vmem>>) dst(%dma_wait3A_201 : memref<384xf32, #tpu.memory_space<hbm>>)
          } else {
          }
          %add3A_184 = arith.constant 1 : i32
          %add3A_185 = arith.addi %add3A_55, %add3A_184 : i32
          %mul3A_186 = arith.constant 32 : i32
          %mul3A_187 = arith.muli %add3A_185, %mul3A_186 : i32
          %add3A_188 = arith.addi %add3A, %mul3A_187 : i32
          %mul3A_189 = arith.constant 384 : i32
          %mul3A_190 = arith.muli %add3A_188, %mul3A_189 : i32
          %multiple_of3A_191 = tpu.assume_multiple %mul3A_190, 128 : i32
          %dma_start3A_192 = arith.constant 0 : i32
          %dma_start3A_193 = tpu.memref_slice %arg4[%dma_start3A_192, %multiple_of3A_191] : memref<64x1001000xf32, #tpu.memory_space<hbm>> -> memref<64x384xf32, #tpu.memory_space<hbm>>
          %dma_start3A_194 = arith.constant 0 : i32
          %dma_start3A_195 = tpu.memref_slice %arg4[%dma_start3A_194, %multiple_of3A_191] : memref<64x1001000xf32, #tpu.memory_space<hbm>> -> memref<64x384xf32, #tpu.memory_space<hbm>>
          tpu.enqueue_dma source(%dma_start3A_195 : memref<64x384xf32, #tpu.memory_space<hbm>>) target(%arg7 : memref<64x384xf32, #tpu.memory_space<vmem>>) target_semaphore(%arg11 : memref<!tpu.dma_semaphore, #tpu.memory_space<semaphore_mem>>)
          %dma_start3A_196 = tpu.memref_slice %arg3[%multiple_of3A_191] : memref<1001000xf32, #tpu.memory_space<hbm>> -> memref<384xf32, #tpu.memory_space<hbm>>
          %dma_start3A_197 = tpu.memref_slice %arg3[%multiple_of3A_191] : memref<1001000xf32, #tpu.memory_space<hbm>> -> memref<384xf32, #tpu.memory_space<hbm>>
          tpu.enqueue_dma source(%dma_start3A_197 : memref<384xf32, #tpu.memory_space<hbm>>) target(%arg9 : memref<384xf32, #tpu.memory_space<vmem>>) target_semaphore(%arg11 : memref<!tpu.dma_semaphore, #tpu.memory_space<semaphore_mem>>)
        } else {
        }
        %dma_wait3A = arith.constant 0 : i32
        %dma_wait3A_66 = arith.constant 0 : i32
        %dma_wait3A_67 = tpu.memref_slice %arg4[%dma_wait3A, %dma_wait3A_66] : memref<64x1001000xf32, #tpu.memory_space<hbm>> -> memref<64x384xf32, #tpu.memory_space<hbm>>
        %dma_wait3A_68 = arith.constant 0 : i32
        %dma_wait3A_69 = arith.constant 0 : i32
        %dma_wait3A_70 = tpu.memref_slice %arg4[%dma_wait3A_68, %dma_wait3A_69] : memref<64x1001000xf32, #tpu.memory_space<hbm>> -> memref<64x384xf32, #tpu.memory_space<hbm>>
        tpu.wait_dma2 semaphore(%arg12 : memref<!tpu.dma_semaphore, #tpu.memory_space<semaphore_mem>>) src(%dma_wait3A_70 : memref<64x384xf32, #tpu.memory_space<hbm>>) dst(%arg8 : memref<64x384xf32, #tpu.memory_space<vmem>>)
        %dma_wait3A_71 = arith.constant 0 : i32
        %dma_wait3A_72 = tpu.memref_slice %arg3[%dma_wait3A_71] : memref<1001000xf32, #tpu.memory_space<hbm>> -> memref<384xf32, #tpu.memory_space<hbm>>
        %dma_wait3A_73 = arith.constant 0 : i32
        %dma_wait3A_74 = tpu.memref_slice %arg3[%dma_wait3A_73] : memref<1001000xf32, #tpu.memory_space<hbm>> -> memref<384xf32, #tpu.memory_space<hbm>>
        tpu.wait_dma2 semaphore(%arg12 : memref<!tpu.dma_semaphore, #tpu.memory_space<semaphore_mem>>) src(%dma_wait3A_74 : memref<384xf32, #tpu.memory_space<hbm>>) dst(%arg10 : memref<384xf32, #tpu.memory_space<vmem>>)
        %get3A = arith.constant 0 : index
        %get3A_75 = tpu.vector_load %arg10[%get3A] {strides = array<i32>} : memref<384xf32, #tpu.memory_space<vmem>>, vector<16xf32>,
        %get3A_76 = arith.constant 16 : index
        %get3A_77 = tpu.vector_load %arg10[%get3A_76] {strides = array<i32>} : memref<384xf32, #tpu.memory_space<vmem>>, vector<16xf32>,
        %get3A_78 = arith.constant 32 : index
        %get3A_79 = tpu.vector_load %arg10[%get3A_78] {strides = array<i32>} : memref<384xf32, #tpu.memory_space<vmem>>, vector<16xf32>,
        %get3A_80 = arith.constant 48 : index
        %get3A_81 = tpu.vector_load %arg10[%get3A_80] {strides = array<i32>} : memref<384xf32, #tpu.memory_space<vmem>>, vector<16xf32>,
        %get3A_82 = arith.constant 64 : index
        %get3A_83 = tpu.vector_load %arg10[%get3A_82] {strides = array<i32>} : memref<384xf32, #tpu.memory_space<vmem>>, vector<16xf32>,
        %get3A_84 = arith.constant 80 : index
        %get3A_85 = tpu.vector_load %arg10[%get3A_84] {strides = array<i32>} : memref<384xf32, #tpu.memory_space<vmem>>, vector<16xf32>,
        %get3A_86 = arith.constant 96 : index
        %get3A_87 = tpu.vector_load %arg10[%get3A_86] {strides = array<i32>} : memref<384xf32, #tpu.memory_space<vmem>>, vector<16xf32>,
        %get3A_88 = arith.constant 112 : index
        %get3A_89 = tpu.vector_load %arg10[%get3A_88] {strides = array<i32>} : memref<384xf32, #tpu.memory_space<vmem>>, vector<16xf32>,
        %get3A_90 = arith.constant 128 : index
        %get3A_91 = tpu.vector_load %arg10[%get3A_90] {strides = array<i32>} : memref<384xf32, #tpu.memory_space<vmem>>, vector<16xf32>,
        %get3A_92 = arith.constant 144 : index
        %get3A_93 = tpu.vector_load %arg10[%get3A_92] {strides = array<i32>} : memref<384xf32, #tpu.memory_space<vmem>>, vector<16xf32>,
        %get3A_94 = arith.constant 160 : index
        %get3A_95 = tpu.vector_load %arg10[%get3A_94] {strides = array<i32>} : memref<384xf32, #tpu.memory_space<vmem>>, vector<16xf32>,
        %get3A_96 = arith.constant 176 : index
        %get3A_97 = tpu.vector_load %arg10[%get3A_96] {strides = array<i32>} : memref<384xf32, #tpu.memory_space<vmem>>, vector<16xf32>,
        %get3A_98 = arith.constant 192 : index
        %get3A_99 = tpu.vector_load %arg10[%get3A_98] {strides = array<i32>} : memref<384xf32, #tpu.memory_space<vmem>>, vector<16xf32>,
        %get3A_100 = arith.constant 208 : index
        %get3A_101 = tpu.vector_load %arg10[%get3A_100] {strides = array<i32>} : memref<384xf32, #tpu.memory_space<vmem>>, vector<16xf32>,
        %get3A_102 = arith.constant 224 : index
        %get3A_103 = tpu.vector_load %arg10[%get3A_102] {strides = array<i32>} : memref<384xf32, #tpu.memory_space<vmem>>, vector<16xf32>,
        %get3A_104 = arith.constant 240 : index
        %get3A_105 = tpu.vector_load %arg10[%get3A_104] {strides = array<i32>} : memref<384xf32, #tpu.memory_space<vmem>>, vector<16xf32>,
        %get3A_106 = arith.constant 256 : index
        %get3A_107 = tpu.vector_load %arg10[%get3A_106] {strides = array<i32>} : memref<384xf32, #tpu.memory_space<vmem>>, vector<16xf32>,
        %get3A_108 = arith.constant 272 : index
        %get3A_109 = tpu.vector_load %arg10[%get3A_108] {strides = array<i32>} : memref<384xf32, #tpu.memory_space<vmem>>, vector<16xf32>,
        %get3A_110 = arith.constant 288 : index
        %get3A_111 = tpu.vector_load %arg10[%get3A_110] {strides = array<i32>} : memref<384xf32, #tpu.memory_space<vmem>>, vector<16xf32>,
        %get3A_112 = arith.constant 304 : index
        %get3A_113 = tpu.vector_load %arg10[%get3A_112] {strides = array<i32>} : memref<384xf32, #tpu.memory_space<vmem>>, vector<16xf32>,
        %get3A_114 = arith.constant 320 : index
        %get3A_115 = tpu.vector_load %arg10[%get3A_114] {strides = array<i32>} : memref<384xf32, #tpu.memory_space<vmem>>, vector<16xf32>,
        %get3A_116 = arith.constant 336 : index
        %get3A_117 = tpu.vector_load %arg10[%get3A_116] {strides = array<i32>} : memref<384xf32, #tpu.memory_space<vmem>>, vector<16xf32>,
        %get3A_118 = arith.constant 352 : index
        %get3A_119 = tpu.vector_load %arg10[%get3A_118] {strides = array<i32>} : memref<384xf32, #tpu.memory_space<vmem>>, vector<16xf32>,
        %get3A_120 = arith.constant 368 : index
        %get3A_121 = tpu.vector_load %arg10[%get3A_120] {strides = array<i32>} : memref<384xf32, #tpu.memory_space<vmem>>, vector<16xf32>,
        %scan3A = arith.constant 0 : i32
        %scan3A_122 = arith.constant 64 : i32
        %scan3A_123 = arith.addi %scan3A, %scan3A_122 : i32
        %scan3A_124 = arith.constant 2 : i32
        %scan3A_125:24 = scf.for %scan3A_180 = %scan3A to %scan3A_123 step %scan3A_124 iter_args(%scan3A_181 = %get3A_75, %scan3A_182 = %get3A_77, %scan3A_183 = %get3A_79, %scan3A_184 = %get3A_81, %scan3A_185 = %get3A_83, %scan3A_186 = %get3A_85, %scan3A_187 = %get3A_87, %scan3A_188 = %get3A_89, %scan3A_189 = %get3A_91, %scan3A_190 = %get3A_93, %scan3A_191 = %get3A_95, %scan3A_192 = %get3A_97, %scan3A_193 = %get3A_99, %scan3A_194 = %get3A_101, %scan3A_195 = %get3A_103, %scan3A_196 = %get3A_105, %scan3A_197 = %get3A_107, %scan3A_198 = %get3A_109, %scan3A_199 = %get3A_111, %scan3A_200 = %get3A_113, %scan3A_201 = %get3A_115, %scan3A_202 = %get3A_117, %scan3A_203 = %get3A_119, %scan3A_204 = %get3A_121) -> (vector<16xf32>, vector<16xf32>, vector<16xf32>, vector<16xf32>, vector<16xf32>, vector<16xf32>, vector<16xf32>, vector<16xf32>, vector<16xf32>, vector<16xf32>, vector<16xf32>, vector<16xf32>, vector<16xf32>, vector<16xf32>, vector<16xf32>, vector<16xf32>, vector<16xf32>, vector<16xf32>, vector<16xf32>, vector<16xf32>, vector<16xf32>, vector<16xf32>, vector<16xf32>, vector<16xf32>)  : i32 {
          %mul3A_205 = arith.constant 16 : i32
          %mul3A_206 = arith.muli %scan3A_180, %mul3A_205 : i32
          %multiple_of3A_207 = tpu.assume_multiple %mul3A_206, 16 : i32
          %get3A_208 = arith.index_cast %multiple_of3A_207 : i32 to index
          %get3A_209 = tpu.vector_load %arg6[%get3A_208] {strides = array<i32>} : memref<1024xf32, #tpu.memory_space<vmem>>, vector<16xf32>,
          %get3A_210 = arith.index_cast %scan3A_180 : i32 to index
          %get3A_211 = arith.constant 0 : index
          %get3A_212 = tpu.vector_load %arg8[%get3A_210, %get3A_211] {strides = array<i32>} : memref<64x384xf32, #tpu.memory_space<vmem>>, vector<16xf32>,
          %mul3A_213 = arith.mulf %get3A_212, %get3A_209 : vector<16xf32>
          %add3A_214 = arith.addf %scan3A_181, %mul3A_213 : vector<16xf32>
          %get3A_215 = arith.index_cast %scan3A_180 : i32 to index
          %get3A_216 = arith.constant 16 : index
          %get3A_217 = tpu.vector_load %arg8[%get3A_215, %get3A_216] {strides = array<i32>} : memref<64x384xf32, #tpu.memory_space<vmem>>, vector<16xf32>,
          %mul3A_218 = arith.mulf %get3A_217, %get3A_209 : vector<16xf32>
          %add3A_219 = arith.addf %scan3A_182, %mul3A_218 : vector<16xf32>
          %get3A_220 = arith.index_cast %scan3A_180 : i32 to index
          %get3A_221 = arith.constant 32 : index
          %get3A_222 = tpu.vector_load %arg8[%get3A_220, %get3A_221] {strides = array<i32>} : memref<64x384xf32, #tpu.memory_space<vmem>>, vector<16xf32>,
          %mul3A_223 = arith.mulf %get3A_222, %get3A_209 : vector<16xf32>
          %add3A_224 = arith.addf %scan3A_183, %mul3A_223 : vector<16xf32>
          %get3A_225 = arith.index_cast %scan3A_180 : i32 to index
          %get3A_226 = arith.constant 48 : index
          %get3A_227 = tpu.vector_load %arg8[%get3A_225, %get3A_226] {strides = array<i32>} : memref<64x384xf32, #tpu.memory_space<vmem>>, vector<16xf32>,
          %mul3A_228 = arith.mulf %get3A_227, %get3A_209 : vector<16xf32>
          %add3A_229 = arith.addf %scan3A_184, %mul3A_228 : vector<16xf32>
          %get3A_230 = arith.index_cast %scan3A_180 : i32 to index
          %get3A_231 = arith.constant 64 : index
          %get3A_232 = tpu.vector_load %arg8[%get3A_230, %get3A_231] {strides = array<i32>} : memref<64x384xf32, #tpu.memory_space<vmem>>, vector<16xf32>,
          %mul3A_233 = arith.mulf %get3A_232, %get3A_209 : vector<16xf32>
          %add3A_234 = arith.addf %scan3A_185, %mul3A_233 : vector<16xf32>
          %get3A_235 = arith.index_cast %scan3A_180 : i32 to index
          %get3A_236 = arith.constant 80 : index
          %get3A_237 = tpu.vector_load %arg8[%get3A_235, %get3A_236] {strides = array<i32>} : memref<64x384xf32, #tpu.memory_space<vmem>>, vector<16xf32>,
          %mul3A_238 = arith.mulf %get3A_237, %get3A_209 : vector<16xf32>
          %add3A_239 = arith.addf %scan3A_186, %mul3A_238 : vector<16xf32>
          %get3A_240 = arith.index_cast %scan3A_180 : i32 to index
          %get3A_241 = arith.constant 96 : index
          %get3A_242 = tpu.vector_load %arg8[%get3A_240, %get3A_241] {strides = array<i32>} : memref<64x384xf32, #tpu.memory_space<vmem>>, vector<16xf32>,
          %mul3A_243 = arith.mulf %get3A_242, %get3A_209 : vector<16xf32>
          %add3A_244 = arith.addf %scan3A_187, %mul3A_243 : vector<16xf32>
          %get3A_245 = arith.index_cast %scan3A_180 : i32 to index
          %get3A_246 = arith.constant 112 : index
          %get3A_247 = tpu.vector_load %arg8[%get3A_245, %get3A_246] {strides = array<i32>} : memref<64x384xf32, #tpu.memory_space<vmem>>, vector<16xf32>,
          %mul3A_248 = arith.mulf %get3A_247, %get3A_209 : vector<16xf32>
          %add3A_249 = arith.addf %scan3A_188, %mul3A_248 : vector<16xf32>
          %get3A_250 = arith.index_cast %scan3A_180 : i32 to index
          %get3A_251 = arith.constant 128 : index
          %get3A_252 = tpu.vector_load %arg8[%get3A_250, %get3A_251] {strides = array<i32>} : memref<64x384xf32, #tpu.memory_space<vmem>>, vector<16xf32>,
          %mul3A_253 = arith.mulf %get3A_252, %get3A_209 : vector<16xf32>
          %add3A_254 = arith.addf %scan3A_189, %mul3A_253 : vector<16xf32>
          %get3A_255 = arith.index_cast %scan3A_180 : i32 to index
          %get3A_256 = arith.constant 144 : index
          %get3A_257 = tpu.vector_load %arg8[%get3A_255, %get3A_256] {strides = array<i32>} : memref<64x384xf32, #tpu.memory_space<vmem>>, vector<16xf32>,
          %mul3A_258 = arith.mulf %get3A_257, %get3A_209 : vector<16xf32>
          %add3A_259 = arith.addf %scan3A_190, %mul3A_258 : vector<16xf32>
          %get3A_260 = arith.index_cast %scan3A_180 : i32 to index
          %get3A_261 = arith.constant 160 : index
          %get3A_262 = tpu.vector_load %arg8[%get3A_260, %get3A_261] {strides = array<i32>} : memref<64x384xf32, #tpu.memory_space<vmem>>, vector<16xf32>,
          %mul3A_263 = arith.mulf %get3A_262, %get3A_209 : vector<16xf32>
          %add3A_264 = arith.addf %scan3A_191, %mul3A_263 : vector<16xf32>
          %get3A_265 = arith.index_cast %scan3A_180 : i32 to index
          %get3A_266 = arith.constant 176 : index
          %get3A_267 = tpu.vector_load %arg8[%get3A_265, %get3A_266] {strides = array<i32>} : memref<64x384xf32, #tpu.memory_space<vmem>>, vector<16xf32>,
          %mul3A_268 = arith.mulf %get3A_267, %get3A_209 : vector<16xf32>
          %add3A_269 = arith.addf %scan3A_192, %mul3A_268 : vector<16xf32>
          %get3A_270 = arith.index_cast %scan3A_180 : i32 to index
          %get3A_271 = arith.constant 192 : index
          %get3A_272 = tpu.vector_load %arg8[%get3A_270, %get3A_271] {strides = array<i32>} : memref<64x384xf32, #tpu.memory_space<vmem>>, vector<16xf32>,
          %mul3A_273 = arith.mulf %get3A_272, %get3A_209 : vector<16xf32>
          %add3A_274 = arith.addf %scan3A_193, %mul3A_273 : vector<16xf32>
          %get3A_275 = arith.index_cast %scan3A_180 : i32 to index
          %get3A_276 = arith.constant 208 : index
          %get3A_277 = tpu.vector_load %arg8[%get3A_275, %get3A_276] {strides = array<i32>} : memref<64x384xf32, #tpu.memory_space<vmem>>, vector<16xf32>,
          %mul3A_278 = arith.mulf %get3A_277, %get3A_209 : vector<16xf32>
          %add3A_279 = arith.addf %scan3A_194, %mul3A_278 : vector<16xf32>
          %get3A_280 = arith.index_cast %scan3A_180 : i32 to index
          %get3A_281 = arith.constant 224 : index
          %get3A_282 = tpu.vector_load %arg8[%get3A_280, %get3A_281] {strides = array<i32>} : memref<64x384xf32, #tpu.memory_space<vmem>>, vector<16xf32>,
          %mul3A_283 = arith.mulf %get3A_282, %get3A_209 : vector<16xf32>
          %add3A_284 = arith.addf %scan3A_195, %mul3A_283 : vector<16xf32>
          %get3A_285 = arith.index_cast %scan3A_180 : i32 to index
          %get3A_286 = arith.constant 240 : index
          %get3A_287 = tpu.vector_load %arg8[%get3A_285, %get3A_286] {strides = array<i32>} : memref<64x384xf32, #tpu.memory_space<vmem>>, vector<16xf32>,
          %mul3A_288 = arith.mulf %get3A_287, %get3A_209 : vector<16xf32>
          %add3A_289 = arith.addf %scan3A_196, %mul3A_288 : vector<16xf32>
          %get3A_290 = arith.index_cast %scan3A_180 : i32 to index
          %get3A_291 = arith.constant 256 : index
          %get3A_292 = tpu.vector_load %arg8[%get3A_290, %get3A_291] {strides = array<i32>} : memref<64x384xf32, #tpu.memory_space<vmem>>, vector<16xf32>,
          %mul3A_293 = arith.mulf %get3A_292, %get3A_209 : vector<16xf32>
          %add3A_294 = arith.addf %scan3A_197, %mul3A_293 : vector<16xf32>
          %get3A_295 = arith.index_cast %scan3A_180 : i32 to index
          %get3A_296 = arith.constant 272 : index
          %get3A_297 = tpu.vector_load %arg8[%get3A_295, %get3A_296] {strides = array<i32>} : memref<64x384xf32, #tpu.memory_space<vmem>>, vector<16xf32>,
          %mul3A_298 = arith.mulf %get3A_297, %get3A_209 : vector<16xf32>
          %add3A_299 = arith.addf %scan3A_198, %mul3A_298 : vector<16xf32>
          %get3A_300 = arith.index_cast %scan3A_180 : i32 to index
          %get3A_301 = arith.constant 288 : index
          %get3A_302 = tpu.vector_load %arg8[%get3A_300, %get3A_301] {strides = array<i32>} : memref<64x384xf32, #tpu.memory_space<vmem>>, vector<16xf32>,
          %mul3A_303 = arith.mulf %get3A_302, %get3A_209 : vector<16xf32>
          %add3A_304 = arith.addf %scan3A_199, %mul3A_303 : vector<16xf32>
          %get3A_305 = arith.index_cast %scan3A_180 : i32 to index
          %get3A_306 = arith.constant 304 : index
          %get3A_307 = tpu.vector_load %arg8[%get3A_305, %get3A_306] {strides = array<i32>} : memref<64x384xf32, #tpu.memory_space<vmem>>, vector<16xf32>,
          %mul3A_308 = arith.mulf %get3A_307, %get3A_209 : vector<16xf32>
          %add3A_309 = arith.addf %scan3A_200, %mul3A_308 : vector<16xf32>
          %get3A_310 = arith.index_cast %scan3A_180 : i32 to index
          %get3A_311 = arith.constant 320 : index
          %get3A_312 = tpu.vector_load %arg8[%get3A_310, %get3A_311] {strides = array<i32>} : memref<64x384xf32, #tpu.memory_space<vmem>>, vector<16xf32>,
          %mul3A_313 = arith.mulf %get3A_312, %get3A_209 : vector<16xf32>
          %add3A_314 = arith.addf %scan3A_201, %mul3A_313 : vector<16xf32>
          %get3A_315 = arith.index_cast %scan3A_180 : i32 to index
          %get3A_316 = arith.constant 336 : index
          %get3A_317 = tpu.vector_load %arg8[%get3A_315, %get3A_316] {strides = array<i32>} : memref<64x384xf32, #tpu.memory_space<vmem>>, vector<16xf32>,
          %mul3A_318 = arith.mulf %get3A_317, %get3A_209 : vector<16xf32>
          %add3A_319 = arith.addf %scan3A_202, %mul3A_318 : vector<16xf32>
          %get3A_320 = arith.index_cast %scan3A_180 : i32 to index
          %get3A_321 = arith.constant 352 : index
          %get3A_322 = tpu.vector_load %arg8[%get3A_320, %get3A_321] {strides = array<i32>} : memref<64x384xf32, #tpu.memory_space<vmem>>, vector<16xf32>,
          %mul3A_323 = arith.mulf %get3A_322, %get3A_209 : vector<16xf32>
          %add3A_324 = arith.addf %scan3A_203, %mul3A_323 : vector<16xf32>
          %get3A_325 = arith.index_cast %scan3A_180 : i32 to index
          %get3A_326 = arith.constant 368 : index
          %get3A_327 = tpu.vector_load %arg8[%get3A_325, %get3A_326] {strides = array<i32>} : memref<64x384xf32, #tpu.memory_space<vmem>>, vector<16xf32>,
          %mul3A_328 = arith.mulf %get3A_327, %get3A_209 : vector<16xf32>
          %add3A_329 = arith.addf %scan3A_204, %mul3A_328 : vector<16xf32>
          %scan3A_330 = arith.constant 1 : i32
          %scan3A_331 = arith.addi %scan3A_180, %scan3A_330 : i32
          %mul3A_332 = arith.constant 16 : i32
          %mul3A_333 = arith.muli %scan3A_331, %mul3A_332 : i32
          %multiple_of3A_334 = tpu.assume_multiple %mul3A_333, 16 : i32
          %get3A_335 = arith.index_cast %multiple_of3A_334 : i32 to index
          %get3A_336 = tpu.vector_load %arg6[%get3A_335] {strides = array<i32>} : memref<1024xf32, #tpu.memory_space<vmem>>, vector<16xf32>,
          %get3A_337 = arith.index_cast %scan3A_331 : i32 to index
          %get3A_338 = arith.constant 0 : index
          %get3A_339 = tpu.vector_load %arg8[%get3A_337, %get3A_338] {strides = array<i32>} : memref<64x384xf32, #tpu.memory_space<vmem>>, vector<16xf32>,
          %mul3A_340 = arith.mulf %get3A_339, %get3A_336 : vector<16xf32>
          %add3A_341 = arith.addf %add3A_214, %mul3A_340 : vector<16xf32>
          %get3A_342 = arith.index_cast %scan3A_331 : i32 to index
          %get3A_343 = arith.constant 16 : index
          %get3A_344 = tpu.vector_load %arg8[%get3A_342, %get3A_343] {strides = array<i32>} : memref<64x384xf32, #tpu.memory_space<vmem>>, vector<16xf32>,
          %mul3A_345 = arith.mulf %get3A_344, %get3A_336 : vector<16xf32>
          %add3A_346 = arith.addf %add3A_219, %mul3A_345 : vector<16xf32>
          %get3A_347 = arith.index_cast %scan3A_331 : i32 to index
          %get3A_348 = arith.constant 32 : index
          %get3A_349 = tpu.vector_load %arg8[%get3A_347, %get3A_348] {strides = array<i32>} : memref<64x384xf32, #tpu.memory_space<vmem>>, vector<16xf32>,
          %mul3A_350 = arith.mulf %get3A_349, %get3A_336 : vector<16xf32>
          %add3A_351 = arith.addf %add3A_224, %mul3A_350 : vector<16xf32>
          %get3A_352 = arith.index_cast %scan3A_331 : i32 to index
          %get3A_353 = arith.constant 48 : index
          %get3A_354 = tpu.vector_load %arg8[%get3A_352, %get3A_353] {strides = array<i32>} : memref<64x384xf32, #tpu.memory_space<vmem>>, vector<16xf32>,
          %mul3A_355 = arith.mulf %get3A_354, %get3A_336 : vector<16xf32>
          %add3A_356 = arith.addf %add3A_229, %mul3A_355 : vector<16xf32>
          %get3A_357 = arith.index_cast %scan3A_331 : i32 to index
          %get3A_358 = arith.constant 64 : index
          %get3A_359 = tpu.vector_load %arg8[%get3A_357, %get3A_358] {strides = array<i32>} : memref<64x384xf32, #tpu.memory_space<vmem>>, vector<16xf32>,
          %mul3A_360 = arith.mulf %get3A_359, %get3A_336 : vector<16xf32>
          %add3A_361 = arith.addf %add3A_234, %mul3A_360 : vector<16xf32>
          %get3A_362 = arith.index_cast %scan3A_331 : i32 to index
          %get3A_363 = arith.constant 80 : index
          %get3A_364 = tpu.vector_load %arg8[%get3A_362, %get3A_363] {strides = array<i32>} : memref<64x384xf32, #tpu.memory_space<vmem>>, vector<16xf32>,
          %mul3A_365 = arith.mulf %get3A_364, %get3A_336 : vector<16xf32>
          %add3A_366 = arith.addf %add3A_239, %mul3A_365 : vector<16xf32>
          %get3A_367 = arith.index_cast %scan3A_331 : i32 to index
          %get3A_368 = arith.constant 96 : index
          %get3A_369 = tpu.vector_load %arg8[%get3A_367, %get3A_368] {strides = array<i32>} : memref<64x384xf32, #tpu.memory_space<vmem>>, vector<16xf32>,
          %mul3A_370 = arith.mulf %get3A_369, %get3A_336 : vector<16xf32>
          %add3A_371 = arith.addf %add3A_244, %mul3A_370 : vector<16xf32>
          %get3A_372 = arith.index_cast %scan3A_331 : i32 to index
          %get3A_373 = arith.constant 112 : index
          %get3A_374 = tpu.vector_load %arg8[%get3A_372, %get3A_373] {strides = array<i32>} : memref<64x384xf32, #tpu.memory_space<vmem>>, vector<16xf32>,
          %mul3A_375 = arith.mulf %get3A_374, %get3A_336 : vector<16xf32>
          %add3A_376 = arith.addf %add3A_249, %mul3A_375 : vector<16xf32>
          %get3A_377 = arith.index_cast %scan3A_331 : i32 to index
          %get3A_378 = arith.constant 128 : index
          %get3A_379 = tpu.vector_load %arg8[%get3A_377, %get3A_378] {strides = array<i32>} : memref<64x384xf32, #tpu.memory_space<vmem>>, vector<16xf32>,
          %mul3A_380 = arith.mulf %get3A_379, %get3A_336 : vector<16xf32>
          %add3A_381 = arith.addf %add3A_254, %mul3A_380 : vector<16xf32>
          %get3A_382 = arith.index_cast %scan3A_331 : i32 to index
          %get3A_383 = arith.constant 144 : index
          %get3A_384 = tpu.vector_load %arg8[%get3A_382, %get3A_383] {strides = array<i32>} : memref<64x384xf32, #tpu.memory_space<vmem>>, vector<16xf32>,
          %mul3A_385 = arith.mulf %get3A_384, %get3A_336 : vector<16xf32>
          %add3A_386 = arith.addf %add3A_259, %mul3A_385 : vector<16xf32>
          %get3A_387 = arith.index_cast %scan3A_331 : i32 to index
          %get3A_388 = arith.constant 160 : index
          %get3A_389 = tpu.vector_load %arg8[%get3A_387, %get3A_388] {strides = array<i32>} : memref<64x384xf32, #tpu.memory_space<vmem>>, vector<16xf32>,
          %mul3A_390 = arith.mulf %get3A_389, %get3A_336 : vector<16xf32>
          %add3A_391 = arith.addf %add3A_264, %mul3A_390 : vector<16xf32>
          %get3A_392 = arith.index_cast %scan3A_331 : i32 to index
          %get3A_393 = arith.constant 176 : index
          %get3A_394 = tpu.vector_load %arg8[%get3A_392, %get3A_393] {strides = array<i32>} : memref<64x384xf32, #tpu.memory_space<vmem>>, vector<16xf32>,
          %mul3A_395 = arith.mulf %get3A_394, %get3A_336 : vector<16xf32>
          %add3A_396 = arith.addf %add3A_269, %mul3A_395 : vector<16xf32>
          %get3A_397 = arith.index_cast %scan3A_331 : i32 to index
          %get3A_398 = arith.constant 192 : index
          %get3A_399 = tpu.vector_load %arg8[%get3A_397, %get3A_398] {strides = array<i32>} : memref<64x384xf32, #tpu.memory_space<vmem>>, vector<16xf32>,
          %mul3A_400 = arith.mulf %get3A_399, %get3A_336 : vector<16xf32>
          %add3A_401 = arith.addf %add3A_274, %mul3A_400 : vector<16xf32>
          %get3A_402 = arith.index_cast %scan3A_331 : i32 to index
          %get3A_403 = arith.constant 208 : index
          %get3A_404 = tpu.vector_load %arg8[%get3A_402, %get3A_403] {strides = array<i32>} : memref<64x384xf32, #tpu.memory_space<vmem>>, vector<16xf32>,
          %mul3A_405 = arith.mulf %get3A_404, %get3A_336 : vector<16xf32>
          %add3A_406 = arith.addf %add3A_279, %mul3A_405 : vector<16xf32>
          %get3A_407 = arith.index_cast %scan3A_331 : i32 to index
          %get3A_408 = arith.constant 224 : index
          %get3A_409 = tpu.vector_load %arg8[%get3A_407, %get3A_408] {strides = array<i32>} : memref<64x384xf32, #tpu.memory_space<vmem>>, vector<16xf32>,
          %mul3A_410 = arith.mulf %get3A_409, %get3A_336 : vector<16xf32>
          %add3A_411 = arith.addf %add3A_284, %mul3A_410 : vector<16xf32>
          %get3A_412 = arith.index_cast %scan3A_331 : i32 to index
          %get3A_413 = arith.constant 240 : index
          %get3A_414 = tpu.vector_load %arg8[%get3A_412, %get3A_413] {strides = array<i32>} : memref<64x384xf32, #tpu.memory_space<vmem>>, vector<16xf32>,
          %mul3A_415 = arith.mulf %get3A_414, %get3A_336 : vector<16xf32>
          %add3A_416 = arith.addf %add3A_289, %mul3A_415 : vector<16xf32>
          %get3A_417 = arith.index_cast %scan3A_331 : i32 to index
          %get3A_418 = arith.constant 256 : index
          %get3A_419 = tpu.vector_load %arg8[%get3A_417, %get3A_418] {strides = array<i32>} : memref<64x384xf32, #tpu.memory_space<vmem>>, vector<16xf32>,
          %mul3A_420 = arith.mulf %get3A_419, %get3A_336 : vector<16xf32>
          %add3A_421 = arith.addf %add3A_294, %mul3A_420 : vector<16xf32>
          %get3A_422 = arith.index_cast %scan3A_331 : i32 to index
          %get3A_423 = arith.constant 272 : index
          %get3A_424 = tpu.vector_load %arg8[%get3A_422, %get3A_423] {strides = array<i32>} : memref<64x384xf32, #tpu.memory_space<vmem>>, vector<16xf32>,
          %mul3A_425 = arith.mulf %get3A_424, %get3A_336 : vector<16xf32>
          %add3A_426 = arith.addf %add3A_299, %mul3A_425 : vector<16xf32>
          %get3A_427 = arith.index_cast %scan3A_331 : i32 to index
          %get3A_428 = arith.constant 288 : index
          %get3A_429 = tpu.vector_load %arg8[%get3A_427, %get3A_428] {strides = array<i32>} : memref<64x384xf32, #tpu.memory_space<vmem>>, vector<16xf32>,
          %mul3A_430 = arith.mulf %get3A_429, %get3A_336 : vector<16xf32>
          %add3A_431 = arith.addf %add3A_304, %mul3A_430 : vector<16xf32>
          %get3A_432 = arith.index_cast %scan3A_331 : i32 to index
          %get3A_433 = arith.constant 304 : index
          %get3A_434 = tpu.vector_load %arg8[%get3A_432, %get3A_433] {strides = array<i32>} : memref<64x384xf32, #tpu.memory_space<vmem>>, vector<16xf32>,
          %mul3A_435 = arith.mulf %get3A_434, %get3A_336 : vector<16xf32>
          %add3A_436 = arith.addf %add3A_309, %mul3A_435 : vector<16xf32>
          %get3A_437 = arith.index_cast %scan3A_331 : i32 to index
          %get3A_438 = arith.constant 320 : index
          %get3A_439 = tpu.vector_load %arg8[%get3A_437, %get3A_438] {strides = array<i32>} : memref<64x384xf32, #tpu.memory_space<vmem>>, vector<16xf32>,
          %mul3A_440 = arith.mulf %get3A_439, %get3A_336 : vector<16xf32>
          %add3A_441 = arith.addf %add3A_314, %mul3A_440 : vector<16xf32>
          %get3A_442 = arith.index_cast %scan3A_331 : i32 to index
          %get3A_443 = arith.constant 336 : index
          %get3A_444 = tpu.vector_load %arg8[%get3A_442, %get3A_443] {strides = array<i32>} : memref<64x384xf32, #tpu.memory_space<vmem>>, vector<16xf32>,
          %mul3A_445 = arith.mulf %get3A_444, %get3A_336 : vector<16xf32>
          %add3A_446 = arith.addf %add3A_319, %mul3A_445 : vector<16xf32>
          %get3A_447 = arith.index_cast %scan3A_331 : i32 to index
          %get3A_448 = arith.constant 352 : index
          %get3A_449 = tpu.vector_load %arg8[%get3A_447, %get3A_448] {strides = array<i32>} : memref<64x384xf32, #tpu.memory_space<vmem>>, vector<16xf32>,
          %mul3A_450 = arith.mulf %get3A_449, %get3A_336 : vector<16xf32>
          %add3A_451 = arith.addf %add3A_324, %mul3A_450 : vector<16xf32>
          %get3A_452 = arith.index_cast %scan3A_331 : i32 to index
          %get3A_453 = arith.constant 368 : index
          %get3A_454 = tpu.vector_load %arg8[%get3A_452, %get3A_453] {strides = array<i32>} : memref<64x384xf32, #tpu.memory_space<vmem>>, vector<16xf32>,
          %mul3A_455 = arith.mulf %get3A_454, %get3A_336 : vector<16xf32>
          %add3A_456 = arith.addf %add3A_329, %mul3A_455 : vector<16xf32>
          scf.yield %add3A_341, %add3A_346, %add3A_351, %add3A_356, %add3A_361, %add3A_366, %add3A_371, %add3A_376, %add3A_381, %add3A_386, %add3A_391, %add3A_396, %add3A_401, %add3A_406, %add3A_411, %add3A_416, %add3A_421, %add3A_426, %add3A_431, %add3A_436, %add3A_441, %add3A_446, %add3A_451, %add3A_456 : vector<16xf32>, vector<16xf32>, vector<16xf32>, vector<16xf32>, vector<16xf32>, vector<16xf32>, vector<16xf32>, vector<16xf32>, vector<16xf32>, vector<16xf32>, vector<16xf32>, vector<16xf32>, vector<16xf32>, vector<16xf32>, vector<16xf32>, vector<16xf32>, vector<16xf32>, vector<16xf32>, vector<16xf32>, vector<16xf32>, vector<16xf32>, vector<16xf32>, vector<16xf32>, vector<16xf32>
        }
        %scan3A_126 = arith.constant 64 : i32
        %swap3A = arith.constant 0 : index
        %swap3A_127 = tpu.vector_load %arg10[%swap3A] {strides = array<i32>} : memref<384xf32, #tpu.memory_space<vmem>>, vector<16xf32>,
        tpu.vector_store %arg10[%swap3A], %scan3A_125#0 {strides = array<i32>} : memref<384xf32, #tpu.memory_space<vmem>>, vector<16xf32>,
        %swap3A_128 = arith.constant 16 : index
        %swap3A_129 = tpu.vector_load %arg10[%swap3A_128] {strides = array<i32>} : memref<384xf32, #tpu.memory_space<vmem>>, vector<16xf32>,
        tpu.vector_store %arg10[%swap3A_128], %scan3A_125#1 {strides = array<i32>} : memref<384xf32, #tpu.memory_space<vmem>>, vector<16xf32>,
        %swap3A_130 = arith.constant 32 : index
        %swap3A_131 = tpu.vector_load %arg10[%swap3A_130] {strides = array<i32>} : memref<384xf32, #tpu.memory_space<vmem>>, vector<16xf32>,
        tpu.vector_store %arg10[%swap3A_130], %scan3A_125#2 {strides = array<i32>} : memref<384xf32, #tpu.memory_space<vmem>>, vector<16xf32>,
        %swap3A_132 = arith.constant 48 : index
        %swap3A_133 = tpu.vector_load %arg10[%swap3A_132] {strides = array<i32>} : memref<384xf32, #tpu.memory_space<vmem>>, vector<16xf32>,
        tpu.vector_store %arg10[%swap3A_132], %scan3A_125#3 {strides = array<i32>} : memref<384xf32, #tpu.memory_space<vmem>>, vector<16xf32>,
        %swap3A_134 = arith.constant 64 : index
        %swap3A_135 = tpu.vector_load %arg10[%swap3A_134] {strides = array<i32>} : memref<384xf32, #tpu.memory_space<vmem>>, vector<16xf32>,
        tpu.vector_store %arg10[%swap3A_134], %scan3A_125#4 {strides = array<i32>} : memref<384xf32, #tpu.memory_space<vmem>>, vector<16xf32>,
        %swap3A_136 = arith.constant 80 : index
        %swap3A_137 = tpu.vector_load %arg10[%swap3A_136] {strides = array<i32>} : memref<384xf32, #tpu.memory_space<vmem>>, vector<16xf32>,
        tpu.vector_store %arg10[%swap3A_136], %scan3A_125#5 {strides = array<i32>} : memref<384xf32, #tpu.memory_space<vmem>>, vector<16xf32>,
        %swap3A_138 = arith.constant 96 : index
        %swap3A_139 = tpu.vector_load %arg10[%swap3A_138] {strides = array<i32>} : memref<384xf32, #tpu.memory_space<vmem>>, vector<16xf32>,
        tpu.vector_store %arg10[%swap3A_138], %scan3A_125#6 {strides = array<i32>} : memref<384xf32, #tpu.memory_space<vmem>>, vector<16xf32>,
        %swap3A_140 = arith.constant 112 : index
        %swap3A_141 = tpu.vector_load %arg10[%swap3A_140] {strides = array<i32>} : memref<384xf32, #tpu.memory_space<vmem>>, vector<16xf32>,
        tpu.vector_store %arg10[%swap3A_140], %scan3A_125#7 {strides = array<i32>} : memref<384xf32, #tpu.memory_space<vmem>>, vector<16xf32>,
        %swap3A_142 = arith.constant 128 : index
        %swap3A_143 = tpu.vector_load %arg10[%swap3A_142] {strides = array<i32>} : memref<384xf32, #tpu.memory_space<vmem>>, vector<16xf32>,
        tpu.vector_store %arg10[%swap3A_142], %scan3A_125#8 {strides = array<i32>} : memref<384xf32, #tpu.memory_space<vmem>>, vector<16xf32>,
        %swap3A_144 = arith.constant 144 : index
        %swap3A_145 = tpu.vector_load %arg10[%swap3A_144] {strides = array<i32>} : memref<384xf32, #tpu.memory_space<vmem>>, vector<16xf32>,
        tpu.vector_store %arg10[%swap3A_144], %scan3A_125#9 {strides = array<i32>} : memref<384xf32, #tpu.memory_space<vmem>>, vector<16xf32>,
        %swap3A_146 = arith.constant 160 : index
        %swap3A_147 = tpu.vector_load %arg10[%swap3A_146] {strides = array<i32>} : memref<384xf32, #tpu.memory_space<vmem>>, vector<16xf32>,
        tpu.vector_store %arg10[%swap3A_146], %scan3A_125#10 {strides = array<i32>} : memref<384xf32, #tpu.memory_space<vmem>>, vector<16xf32>,
        %swap3A_148 = arith.constant 176 : index
        %swap3A_149 = tpu.vector_load %arg10[%swap3A_148] {strides = array<i32>} : memref<384xf32, #tpu.memory_space<vmem>>, vector<16xf32>,
        tpu.vector_store %arg10[%swap3A_148], %scan3A_125#11 {strides = array<i32>} : memref<384xf32, #tpu.memory_space<vmem>>, vector<16xf32>,
        %swap3A_150 = arith.constant 192 : index
        %swap3A_151 = tpu.vector_load %arg10[%swap3A_150] {strides = array<i32>} : memref<384xf32, #tpu.memory_space<vmem>>, vector<16xf32>,
        tpu.vector_store %arg10[%swap3A_150], %scan3A_125#12 {strides = array<i32>} : memref<384xf32, #tpu.memory_space<vmem>>, vector<16xf32>,
        %swap3A_152 = arith.constant 208 : index
        %swap3A_153 = tpu.vector_load %arg10[%swap3A_152] {strides = array<i32>} : memref<384xf32, #tpu.memory_space<vmem>>, vector<16xf32>,
        tpu.vector_store %arg10[%swap3A_152], %scan3A_125#13 {strides = array<i32>} : memref<384xf32, #tpu.memory_space<vmem>>, vector<16xf32>,
        %swap3A_154 = arith.constant 224 : index
        %swap3A_155 = tpu.vector_load %arg10[%swap3A_154] {strides = array<i32>} : memref<384xf32, #tpu.memory_space<vmem>>, vector<16xf32>,
        tpu.vector_store %arg10[%swap3A_154], %scan3A_125#14 {strides = array<i32>} : memref<384xf32, #tpu.memory_space<vmem>>, vector<16xf32>,
        %swap3A_156 = arith.constant 240 : index
        %swap3A_157 = tpu.vector_load %arg10[%swap3A_156] {strides = array<i32>} : memref<384xf32, #tpu.memory_space<vmem>>, vector<16xf32>,
        tpu.vector_store %arg10[%swap3A_156], %scan3A_125#15 {strides = array<i32>} : memref<384xf32, #tpu.memory_space<vmem>>, vector<16xf32>,
        %swap3A_158 = arith.constant 256 : index
        %swap3A_159 = tpu.vector_load %arg10[%swap3A_158] {strides = array<i32>} : memref<384xf32, #tpu.memory_space<vmem>>, vector<16xf32>,
        tpu.vector_store %arg10[%swap3A_158], %scan3A_125#16 {strides = array<i32>} : memref<384xf32, #tpu.memory_space<vmem>>, vector<16xf32>,
        %swap3A_160 = arith.constant 272 : index
        %swap3A_161 = tpu.vector_load %arg10[%swap3A_160] {strides = array<i32>} : memref<384xf32, #tpu.memory_space<vmem>>, vector<16xf32>,
        tpu.vector_store %arg10[%swap3A_160], %scan3A_125#17 {strides = array<i32>} : memref<384xf32, #tpu.memory_space<vmem>>, vector<16xf32>,
        %swap3A_162 = arith.constant 288 : index
        %swap3A_163 = tpu.vector_load %arg10[%swap3A_162] {strides = array<i32>} : memref<384xf32, #tpu.memory_space<vmem>>, vector<16xf32>,
        tpu.vector_store %arg10[%swap3A_162], %scan3A_125#18 {strides = array<i32>} : memref<384xf32, #tpu.memory_space<vmem>>, vector<16xf32>,
        %swap3A_164 = arith.constant 304 : index
        %swap3A_165 = tpu.vector_load %arg10[%swap3A_164] {strides = array<i32>} : memref<384xf32, #tpu.memory_space<vmem>>, vector<16xf32>,
        tpu.vector_store %arg10[%swap3A_164], %scan3A_125#19 {strides = array<i32>} : memref<384xf32, #tpu.memory_space<vmem>>, vector<16xf32>,
        %swap3A_166 = arith.constant 320 : index
        %swap3A_167 = tpu.vector_load %arg10[%swap3A_166] {strides = array<i32>} : memref<384xf32, #tpu.memory_space<vmem>>, vector<16xf32>,
        tpu.vector_store %arg10[%swap3A_166], %scan3A_125#20 {strides = array<i32>} : memref<384xf32, #tpu.memory_space<vmem>>, vector<16xf32>,
        %swap3A_168 = arith.constant 336 : index
        %swap3A_169 = tpu.vector_load %arg10[%swap3A_168] {strides = array<i32>} : memref<384xf32, #tpu.memory_space<vmem>>, vector<16xf32>,
        tpu.vector_store %arg10[%swap3A_168], %scan3A_125#21 {strides = array<i32>} : memref<384xf32, #tpu.memory_space<vmem>>, vector<16xf32>,
        %swap3A_170 = arith.constant 352 : index
        %swap3A_171 = tpu.vector_load %arg10[%swap3A_170] {strides = array<i32>} : memref<384xf32, #tpu.memory_space<vmem>>, vector<16xf32>,
        tpu.vector_store %arg10[%swap3A_170], %scan3A_125#22 {strides = array<i32>} : memref<384xf32, #tpu.memory_space<vmem>>, vector<16xf32>,
        %swap3A_172 = arith.constant 368 : index
        %swap3A_173 = tpu.vector_load %arg10[%swap3A_172] {strides = array<i32>} : memref<384xf32, #tpu.memory_space<vmem>>, vector<16xf32>,
        tpu.vector_store %arg10[%swap3A_172], %scan3A_125#23 {strides = array<i32>} : memref<384xf32, #tpu.memory_space<vmem>>, vector<16xf32>,
        %mul3A_174 = arith.constant 32 : i32
        %mul3A_175 = arith.muli %add3A_55, %mul3A_174 : i32
        %add3A_176 = arith.addi %add3A, %mul3A_175 : i32
        %mul3A_177 = arith.constant 384 : i32
        %mul3A_178 = arith.muli %add3A_176, %mul3A_177 : i32
        %multiple_of3A = tpu.assume_multiple %mul3A_178, 128 : i32
        %dma_start3A = tpu.memref_slice %arg5[%multiple_of3A] : memref<614400xf32, #tpu.memory_space<hbm>> -> memref<384xf32, #tpu.memory_space<hbm>>
        %dma_start3A_179 = tpu.memref_slice %arg5[%multiple_of3A] : memref<614400xf32, #tpu.memory_space<hbm>> -> memref<384xf32, #tpu.memory_space<hbm>>
        tpu.enqueue_dma source(%arg10 : memref<384xf32, #tpu.memory_space<vmem>>) target(%dma_start3A_179 : memref<384xf32, #tpu.memory_space<hbm>>) target_semaphore(%arg14 : memref<!tpu.dma_semaphore, #tpu.memory_space<semaphore_mem>>)
      } else {
      }
    }
    %while3A_35 = arith.constant 1 : i32
    scf.for %while3A_43 = %while3A_33 to %while3A_29 step %while3A_35  : i32 {
      %mul3A_44 = arith.constant 2 : i32
      %mul3A_45 = arith.muli %mul3A_44, %while3A_43 : i32
      %add3A_46 = arith.constant 0 : i32
      %add3A_47 = arith.addi %mul3A_45, %add3A_46 : i32
      %lt3A_48 = arith.cmpi slt, %add3A_47, %add3A_4 : i32
      %convert_element_type3A_49 = arith.extui %lt3A_48 : i1 to i32
      %cond3A_50 = arith.constant 0 : i32
      %cond3A_51 = arith.cmpi ne, %convert_element_type3A_49, %cond3A_50 : i32
      scf.if %cond3A_51 {
        %add3A_60 = arith.constant 1 : i32
        %add3A_61 = arith.addi %add3A_47, %add3A_60 : i32
        %lt3A_62 = arith.cmpi slt, %add3A_61, %add3A_4 : i32
        %convert_element_type3A_63 = arith.extui %lt3A_62 : i1 to i32
        %cond3A_64 = arith.constant 0 : i32
        %cond3A_65 = arith.cmpi ne, %convert_element_type3A_63, %cond3A_64 : i32
        scf.if %cond3A_65 {
          %ge3A = arith.constant 1 : i32
          %ge3A_180 = arith.cmpi sge, %add3A_47, %ge3A : i32
          %convert_element_type3A_181 = arith.extui %ge3A_180 : i1 to i32
          %cond3A_182 = arith.constant 0 : i32
          %cond3A_183 = arith.cmpi ne, %convert_element_type3A_181, %cond3A_182 : i32
          scf.if %cond3A_183 {
            %dma_wait3A_198 = arith.constant 0 : i32
            %dma_wait3A_199 = tpu.memref_slice %arg5[%dma_wait3A_198] : memref<614400xf32, #tpu.memory_space<hbm>> -> memref<384xf32, #tpu.memory_space<hbm>>
            %dma_wait3A_200 = arith.constant 0 : i32
            %dma_wait3A_201 = tpu.memref_slice %arg5[%dma_wait3A_200] : memref<614400xf32, #tpu.memory_space<hbm>> -> memref<384xf32, #tpu.memory_space<hbm>>
            tpu.wait_dma2 semaphore(%arg14 : memref<!tpu.dma_semaphore, #tpu.memory_space<semaphore_mem>>) src(%arg10 : memref<384xf32, #tpu.memory_space<vmem>>) dst(%dma_wait3A_201 : memref<384xf32, #tpu.memory_space<hbm>>)
          } else {
          }
          %add3A_184 = arith.constant 1 : i32
          %add3A_185 = arith.addi %add3A_47, %add3A_184 : i32
          %mul3A_186 = arith.constant 32 : i32
          %mul3A_187 = arith.muli %add3A_185, %mul3A_186 : i32
          %add3A_188 = arith.addi %add3A, %mul3A_187 : i32
          %mul3A_189 = arith.constant 384 : i32
          %mul3A_190 = arith.muli %add3A_188, %mul3A_189 : i32
          %multiple_of3A_191 = tpu.assume_multiple %mul3A_190, 128 : i32
          %dma_start3A_192 = arith.constant 0 : i32
          %dma_start3A_193 = tpu.memref_slice %arg4[%dma_start3A_192, %multiple_of3A_191] : memref<64x1001000xf32, #tpu.memory_space<hbm>> -> memref<64x384xf32, #tpu.memory_space<hbm>>
          %dma_start3A_194 = arith.constant 0 : i32
          %dma_start3A_195 = tpu.memref_slice %arg4[%dma_start3A_194, %multiple_of3A_191] : memref<64x1001000xf32, #tpu.memory_space<hbm>> -> memref<64x384xf32, #tpu.memory_space<hbm>>
          tpu.enqueue_dma source(%dma_start3A_195 : memref<64x384xf32, #tpu.memory_space<hbm>>) target(%arg8 : memref<64x384xf32, #tpu.memory_space<vmem>>) target_semaphore(%arg12 : memref<!tpu.dma_semaphore, #tpu.memory_space<semaphore_mem>>)
          %dma_start3A_196 = tpu.memref_slice %arg3[%multiple_of3A_191] : memref<1001000xf32, #tpu.memory_space<hbm>> -> memref<384xf32, #tpu.memory_space<hbm>>
          %dma_start3A_197 = tpu.memref_slice %arg3[%multiple_of3A_191] : memref<1001000xf32, #tpu.memory_space<hbm>> -> memref<384xf32, #tpu.memory_space<hbm>>
          tpu.enqueue_dma source(%dma_start3A_197 : memref<384xf32, #tpu.memory_space<hbm>>) target(%arg10 : memref<384xf32, #tpu.memory_space<vmem>>) target_semaphore(%arg12 : memref<!tpu.dma_semaphore, #tpu.memory_space<semaphore_mem>>)
        } else {
        }
        %dma_wait3A = arith.constant 0 : i32
        %dma_wait3A_66 = arith.constant 0 : i32
        %dma_wait3A_67 = tpu.memref_slice %arg4[%dma_wait3A, %dma_wait3A_66] : memref<64x1001000xf32, #tpu.memory_space<hbm>> -> memref<64x384xf32, #tpu.memory_space<hbm>>
        %dma_wait3A_68 = arith.constant 0 : i32
        %dma_wait3A_69 = arith.constant 0 : i32
        %dma_wait3A_70 = tpu.memref_slice %arg4[%dma_wait3A_68, %dma_wait3A_69] : memref<64x1001000xf32, #tpu.memory_space<hbm>> -> memref<64x384xf32, #tpu.memory_space<hbm>>
        tpu.wait_dma2 semaphore(%arg11 : memref<!tpu.dma_semaphore, #tpu.memory_space<semaphore_mem>>) src(%dma_wait3A_70 : memref<64x384xf32, #tpu.memory_space<hbm>>) dst(%arg7 : memref<64x384xf32, #tpu.memory_space<vmem>>)
        %dma_wait3A_71 = arith.constant 0 : i32
        %dma_wait3A_72 = tpu.memref_slice %arg3[%dma_wait3A_71] : memref<1001000xf32, #tpu.memory_space<hbm>> -> memref<384xf32, #tpu.memory_space<hbm>>
        %dma_wait3A_73 = arith.constant 0 : i32
        %dma_wait3A_74 = tpu.memref_slice %arg3[%dma_wait3A_73] : memref<1001000xf32, #tpu.memory_space<hbm>> -> memref<384xf32, #tpu.memory_space<hbm>>
        tpu.wait_dma2 semaphore(%arg11 : memref<!tpu.dma_semaphore, #tpu.memory_space<semaphore_mem>>) src(%dma_wait3A_74 : memref<384xf32, #tpu.memory_space<hbm>>) dst(%arg9 : memref<384xf32, #tpu.memory_space<vmem>>)
        %get3A = arith.constant 0 : index
        %get3A_75 = tpu.vector_load %arg9[%get3A] {strides = array<i32>} : memref<384xf32, #tpu.memory_space<vmem>>, vector<16xf32>,
        %get3A_76 = arith.constant 16 : index
        %get3A_77 = tpu.vector_load %arg9[%get3A_76] {strides = array<i32>} : memref<384xf32, #tpu.memory_space<vmem>>, vector<16xf32>,
        %get3A_78 = arith.constant 32 : index
        %get3A_79 = tpu.vector_load %arg9[%get3A_78] {strides = array<i32>} : memref<384xf32, #tpu.memory_space<vmem>>, vector<16xf32>,
        %get3A_80 = arith.constant 48 : index
        %get3A_81 = tpu.vector_load %arg9[%get3A_80] {strides = array<i32>} : memref<384xf32, #tpu.memory_space<vmem>>, vector<16xf32>,
        %get3A_82 = arith.constant 64 : index
        %get3A_83 = tpu.vector_load %arg9[%get3A_82] {strides = array<i32>} : memref<384xf32, #tpu.memory_space<vmem>>, vector<16xf32>,
        %get3A_84 = arith.constant 80 : index
        %get3A_85 = tpu.vector_load %arg9[%get3A_84] {strides = array<i32>} : memref<384xf32, #tpu.memory_space<vmem>>, vector<16xf32>,
        %get3A_86 = arith.constant 96 : index
        %get3A_87 = tpu.vector_load %arg9[%get3A_86] {strides = array<i32>} : memref<384xf32, #tpu.memory_space<vmem>>, vector<16xf32>,
        %get3A_88 = arith.constant 112 : index
        %get3A_89 = tpu.vector_load %arg9[%get3A_88] {strides = array<i32>} : memref<384xf32, #tpu.memory_space<vmem>>, vector<16xf32>,
        %get3A_90 = arith.constant 128 : index
        %get3A_91 = tpu.vector_load %arg9[%get3A_90] {strides = array<i32>} : memref<384xf32, #tpu.memory_space<vmem>>, vector<16xf32>,
        %get3A_92 = arith.constant 144 : index
        %get3A_93 = tpu.vector_load %arg9[%get3A_92] {strides = array<i32>} : memref<384xf32, #tpu.memory_space<vmem>>, vector<16xf32>,
        %get3A_94 = arith.constant 160 : index
        %get3A_95 = tpu.vector_load %arg9[%get3A_94] {strides = array<i32>} : memref<384xf32, #tpu.memory_space<vmem>>, vector<16xf32>,
        %get3A_96 = arith.constant 176 : index
        %get3A_97 = tpu.vector_load %arg9[%get3A_96] {strides = array<i32>} : memref<384xf32, #tpu.memory_space<vmem>>, vector<16xf32>,
        %get3A_98 = arith.constant 192 : index
        %get3A_99 = tpu.vector_load %arg9[%get3A_98] {strides = array<i32>} : memref<384xf32, #tpu.memory_space<vmem>>, vector<16xf32>,
        %get3A_100 = arith.constant 208 : index
        %get3A_101 = tpu.vector_load %arg9[%get3A_100] {strides = array<i32>} : memref<384xf32, #tpu.memory_space<vmem>>, vector<16xf32>,
        %get3A_102 = arith.constant 224 : index
        %get3A_103 = tpu.vector_load %arg9[%get3A_102] {strides = array<i32>} : memref<384xf32, #tpu.memory_space<vmem>>, vector<16xf32>,
        %get3A_104 = arith.constant 240 : index
        %get3A_105 = tpu.vector_load %arg9[%get3A_104] {strides = array<i32>} : memref<384xf32, #tpu.memory_space<vmem>>, vector<16xf32>,
        %get3A_106 = arith.constant 256 : index
        %get3A_107 = tpu.vector_load %arg9[%get3A_106] {strides = array<i32>} : memref<384xf32, #tpu.memory_space<vmem>>, vector<16xf32>,
        %get3A_108 = arith.constant 272 : index
        %get3A_109 = tpu.vector_load %arg9[%get3A_108] {strides = array<i32>} : memref<384xf32, #tpu.memory_space<vmem>>, vector<16xf32>,
        %get3A_110 = arith.constant 288 : index
        %get3A_111 = tpu.vector_load %arg9[%get3A_110] {strides = array<i32>} : memref<384xf32, #tpu.memory_space<vmem>>, vector<16xf32>,
        %get3A_112 = arith.constant 304 : index
        %get3A_113 = tpu.vector_load %arg9[%get3A_112] {strides = array<i32>} : memref<384xf32, #tpu.memory_space<vmem>>, vector<16xf32>,
        %get3A_114 = arith.constant 320 : index
        %get3A_115 = tpu.vector_load %arg9[%get3A_114] {strides = array<i32>} : memref<384xf32, #tpu.memory_space<vmem>>, vector<16xf32>,
        %get3A_116 = arith.constant 336 : index
        %get3A_117 = tpu.vector_load %arg9[%get3A_116] {strides = array<i32>} : memref<384xf32, #tpu.memory_space<vmem>>, vector<16xf32>,
        %get3A_118 = arith.constant 352 : index
        %get3A_119 = tpu.vector_load %arg9[%get3A_118] {strides = array<i32>} : memref<384xf32, #tpu.memory_space<vmem>>, vector<16xf32>,
        %get3A_120 = arith.constant 368 : index
        %get3A_121 = tpu.vector_load %arg9[%get3A_120] {strides = array<i32>} : memref<384xf32, #tpu.memory_space<vmem>>, vector<16xf32>,
        %scan3A = arith.constant 0 : i32
        %scan3A_122 = arith.constant 64 : i32
        %scan3A_123 = arith.addi %scan3A, %scan3A_122 : i32
        %scan3A_124 = arith.constant 2 : i32
        %scan3A_125:24 = scf.for %scan3A_180 = %scan3A to %scan3A_123 step %scan3A_124 iter_args(%scan3A_181 = %get3A_75, %scan3A_182 = %get3A_77, %scan3A_183 = %get3A_79, %scan3A_184 = %get3A_81, %scan3A_185 = %get3A_83, %scan3A_186 = %get3A_85, %scan3A_187 = %get3A_87, %scan3A_188 = %get3A_89, %scan3A_189 = %get3A_91, %scan3A_190 = %get3A_93, %scan3A_191 = %get3A_95, %scan3A_192 = %get3A_97, %scan3A_193 = %get3A_99, %scan3A_194 = %get3A_101, %scan3A_195 = %get3A_103, %scan3A_196 = %get3A_105, %scan3A_197 = %get3A_107, %scan3A_198 = %get3A_109, %scan3A_199 = %get3A_111, %scan3A_200 = %get3A_113, %scan3A_201 = %get3A_115, %scan3A_202 = %get3A_117, %scan3A_203 = %get3A_119, %scan3A_204 = %get3A_121) -> (vector<16xf32>, vector<16xf32>, vector<16xf32>, vector<16xf32>, vector<16xf32>, vector<16xf32>, vector<16xf32>, vector<16xf32>, vector<16xf32>, vector<16xf32>, vector<16xf32>, vector<16xf32>, vector<16xf32>, vector<16xf32>, vector<16xf32>, vector<16xf32>, vector<16xf32>, vector<16xf32>, vector<16xf32>, vector<16xf32>, vector<16xf32>, vector<16xf32>, vector<16xf32>, vector<16xf32>)  : i32 {
          %mul3A_205 = arith.constant 16 : i32
          %mul3A_206 = arith.muli %scan3A_180, %mul3A_205 : i32
          %multiple_of3A_207 = tpu.assume_multiple %mul3A_206, 16 : i32
          %get3A_208 = arith.index_cast %multiple_of3A_207 : i32 to index
          %get3A_209 = tpu.vector_load %arg6[%get3A_208] {strides = array<i32>} : memref<1024xf32, #tpu.memory_space<vmem>>, vector<16xf32>,
          %get3A_210 = arith.index_cast %scan3A_180 : i32 to index
          %get3A_211 = arith.constant 0 : index
          %get3A_212 = tpu.vector_load %arg7[%get3A_210, %get3A_211] {strides = array<i32>} : memref<64x384xf32, #tpu.memory_space<vmem>>, vector<16xf32>,
          %mul3A_213 = arith.mulf %get3A_212, %get3A_209 : vector<16xf32>
          %add3A_214 = arith.addf %scan3A_181, %mul3A_213 : vector<16xf32>
          %get3A_215 = arith.index_cast %scan3A_180 : i32 to index
          %get3A_216 = arith.constant 16 : index
          %get3A_217 = tpu.vector_load %arg7[%get3A_215, %get3A_216] {strides = array<i32>} : memref<64x384xf32, #tpu.memory_space<vmem>>, vector<16xf32>,
          %mul3A_218 = arith.mulf %get3A_217, %get3A_209 : vector<16xf32>
          %add3A_219 = arith.addf %scan3A_182, %mul3A_218 : vector<16xf32>
          %get3A_220 = arith.index_cast %scan3A_180 : i32 to index
          %get3A_221 = arith.constant 32 : index
          %get3A_222 = tpu.vector_load %arg7[%get3A_220, %get3A_221] {strides = array<i32>} : memref<64x384xf32, #tpu.memory_space<vmem>>, vector<16xf32>,
          %mul3A_223 = arith.mulf %get3A_222, %get3A_209 : vector<16xf32>
          %add3A_224 = arith.addf %scan3A_183, %mul3A_223 : vector<16xf32>
          %get3A_225 = arith.index_cast %scan3A_180 : i32 to index
          %get3A_226 = arith.constant 48 : index
          %get3A_227 = tpu.vector_load %arg7[%get3A_225, %get3A_226] {strides = array<i32>} : memref<64x384xf32, #tpu.memory_space<vmem>>, vector<16xf32>,
          %mul3A_228 = arith.mulf %get3A_227, %get3A_209 : vector<16xf32>
          %add3A_229 = arith.addf %scan3A_184, %mul3A_228 : vector<16xf32>
          %get3A_230 = arith.index_cast %scan3A_180 : i32 to index
          %get3A_231 = arith.constant 64 : index
          %get3A_232 = tpu.vector_load %arg7[%get3A_230, %get3A_231] {strides = array<i32>} : memref<64x384xf32, #tpu.memory_space<vmem>>, vector<16xf32>,
          %mul3A_233 = arith.mulf %get3A_232, %get3A_209 : vector<16xf32>
          %add3A_234 = arith.addf %scan3A_185, %mul3A_233 : vector<16xf32>
          %get3A_235 = arith.index_cast %scan3A_180 : i32 to index
          %get3A_236 = arith.constant 80 : index
          %get3A_237 = tpu.vector_load %arg7[%get3A_235, %get3A_236] {strides = array<i32>} : memref<64x384xf32, #tpu.memory_space<vmem>>, vector<16xf32>,
          %mul3A_238 = arith.mulf %get3A_237, %get3A_209 : vector<16xf32>
          %add3A_239 = arith.addf %scan3A_186, %mul3A_238 : vector<16xf32>
          %get3A_240 = arith.index_cast %scan3A_180 : i32 to index
          %get3A_241 = arith.constant 96 : index
          %get3A_242 = tpu.vector_load %arg7[%get3A_240, %get3A_241] {strides = array<i32>} : memref<64x384xf32, #tpu.memory_space<vmem>>, vector<16xf32>,
          %mul3A_243 = arith.mulf %get3A_242, %get3A_209 : vector<16xf32>
          %add3A_244 = arith.addf %scan3A_187, %mul3A_243 : vector<16xf32>
          %get3A_245 = arith.index_cast %scan3A_180 : i32 to index
          %get3A_246 = arith.constant 112 : index
          %get3A_247 = tpu.vector_load %arg7[%get3A_245, %get3A_246] {strides = array<i32>} : memref<64x384xf32, #tpu.memory_space<vmem>>, vector<16xf32>,
          %mul3A_248 = arith.mulf %get3A_247, %get3A_209 : vector<16xf32>
          %add3A_249 = arith.addf %scan3A_188, %mul3A_248 : vector<16xf32>
          %get3A_250 = arith.index_cast %scan3A_180 : i32 to index
          %get3A_251 = arith.constant 128 : index
          %get3A_252 = tpu.vector_load %arg7[%get3A_250, %get3A_251] {strides = array<i32>} : memref<64x384xf32, #tpu.memory_space<vmem>>, vector<16xf32>,
          %mul3A_253 = arith.mulf %get3A_252, %get3A_209 : vector<16xf32>
          %add3A_254 = arith.addf %scan3A_189, %mul3A_253 : vector<16xf32>
          %get3A_255 = arith.index_cast %scan3A_180 : i32 to index
          %get3A_256 = arith.constant 144 : index
          %get3A_257 = tpu.vector_load %arg7[%get3A_255, %get3A_256] {strides = array<i32>} : memref<64x384xf32, #tpu.memory_space<vmem>>, vector<16xf32>,
          %mul3A_258 = arith.mulf %get3A_257, %get3A_209 : vector<16xf32>
          %add3A_259 = arith.addf %scan3A_190, %mul3A_258 : vector<16xf32>
          %get3A_260 = arith.index_cast %scan3A_180 : i32 to index
          %get3A_261 = arith.constant 160 : index
          %get3A_262 = tpu.vector_load %arg7[%get3A_260, %get3A_261] {strides = array<i32>} : memref<64x384xf32, #tpu.memory_space<vmem>>, vector<16xf32>,
          %mul3A_263 = arith.mulf %get3A_262, %get3A_209 : vector<16xf32>
          %add3A_264 = arith.addf %scan3A_191, %mul3A_263 : vector<16xf32>
          %get3A_265 = arith.index_cast %scan3A_180 : i32 to index
          %get3A_266 = arith.constant 176 : index
          %get3A_267 = tpu.vector_load %arg7[%get3A_265, %get3A_266] {strides = array<i32>} : memref<64x384xf32, #tpu.memory_space<vmem>>, vector<16xf32>,
          %mul3A_268 = arith.mulf %get3A_267, %get3A_209 : vector<16xf32>
          %add3A_269 = arith.addf %scan3A_192, %mul3A_268 : vector<16xf32>
          %get3A_270 = arith.index_cast %scan3A_180 : i32 to index
          %get3A_271 = arith.constant 192 : index
          %get3A_272 = tpu.vector_load %arg7[%get3A_270, %get3A_271] {strides = array<i32>} : memref<64x384xf32, #tpu.memory_space<vmem>>, vector<16xf32>,
          %mul3A_273 = arith.mulf %get3A_272, %get3A_209 : vector<16xf32>
          %add3A_274 = arith.addf %scan3A_193, %mul3A_273 : vector<16xf32>
          %get3A_275 = arith.index_cast %scan3A_180 : i32 to index
          %get3A_276 = arith.constant 208 : index
          %get3A_277 = tpu.vector_load %arg7[%get3A_275, %get3A_276] {strides = array<i32>} : memref<64x384xf32, #tpu.memory_space<vmem>>, vector<16xf32>,
          %mul3A_278 = arith.mulf %get3A_277, %get3A_209 : vector<16xf32>
          %add3A_279 = arith.addf %scan3A_194, %mul3A_278 : vector<16xf32>
          %get3A_280 = arith.index_cast %scan3A_180 : i32 to index
          %get3A_281 = arith.constant 224 : index
          %get3A_282 = tpu.vector_load %arg7[%get3A_280, %get3A_281] {strides = array<i32>} : memref<64x384xf32, #tpu.memory_space<vmem>>, vector<16xf32>,
          %mul3A_283 = arith.mulf %get3A_282, %get3A_209 : vector<16xf32>
          %add3A_284 = arith.addf %scan3A_195, %mul3A_283 : vector<16xf32>
          %get3A_285 = arith.index_cast %scan3A_180 : i32 to index
          %get3A_286 = arith.constant 240 : index
          %get3A_287 = tpu.vector_load %arg7[%get3A_285, %get3A_286] {strides = array<i32>} : memref<64x384xf32, #tpu.memory_space<vmem>>, vector<16xf32>,
          %mul3A_288 = arith.mulf %get3A_287, %get3A_209 : vector<16xf32>
          %add3A_289 = arith.addf %scan3A_196, %mul3A_288 : vector<16xf32>
          %get3A_290 = arith.index_cast %scan3A_180 : i32 to index
          %get3A_291 = arith.constant 256 : index
          %get3A_292 = tpu.vector_load %arg7[%get3A_290, %get3A_291] {strides = array<i32>} : memref<64x384xf32, #tpu.memory_space<vmem>>, vector<16xf32>,
          %mul3A_293 = arith.mulf %get3A_292, %get3A_209 : vector<16xf32>
          %add3A_294 = arith.addf %scan3A_197, %mul3A_293 : vector<16xf32>
          %get3A_295 = arith.index_cast %scan3A_180 : i32 to index
          %get3A_296 = arith.constant 272 : index
          %get3A_297 = tpu.vector_load %arg7[%get3A_295, %get3A_296] {strides = array<i32>} : memref<64x384xf32, #tpu.memory_space<vmem>>, vector<16xf32>,
          %mul3A_298 = arith.mulf %get3A_297, %get3A_209 : vector<16xf32>
          %add3A_299 = arith.addf %scan3A_198, %mul3A_298 : vector<16xf32>
          %get3A_300 = arith.index_cast %scan3A_180 : i32 to index
          %get3A_301 = arith.constant 288 : index
          %get3A_302 = tpu.vector_load %arg7[%get3A_300, %get3A_301] {strides = array<i32>} : memref<64x384xf32, #tpu.memory_space<vmem>>, vector<16xf32>,
          %mul3A_303 = arith.mulf %get3A_302, %get3A_209 : vector<16xf32>
          %add3A_304 = arith.addf %scan3A_199, %mul3A_303 : vector<16xf32>
          %get3A_305 = arith.index_cast %scan3A_180 : i32 to index
          %get3A_306 = arith.constant 304 : index
          %get3A_307 = tpu.vector_load %arg7[%get3A_305, %get3A_306] {strides = array<i32>} : memref<64x384xf32, #tpu.memory_space<vmem>>, vector<16xf32>,
          %mul3A_308 = arith.mulf %get3A_307, %get3A_209 : vector<16xf32>
          %add3A_309 = arith.addf %scan3A_200, %mul3A_308 : vector<16xf32>
          %get3A_310 = arith.index_cast %scan3A_180 : i32 to index
          %get3A_311 = arith.constant 320 : index
          %get3A_312 = tpu.vector_load %arg7[%get3A_310, %get3A_311] {strides = array<i32>} : memref<64x384xf32, #tpu.memory_space<vmem>>, vector<16xf32>,
          %mul3A_313 = arith.mulf %get3A_312, %get3A_209 : vector<16xf32>
          %add3A_314 = arith.addf %scan3A_201, %mul3A_313 : vector<16xf32>
          %get3A_315 = arith.index_cast %scan3A_180 : i32 to index
          %get3A_316 = arith.constant 336 : index
          %get3A_317 = tpu.vector_load %arg7[%get3A_315, %get3A_316] {strides = array<i32>} : memref<64x384xf32, #tpu.memory_space<vmem>>, vector<16xf32>,
          %mul3A_318 = arith.mulf %get3A_317, %get3A_209 : vector<16xf32>
          %add3A_319 = arith.addf %scan3A_202, %mul3A_318 : vector<16xf32>
          %get3A_320 = arith.index_cast %scan3A_180 : i32 to index
          %get3A_321 = arith.constant 352 : index
          %get3A_322 = tpu.vector_load %arg7[%get3A_320, %get3A_321] {strides = array<i32>} : memref<64x384xf32, #tpu.memory_space<vmem>>, vector<16xf32>,
          %mul3A_323 = arith.mulf %get3A_322, %get3A_209 : vector<16xf32>
          %add3A_324 = arith.addf %scan3A_203, %mul3A_323 : vector<16xf32>
          %get3A_325 = arith.index_cast %scan3A_180 : i32 to index
          %get3A_326 = arith.constant 368 : index
          %get3A_327 = tpu.vector_load %arg7[%get3A_325, %get3A_326] {strides = array<i32>} : memref<64x384xf32, #tpu.memory_space<vmem>>, vector<16xf32>,
          %mul3A_328 = arith.mulf %get3A_327, %get3A_209 : vector<16xf32>
          %add3A_329 = arith.addf %scan3A_204, %mul3A_328 : vector<16xf32>
          %scan3A_330 = arith.constant 1 : i32
          %scan3A_331 = arith.addi %scan3A_180, %scan3A_330 : i32
          %mul3A_332 = arith.constant 16 : i32
          %mul3A_333 = arith.muli %scan3A_331, %mul3A_332 : i32
          %multiple_of3A_334 = tpu.assume_multiple %mul3A_333, 16 : i32
          %get3A_335 = arith.index_cast %multiple_of3A_334 : i32 to index
          %get3A_336 = tpu.vector_load %arg6[%get3A_335] {strides = array<i32>} : memref<1024xf32, #tpu.memory_space<vmem>>, vector<16xf32>,
          %get3A_337 = arith.index_cast %scan3A_331 : i32 to index
          %get3A_338 = arith.constant 0 : index
          %get3A_339 = tpu.vector_load %arg7[%get3A_337, %get3A_338] {strides = array<i32>} : memref<64x384xf32, #tpu.memory_space<vmem>>, vector<16xf32>,
          %mul3A_340 = arith.mulf %get3A_339, %get3A_336 : vector<16xf32>
          %add3A_341 = arith.addf %add3A_214, %mul3A_340 : vector<16xf32>
          %get3A_342 = arith.index_cast %scan3A_331 : i32 to index
          %get3A_343 = arith.constant 16 : index
          %get3A_344 = tpu.vector_load %arg7[%get3A_342, %get3A_343] {strides = array<i32>} : memref<64x384xf32, #tpu.memory_space<vmem>>, vector<16xf32>,
          %mul3A_345 = arith.mulf %get3A_344, %get3A_336 : vector<16xf32>
          %add3A_346 = arith.addf %add3A_219, %mul3A_345 : vector<16xf32>
          %get3A_347 = arith.index_cast %scan3A_331 : i32 to index
          %get3A_348 = arith.constant 32 : index
          %get3A_349 = tpu.vector_load %arg7[%get3A_347, %get3A_348] {strides = array<i32>} : memref<64x384xf32, #tpu.memory_space<vmem>>, vector<16xf32>,
          %mul3A_350 = arith.mulf %get3A_349, %get3A_336 : vector<16xf32>
          %add3A_351 = arith.addf %add3A_224, %mul3A_350 : vector<16xf32>
          %get3A_352 = arith.index_cast %scan3A_331 : i32 to index
          %get3A_353 = arith.constant 48 : index
          %get3A_354 = tpu.vector_load %arg7[%get3A_352, %get3A_353] {strides = array<i32>} : memref<64x384xf32, #tpu.memory_space<vmem>>, vector<16xf32>,
          %mul3A_355 = arith.mulf %get3A_354, %get3A_336 : vector<16xf32>
          %add3A_356 = arith.addf %add3A_229, %mul3A_355 : vector<16xf32>
          %get3A_357 = arith.index_cast %scan3A_331 : i32 to index
          %get3A_358 = arith.constant 64 : index
          %get3A_359 = tpu.vector_load %arg7[%get3A_357, %get3A_358] {strides = array<i32>} : memref<64x384xf32, #tpu.memory_space<vmem>>, vector<16xf32>,
          %mul3A_360 = arith.mulf %get3A_359, %get3A_336 : vector<16xf32>
          %add3A_361 = arith.addf %add3A_234, %mul3A_360 : vector<16xf32>
          %get3A_362 = arith.index_cast %scan3A_331 : i32 to index
          %get3A_363 = arith.constant 80 : index
          %get3A_364 = tpu.vector_load %arg7[%get3A_362, %get3A_363] {strides = array<i32>} : memref<64x384xf32, #tpu.memory_space<vmem>>, vector<16xf32>,
          %mul3A_365 = arith.mulf %get3A_364, %get3A_336 : vector<16xf32>
          %add3A_366 = arith.addf %add3A_239, %mul3A_365 : vector<16xf32>
          %get3A_367 = arith.index_cast %scan3A_331 : i32 to index
          %get3A_368 = arith.constant 96 : index
          %get3A_369 = tpu.vector_load %arg7[%get3A_367, %get3A_368] {strides = array<i32>} : memref<64x384xf32, #tpu.memory_space<vmem>>, vector<16xf32>,
          %mul3A_370 = arith.mulf %get3A_369, %get3A_336 : vector<16xf32>
          %add3A_371 = arith.addf %add3A_244, %mul3A_370 : vector<16xf32>
          %get3A_372 = arith.index_cast %scan3A_331 : i32 to index
          %get3A_373 = arith.constant 112 : index
          %get3A_374 = tpu.vector_load %arg7[%get3A_372, %get3A_373] {strides = array<i32>} : memref<64x384xf32, #tpu.memory_space<vmem>>, vector<16xf32>,
          %mul3A_375 = arith.mulf %get3A_374, %get3A_336 : vector<16xf32>
          %add3A_376 = arith.addf %add3A_249, %mul3A_375 : vector<16xf32>
          %get3A_377 = arith.index_cast %scan3A_331 : i32 to index
          %get3A_378 = arith.constant 128 : index
          %get3A_379 = tpu.vector_load %arg7[%get3A_377, %get3A_378] {strides = array<i32>} : memref<64x384xf32, #tpu.memory_space<vmem>>, vector<16xf32>,
          %mul3A_380 = arith.mulf %get3A_379, %get3A_336 : vector<16xf32>
          %add3A_381 = arith.addf %add3A_254, %mul3A_380 : vector<16xf32>
          %get3A_382 = arith.index_cast %scan3A_331 : i32 to index
          %get3A_383 = arith.constant 144 : index
          %get3A_384 = tpu.vector_load %arg7[%get3A_382, %get3A_383] {strides = array<i32>} : memref<64x384xf32, #tpu.memory_space<vmem>>, vector<16xf32>,
          %mul3A_385 = arith.mulf %get3A_384, %get3A_336 : vector<16xf32>
          %add3A_386 = arith.addf %add3A_259, %mul3A_385 : vector<16xf32>
          %get3A_387 = arith.index_cast %scan3A_331 : i32 to index
          %get3A_388 = arith.constant 160 : index
          %get3A_389 = tpu.vector_load %arg7[%get3A_387, %get3A_388] {strides = array<i32>} : memref<64x384xf32, #tpu.memory_space<vmem>>, vector<16xf32>,
          %mul3A_390 = arith.mulf %get3A_389, %get3A_336 : vector<16xf32>
          %add3A_391 = arith.addf %add3A_264, %mul3A_390 : vector<16xf32>
          %get3A_392 = arith.index_cast %scan3A_331 : i32 to index
          %get3A_393 = arith.constant 176 : index
          %get3A_394 = tpu.vector_load %arg7[%get3A_392, %get3A_393] {strides = array<i32>} : memref<64x384xf32, #tpu.memory_space<vmem>>, vector<16xf32>,
          %mul3A_395 = arith.mulf %get3A_394, %get3A_336 : vector<16xf32>
          %add3A_396 = arith.addf %add3A_269, %mul3A_395 : vector<16xf32>
          %get3A_397 = arith.index_cast %scan3A_331 : i32 to index
          %get3A_398 = arith.constant 192 : index
          %get3A_399 = tpu.vector_load %arg7[%get3A_397, %get3A_398] {strides = array<i32>} : memref<64x384xf32, #tpu.memory_space<vmem>>, vector<16xf32>,
          %mul3A_400 = arith.mulf %get3A_399, %get3A_336 : vector<16xf32>
          %add3A_401 = arith.addf %add3A_274, %mul3A_400 : vector<16xf32>
          %get3A_402 = arith.index_cast %scan3A_331 : i32 to index
          %get3A_403 = arith.constant 208 : index
          %get3A_404 = tpu.vector_load %arg7[%get3A_402, %get3A_403] {strides = array<i32>} : memref<64x384xf32, #tpu.memory_space<vmem>>, vector<16xf32>,
          %mul3A_405 = arith.mulf %get3A_404, %get3A_336 : vector<16xf32>
          %add3A_406 = arith.addf %add3A_279, %mul3A_405 : vector<16xf32>
          %get3A_407 = arith.index_cast %scan3A_331 : i32 to index
          %get3A_408 = arith.constant 224 : index
          %get3A_409 = tpu.vector_load %arg7[%get3A_407, %get3A_408] {strides = array<i32>} : memref<64x384xf32, #tpu.memory_space<vmem>>, vector<16xf32>,
          %mul3A_410 = arith.mulf %get3A_409, %get3A_336 : vector<16xf32>
          %add3A_411 = arith.addf %add3A_284, %mul3A_410 : vector<16xf32>
          %get3A_412 = arith.index_cast %scan3A_331 : i32 to index
          %get3A_413 = arith.constant 240 : index
          %get3A_414 = tpu.vector_load %arg7[%get3A_412, %get3A_413] {strides = array<i32>} : memref<64x384xf32, #tpu.memory_space<vmem>>, vector<16xf32>,
          %mul3A_415 = arith.mulf %get3A_414, %get3A_336 : vector<16xf32>
          %add3A_416 = arith.addf %add3A_289, %mul3A_415 : vector<16xf32>
          %get3A_417 = arith.index_cast %scan3A_331 : i32 to index
          %get3A_418 = arith.constant 256 : index
          %get3A_419 = tpu.vector_load %arg7[%get3A_417, %get3A_418] {strides = array<i32>} : memref<64x384xf32, #tpu.memory_space<vmem>>, vector<16xf32>,
          %mul3A_420 = arith.mulf %get3A_419, %get3A_336 : vector<16xf32>
          %add3A_421 = arith.addf %add3A_294, %mul3A_420 : vector<16xf32>
          %get3A_422 = arith.index_cast %scan3A_331 : i32 to index
          %get3A_423 = arith.constant 272 : index
          %get3A_424 = tpu.vector_load %arg7[%get3A_422, %get3A_423] {strides = array<i32>} : memref<64x384xf32, #tpu.memory_space<vmem>>, vector<16xf32>,
          %mul3A_425 = arith.mulf %get3A_424, %get3A_336 : vector<16xf32>
          %add3A_426 = arith.addf %add3A_299, %mul3A_425 : vector<16xf32>
          %get3A_427 = arith.index_cast %scan3A_331 : i32 to index
          %get3A_428 = arith.constant 288 : index
          %get3A_429 = tpu.vector_load %arg7[%get3A_427, %get3A_428] {strides = array<i32>} : memref<64x384xf32, #tpu.memory_space<vmem>>, vector<16xf32>,
          %mul3A_430 = arith.mulf %get3A_429, %get3A_336 : vector<16xf32>
          %add3A_431 = arith.addf %add3A_304, %mul3A_430 : vector<16xf32>
          %get3A_432 = arith.index_cast %scan3A_331 : i32 to index
          %get3A_433 = arith.constant 304 : index
          %get3A_434 = tpu.vector_load %arg7[%get3A_432, %get3A_433] {strides = array<i32>} : memref<64x384xf32, #tpu.memory_space<vmem>>, vector<16xf32>,
          %mul3A_435 = arith.mulf %get3A_434, %get3A_336 : vector<16xf32>
          %add3A_436 = arith.addf %add3A_309, %mul3A_435 : vector<16xf32>
          %get3A_437 = arith.index_cast %scan3A_331 : i32 to index
          %get3A_438 = arith.constant 320 : index
          %get3A_439 = tpu.vector_load %arg7[%get3A_437, %get3A_438] {strides = array<i32>} : memref<64x384xf32, #tpu.memory_space<vmem>>, vector<16xf32>,
          %mul3A_440 = arith.mulf %get3A_439, %get3A_336 : vector<16xf32>
          %add3A_441 = arith.addf %add3A_314, %mul3A_440 : vector<16xf32>
          %get3A_442 = arith.index_cast %scan3A_331 : i32 to index
          %get3A_443 = arith.constant 336 : index
          %get3A_444 = tpu.vector_load %arg7[%get3A_442, %get3A_443] {strides = array<i32>} : memref<64x384xf32, #tpu.memory_space<vmem>>, vector<16xf32>,
          %mul3A_445 = arith.mulf %get3A_444, %get3A_336 : vector<16xf32>
          %add3A_446 = arith.addf %add3A_319, %mul3A_445 : vector<16xf32>
          %get3A_447 = arith.index_cast %scan3A_331 : i32 to index
          %get3A_448 = arith.constant 352 : index
          %get3A_449 = tpu.vector_load %arg7[%get3A_447, %get3A_448] {strides = array<i32>} : memref<64x384xf32, #tpu.memory_space<vmem>>, vector<16xf32>,
          %mul3A_450 = arith.mulf %get3A_449, %get3A_336 : vector<16xf32>
          %add3A_451 = arith.addf %add3A_324, %mul3A_450 : vector<16xf32>
          %get3A_452 = arith.index_cast %scan3A_331 : i32 to index
          %get3A_453 = arith.constant 368 : index
          %get3A_454 = tpu.vector_load %arg7[%get3A_452, %get3A_453] {strides = array<i32>} : memref<64x384xf32, #tpu.memory_space<vmem>>, vector<16xf32>,
          %mul3A_455 = arith.mulf %get3A_454, %get3A_336 : vector<16xf32>
          %add3A_456 = arith.addf %add3A_329, %mul3A_455 : vector<16xf32>
          scf.yield %add3A_341, %add3A_346, %add3A_351, %add3A_356, %add3A_361, %add3A_366, %add3A_371, %add3A_376, %add3A_381, %add3A_386, %add3A_391, %add3A_396, %add3A_401, %add3A_406, %add3A_411, %add3A_416, %add3A_421, %add3A_426, %add3A_431, %add3A_436, %add3A_441, %add3A_446, %add3A_451, %add3A_456 : vector<16xf32>, vector<16xf32>, vector<16xf32>, vector<16xf32>, vector<16xf32>, vector<16xf32>, vector<16xf32>, vector<16xf32>, vector<16xf32>, vector<16xf32>, vector<16xf32>, vector<16xf32>, vector<16xf32>, vector<16xf32>, vector<16xf32>, vector<16xf32>, vector<16xf32>, vector<16xf32>, vector<16xf32>, vector<16xf32>, vector<16xf32>, vector<16xf32>, vector<16xf32>, vector<16xf32>
        }
        %scan3A_126 = arith.constant 64 : i32
        %swap3A = arith.constant 0 : index
        %swap3A_127 = tpu.vector_load %arg9[%swap3A] {strides = array<i32>} : memref<384xf32, #tpu.memory_space<vmem>>, vector<16xf32>,
        tpu.vector_store %arg9[%swap3A], %scan3A_125#0 {strides = array<i32>} : memref<384xf32, #tpu.memory_space<vmem>>, vector<16xf32>,
        %swap3A_128 = arith.constant 16 : index
        %swap3A_129 = tpu.vector_load %arg9[%swap3A_128] {strides = array<i32>} : memref<384xf32, #tpu.memory_space<vmem>>, vector<16xf32>,
        tpu.vector_store %arg9[%swap3A_128], %scan3A_125#1 {strides = array<i32>} : memref<384xf32, #tpu.memory_space<vmem>>, vector<16xf32>,
        %swap3A_130 = arith.constant 32 : index
        %swap3A_131 = tpu.vector_load %arg9[%swap3A_130] {strides = array<i32>} : memref<384xf32, #tpu.memory_space<vmem>>, vector<16xf32>,
        tpu.vector_store %arg9[%swap3A_130], %scan3A_125#2 {strides = array<i32>} : memref<384xf32, #tpu.memory_space<vmem>>, vector<16xf32>,
        %swap3A_132 = arith.constant 48 : index
        %swap3A_133 = tpu.vector_load %arg9[%swap3A_132] {strides = array<i32>} : memref<384xf32, #tpu.memory_space<vmem>>, vector<16xf32>,
        tpu.vector_store %arg9[%swap3A_132], %scan3A_125#3 {strides = array<i32>} : memref<384xf32, #tpu.memory_space<vmem>>, vector<16xf32>,
        %swap3A_134 = arith.constant 64 : index
        %swap3A_135 = tpu.vector_load %arg9[%swap3A_134] {strides = array<i32>} : memref<384xf32, #tpu.memory_space<vmem>>, vector<16xf32>,
        tpu.vector_store %arg9[%swap3A_134], %scan3A_125#4 {strides = array<i32>} : memref<384xf32, #tpu.memory_space<vmem>>, vector<16xf32>,
        %swap3A_136 = arith.constant 80 : index
        %swap3A_137 = tpu.vector_load %arg9[%swap3A_136] {strides = array<i32>} : memref<384xf32, #tpu.memory_space<vmem>>, vector<16xf32>,
        tpu.vector_store %arg9[%swap3A_136], %scan3A_125#5 {strides = array<i32>} : memref<384xf32, #tpu.memory_space<vmem>>, vector<16xf32>,
        %swap3A_138 = arith.constant 96 : index
        %swap3A_139 = tpu.vector_load %arg9[%swap3A_138] {strides = array<i32>} : memref<384xf32, #tpu.memory_space<vmem>>, vector<16xf32>,
        tpu.vector_store %arg9[%swap3A_138], %scan3A_125#6 {strides = array<i32>} : memref<384xf32, #tpu.memory_space<vmem>>, vector<16xf32>,
        %swap3A_140 = arith.constant 112 : index
        %swap3A_141 = tpu.vector_load %arg9[%swap3A_140] {strides = array<i32>} : memref<384xf32, #tpu.memory_space<vmem>>, vector<16xf32>,
        tpu.vector_store %arg9[%swap3A_140], %scan3A_125#7 {strides = array<i32>} : memref<384xf32, #tpu.memory_space<vmem>>, vector<16xf32>,
        %swap3A_142 = arith.constant 128 : index
        %swap3A_143 = tpu.vector_load %arg9[%swap3A_142] {strides = array<i32>} : memref<384xf32, #tpu.memory_space<vmem>>, vector<16xf32>,
        tpu.vector_store %arg9[%swap3A_142], %scan3A_125#8 {strides = array<i32>} : memref<384xf32, #tpu.memory_space<vmem>>, vector<16xf32>,
        %swap3A_144 = arith.constant 144 : index
        %swap3A_145 = tpu.vector_load %arg9[%swap3A_144] {strides = array<i32>} : memref<384xf32, #tpu.memory_space<vmem>>, vector<16xf32>,
        tpu.vector_store %arg9[%swap3A_144], %scan3A_125#9 {strides = array<i32>} : memref<384xf32, #tpu.memory_space<vmem>>, vector<16xf32>,
        %swap3A_146 = arith.constant 160 : index
        %swap3A_147 = tpu.vector_load %arg9[%swap3A_146] {strides = array<i32>} : memref<384xf32, #tpu.memory_space<vmem>>, vector<16xf32>,
        tpu.vector_store %arg9[%swap3A_146], %scan3A_125#10 {strides = array<i32>} : memref<384xf32, #tpu.memory_space<vmem>>, vector<16xf32>,
        %swap3A_148 = arith.constant 176 : index
        %swap3A_149 = tpu.vector_load %arg9[%swap3A_148] {strides = array<i32>} : memref<384xf32, #tpu.memory_space<vmem>>, vector<16xf32>,
        tpu.vector_store %arg9[%swap3A_148], %scan3A_125#11 {strides = array<i32>} : memref<384xf32, #tpu.memory_space<vmem>>, vector<16xf32>,
        %swap3A_150 = arith.constant 192 : index
        %swap3A_151 = tpu.vector_load %arg9[%swap3A_150] {strides = array<i32>} : memref<384xf32, #tpu.memory_space<vmem>>, vector<16xf32>,
        tpu.vector_store %arg9[%swap3A_150], %scan3A_125#12 {strides = array<i32>} : memref<384xf32, #tpu.memory_space<vmem>>, vector<16xf32>,
        %swap3A_152 = arith.constant 208 : index
        %swap3A_153 = tpu.vector_load %arg9[%swap3A_152] {strides = array<i32>} : memref<384xf32, #tpu.memory_space<vmem>>, vector<16xf32>,
        tpu.vector_store %arg9[%swap3A_152], %scan3A_125#13 {strides = array<i32>} : memref<384xf32, #tpu.memory_space<vmem>>, vector<16xf32>,
        %swap3A_154 = arith.constant 224 : index
        %swap3A_155 = tpu.vector_load %arg9[%swap3A_154] {strides = array<i32>} : memref<384xf32, #tpu.memory_space<vmem>>, vector<16xf32>,
        tpu.vector_store %arg9[%swap3A_154], %scan3A_125#14 {strides = array<i32>} : memref<384xf32, #tpu.memory_space<vmem>>, vector<16xf32>,
        %swap3A_156 = arith.constant 240 : index
        %swap3A_157 = tpu.vector_load %arg9[%swap3A_156] {strides = array<i32>} : memref<384xf32, #tpu.memory_space<vmem>>, vector<16xf32>,
        tpu.vector_store %arg9[%swap3A_156], %scan3A_125#15 {strides = array<i32>} : memref<384xf32, #tpu.memory_space<vmem>>, vector<16xf32>,
        %swap3A_158 = arith.constant 256 : index
        %swap3A_159 = tpu.vector_load %arg9[%swap3A_158] {strides = array<i32>} : memref<384xf32, #tpu.memory_space<vmem>>, vector<16xf32>,
        tpu.vector_store %arg9[%swap3A_158], %scan3A_125#16 {strides = array<i32>} : memref<384xf32, #tpu.memory_space<vmem>>, vector<16xf32>,
        %swap3A_160 = arith.constant 272 : index
        %swap3A_161 = tpu.vector_load %arg9[%swap3A_160] {strides = array<i32>} : memref<384xf32, #tpu.memory_space<vmem>>, vector<16xf32>,
        tpu.vector_store %arg9[%swap3A_160], %scan3A_125#17 {strides = array<i32>} : memref<384xf32, #tpu.memory_space<vmem>>, vector<16xf32>,
        %swap3A_162 = arith.constant 288 : index
        %swap3A_163 = tpu.vector_load %arg9[%swap3A_162] {strides = array<i32>} : memref<384xf32, #tpu.memory_space<vmem>>, vector<16xf32>,
        tpu.vector_store %arg9[%swap3A_162], %scan3A_125#18 {strides = array<i32>} : memref<384xf32, #tpu.memory_space<vmem>>, vector<16xf32>,
        %swap3A_164 = arith.constant 304 : index
        %swap3A_165 = tpu.vector_load %arg9[%swap3A_164] {strides = array<i32>} : memref<384xf32, #tpu.memory_space<vmem>>, vector<16xf32>,
        tpu.vector_store %arg9[%swap3A_164], %scan3A_125#19 {strides = array<i32>} : memref<384xf32, #tpu.memory_space<vmem>>, vector<16xf32>,
        %swap3A_166 = arith.constant 320 : index
        %swap3A_167 = tpu.vector_load %arg9[%swap3A_166] {strides = array<i32>} : memref<384xf32, #tpu.memory_space<vmem>>, vector<16xf32>,
        tpu.vector_store %arg9[%swap3A_166], %scan3A_125#20 {strides = array<i32>} : memref<384xf32, #tpu.memory_space<vmem>>, vector<16xf32>,
        %swap3A_168 = arith.constant 336 : index
        %swap3A_169 = tpu.vector_load %arg9[%swap3A_168] {strides = array<i32>} : memref<384xf32, #tpu.memory_space<vmem>>, vector<16xf32>,
        tpu.vector_store %arg9[%swap3A_168], %scan3A_125#21 {strides = array<i32>} : memref<384xf32, #tpu.memory_space<vmem>>, vector<16xf32>,
        %swap3A_170 = arith.constant 352 : index
        %swap3A_171 = tpu.vector_load %arg9[%swap3A_170] {strides = array<i32>} : memref<384xf32, #tpu.memory_space<vmem>>, vector<16xf32>,
        tpu.vector_store %arg9[%swap3A_170], %scan3A_125#22 {strides = array<i32>} : memref<384xf32, #tpu.memory_space<vmem>>, vector<16xf32>,
        %swap3A_172 = arith.constant 368 : index
        %swap3A_173 = tpu.vector_load %arg9[%swap3A_172] {strides = array<i32>} : memref<384xf32, #tpu.memory_space<vmem>>, vector<16xf32>,
        tpu.vector_store %arg9[%swap3A_172], %scan3A_125#23 {strides = array<i32>} : memref<384xf32, #tpu.memory_space<vmem>>, vector<16xf32>,
        %mul3A_174 = arith.constant 32 : i32
        %mul3A_175 = arith.muli %add3A_47, %mul3A_174 : i32
        %add3A_176 = arith.addi %add3A, %mul3A_175 : i32
        %mul3A_177 = arith.constant 384 : i32
        %mul3A_178 = arith.muli %add3A_176, %mul3A_177 : i32
        %multiple_of3A = tpu.assume_multiple %mul3A_178, 128 : i32
        %dma_start3A = tpu.memref_slice %arg5[%multiple_of3A] : memref<614400xf32, #tpu.memory_space<hbm>> -> memref<384xf32, #tpu.memory_space<hbm>>
        %dma_start3A_179 = tpu.memref_slice %arg5[%multiple_of3A] : memref<614400xf32, #tpu.memory_space<hbm>> -> memref<384xf32, #tpu.memory_space<hbm>>
        tpu.enqueue_dma source(%arg9 : memref<384xf32, #tpu.memory_space<vmem>>) target(%dma_start3A_179 : memref<384xf32, #tpu.memory_space<hbm>>) target_semaphore(%arg13 : memref<!tpu.dma_semaphore, #tpu.memory_space<semaphore_mem>>)
      } else {
      }
      %mul3A_52 = arith.constant 2 : i32
      %mul3A_53 = arith.muli %mul3A_52, %while3A_43 : i32
      %add3A_54 = arith.constant 1 : i32
      %add3A_55 = arith.addi %mul3A_53, %add3A_54 : i32
      %lt3A_56 = arith.cmpi slt, %add3A_55, %add3A_4 : i32
      %convert_element_type3A_57 = arith.extui %lt3A_56 : i1 to i32
      %cond3A_58 = arith.constant 0 : i32
      %cond3A_59 = arith.cmpi ne, %convert_element_type3A_57, %cond3A_58 : i32
      scf.if %cond3A_59 {
        %add3A_60 = arith.constant 1 : i32
        %add3A_61 = arith.addi %add3A_55, %add3A_60 : i32
        %lt3A_62 = arith.cmpi slt, %add3A_61, %add3A_4 : i32
        %convert_element_type3A_63 = arith.extui %lt3A_62 : i1 to i32
        %cond3A_64 = arith.constant 0 : i32
        %cond3A_65 = arith.cmpi ne, %convert_element_type3A_63, %cond3A_64 : i32
        scf.if %cond3A_65 {
          %ge3A = arith.constant 1 : i32
          %ge3A_180 = arith.cmpi sge, %add3A_55, %ge3A : i32
          %convert_element_type3A_181 = arith.extui %ge3A_180 : i1 to i32
          %cond3A_182 = arith.constant 0 : i32
          %cond3A_183 = arith.cmpi ne, %convert_element_type3A_181, %cond3A_182 : i32
          scf.if %cond3A_183 {
            %dma_wait3A_198 = arith.constant 0 : i32
            %dma_wait3A_199 = tpu.memref_slice %arg5[%dma_wait3A_198] : memref<614400xf32, #tpu.memory_space<hbm>> -> memref<384xf32, #tpu.memory_space<hbm>>
            %dma_wait3A_200 = arith.constant 0 : i32
            %dma_wait3A_201 = tpu.memref_slice %arg5[%dma_wait3A_200] : memref<614400xf32, #tpu.memory_space<hbm>> -> memref<384xf32, #tpu.memory_space<hbm>>
            tpu.wait_dma2 semaphore(%arg13 : memref<!tpu.dma_semaphore, #tpu.memory_space<semaphore_mem>>) src(%arg9 : memref<384xf32, #tpu.memory_space<vmem>>) dst(%dma_wait3A_201 : memref<384xf32, #tpu.memory_space<hbm>>)
          } else {
          }
          %add3A_184 = arith.constant 1 : i32
          %add3A_185 = arith.addi %add3A_55, %add3A_184 : i32
          %mul3A_186 = arith.constant 32 : i32
          %mul3A_187 = arith.muli %add3A_185, %mul3A_186 : i32
          %add3A_188 = arith.addi %add3A, %mul3A_187 : i32
          %mul3A_189 = arith.constant 384 : i32
          %mul3A_190 = arith.muli %add3A_188, %mul3A_189 : i32
          %multiple_of3A_191 = tpu.assume_multiple %mul3A_190, 128 : i32
          %dma_start3A_192 = arith.constant 0 : i32
          %dma_start3A_193 = tpu.memref_slice %arg4[%dma_start3A_192, %multiple_of3A_191] : memref<64x1001000xf32, #tpu.memory_space<hbm>> -> memref<64x384xf32, #tpu.memory_space<hbm>>
          %dma_start3A_194 = arith.constant 0 : i32
          %dma_start3A_195 = tpu.memref_slice %arg4[%dma_start3A_194, %multiple_of3A_191] : memref<64x1001000xf32, #tpu.memory_space<hbm>> -> memref<64x384xf32, #tpu.memory_space<hbm>>
          tpu.enqueue_dma source(%dma_start3A_195 : memref<64x384xf32, #tpu.memory_space<hbm>>) target(%arg7 : memref<64x384xf32, #tpu.memory_space<vmem>>) target_semaphore(%arg11 : memref<!tpu.dma_semaphore, #tpu.memory_space<semaphore_mem>>)
          %dma_start3A_196 = tpu.memref_slice %arg3[%multiple_of3A_191] : memref<1001000xf32, #tpu.memory_space<hbm>> -> memref<384xf32, #tpu.memory_space<hbm>>
          %dma_start3A_197 = tpu.memref_slice %arg3[%multiple_of3A_191] : memref<1001000xf32, #tpu.memory_space<hbm>> -> memref<384xf32, #tpu.memory_space<hbm>>
          tpu.enqueue_dma source(%dma_start3A_197 : memref<384xf32, #tpu.memory_space<hbm>>) target(%arg9 : memref<384xf32, #tpu.memory_space<vmem>>) target_semaphore(%arg11 : memref<!tpu.dma_semaphore, #tpu.memory_space<semaphore_mem>>)
        } else {
        }
        %dma_wait3A = arith.constant 0 : i32
        %dma_wait3A_66 = arith.constant 0 : i32
        %dma_wait3A_67 = tpu.memref_slice %arg4[%dma_wait3A, %dma_wait3A_66] : memref<64x1001000xf32, #tpu.memory_space<hbm>> -> memref<64x384xf32, #tpu.memory_space<hbm>>
        %dma_wait3A_68 = arith.constant 0 : i32
        %dma_wait3A_69 = arith.constant 0 : i32
        %dma_wait3A_70 = tpu.memref_slice %arg4[%dma_wait3A_68, %dma_wait3A_69] : memref<64x1001000xf32, #tpu.memory_space<hbm>> -> memref<64x384xf32, #tpu.memory_space<hbm>>
        tpu.wait_dma2 semaphore(%arg12 : memref<!tpu.dma_semaphore, #tpu.memory_space<semaphore_mem>>) src(%dma_wait3A_70 : memref<64x384xf32, #tpu.memory_space<hbm>>) dst(%arg8 : memref<64x384xf32, #tpu.memory_space<vmem>>)
        %dma_wait3A_71 = arith.constant 0 : i32
        %dma_wait3A_72 = tpu.memref_slice %arg3[%dma_wait3A_71] : memref<1001000xf32, #tpu.memory_space<hbm>> -> memref<384xf32, #tpu.memory_space<hbm>>
        %dma_wait3A_73 = arith.constant 0 : i32
        %dma_wait3A_74 = tpu.memref_slice %arg3[%dma_wait3A_73] : memref<1001000xf32, #tpu.memory_space<hbm>> -> memref<384xf32, #tpu.memory_space<hbm>>
        tpu.wait_dma2 semaphore(%arg12 : memref<!tpu.dma_semaphore, #tpu.memory_space<semaphore_mem>>) src(%dma_wait3A_74 : memref<384xf32, #tpu.memory_space<hbm>>) dst(%arg10 : memref<384xf32, #tpu.memory_space<vmem>>)
        %get3A = arith.constant 0 : index
        %get3A_75 = tpu.vector_load %arg10[%get3A] {strides = array<i32>} : memref<384xf32, #tpu.memory_space<vmem>>, vector<16xf32>,
        %get3A_76 = arith.constant 16 : index
        %get3A_77 = tpu.vector_load %arg10[%get3A_76] {strides = array<i32>} : memref<384xf32, #tpu.memory_space<vmem>>, vector<16xf32>,
        %get3A_78 = arith.constant 32 : index
        %get3A_79 = tpu.vector_load %arg10[%get3A_78] {strides = array<i32>} : memref<384xf32, #tpu.memory_space<vmem>>, vector<16xf32>,
        %get3A_80 = arith.constant 48 : index
        %get3A_81 = tpu.vector_load %arg10[%get3A_80] {strides = array<i32>} : memref<384xf32, #tpu.memory_space<vmem>>, vector<16xf32>,
        %get3A_82 = arith.constant 64 : index
        %get3A_83 = tpu.vector_load %arg10[%get3A_82] {strides = array<i32>} : memref<384xf32, #tpu.memory_space<vmem>>, vector<16xf32>,
        %get3A_84 = arith.constant 80 : index
        %get3A_85 = tpu.vector_load %arg10[%get3A_84] {strides = array<i32>} : memref<384xf32, #tpu.memory_space<vmem>>, vector<16xf32>,
        %get3A_86 = arith.constant 96 : index
        %get3A_87 = tpu.vector_load %arg10[%get3A_86] {strides = array<i32>} : memref<384xf32, #tpu.memory_space<vmem>>, vector<16xf32>,
        %get3A_88 = arith.constant 112 : index
        %get3A_89 = tpu.vector_load %arg10[%get3A_88] {strides = array<i32>} : memref<384xf32, #tpu.memory_space<vmem>>, vector<16xf32>,
        %get3A_90 = arith.constant 128 : index
        %get3A_91 = tpu.vector_load %arg10[%get3A_90] {strides = array<i32>} : memref<384xf32, #tpu.memory_space<vmem>>, vector<16xf32>,
        %get3A_92 = arith.constant 144 : index
        %get3A_93 = tpu.vector_load %arg10[%get3A_92] {strides = array<i32>} : memref<384xf32, #tpu.memory_space<vmem>>, vector<16xf32>,
        %get3A_94 = arith.constant 160 : index
        %get3A_95 = tpu.vector_load %arg10[%get3A_94] {strides = array<i32>} : memref<384xf32, #tpu.memory_space<vmem>>, vector<16xf32>,
        %get3A_96 = arith.constant 176 : index
        %get3A_97 = tpu.vector_load %arg10[%get3A_96] {strides = array<i32>} : memref<384xf32, #tpu.memory_space<vmem>>, vector<16xf32>,
        %get3A_98 = arith.constant 192 : index
        %get3A_99 = tpu.vector_load %arg10[%get3A_98] {strides = array<i32>} : memref<384xf32, #tpu.memory_space<vmem>>, vector<16xf32>,
        %get3A_100 = arith.constant 208 : index
        %get3A_101 = tpu.vector_load %arg10[%get3A_100] {strides = array<i32>} : memref<384xf32, #tpu.memory_space<vmem>>, vector<16xf32>,
        %get3A_102 = arith.constant 224 : index
        %get3A_103 = tpu.vector_load %arg10[%get3A_102] {strides = array<i32>} : memref<384xf32, #tpu.memory_space<vmem>>, vector<16xf32>,
        %get3A_104 = arith.constant 240 : index
        %get3A_105 = tpu.vector_load %arg10[%get3A_104] {strides = array<i32>} : memref<384xf32, #tpu.memory_space<vmem>>, vector<16xf32>,
        %get3A_106 = arith.constant 256 : index
        %get3A_107 = tpu.vector_load %arg10[%get3A_106] {strides = array<i32>} : memref<384xf32, #tpu.memory_space<vmem>>, vector<16xf32>,
        %get3A_108 = arith.constant 272 : index
        %get3A_109 = tpu.vector_load %arg10[%get3A_108] {strides = array<i32>} : memref<384xf32, #tpu.memory_space<vmem>>, vector<16xf32>,
        %get3A_110 = arith.constant 288 : index
        %get3A_111 = tpu.vector_load %arg10[%get3A_110] {strides = array<i32>} : memref<384xf32, #tpu.memory_space<vmem>>, vector<16xf32>,
        %get3A_112 = arith.constant 304 : index
        %get3A_113 = tpu.vector_load %arg10[%get3A_112] {strides = array<i32>} : memref<384xf32, #tpu.memory_space<vmem>>, vector<16xf32>,
        %get3A_114 = arith.constant 320 : index
        %get3A_115 = tpu.vector_load %arg10[%get3A_114] {strides = array<i32>} : memref<384xf32, #tpu.memory_space<vmem>>, vector<16xf32>,
        %get3A_116 = arith.constant 336 : index
        %get3A_117 = tpu.vector_load %arg10[%get3A_116] {strides = array<i32>} : memref<384xf32, #tpu.memory_space<vmem>>, vector<16xf32>,
        %get3A_118 = arith.constant 352 : index
        %get3A_119 = tpu.vector_load %arg10[%get3A_118] {strides = array<i32>} : memref<384xf32, #tpu.memory_space<vmem>>, vector<16xf32>,
        %get3A_120 = arith.constant 368 : index
        %get3A_121 = tpu.vector_load %arg10[%get3A_120] {strides = array<i32>} : memref<384xf32, #tpu.memory_space<vmem>>, vector<16xf32>,
        %scan3A = arith.constant 0 : i32
        %scan3A_122 = arith.constant 64 : i32
        %scan3A_123 = arith.addi %scan3A, %scan3A_122 : i32
        %scan3A_124 = arith.constant 2 : i32
        %scan3A_125:24 = scf.for %scan3A_180 = %scan3A to %scan3A_123 step %scan3A_124 iter_args(%scan3A_181 = %get3A_75, %scan3A_182 = %get3A_77, %scan3A_183 = %get3A_79, %scan3A_184 = %get3A_81, %scan3A_185 = %get3A_83, %scan3A_186 = %get3A_85, %scan3A_187 = %get3A_87, %scan3A_188 = %get3A_89, %scan3A_189 = %get3A_91, %scan3A_190 = %get3A_93, %scan3A_191 = %get3A_95, %scan3A_192 = %get3A_97, %scan3A_193 = %get3A_99, %scan3A_194 = %get3A_101, %scan3A_195 = %get3A_103, %scan3A_196 = %get3A_105, %scan3A_197 = %get3A_107, %scan3A_198 = %get3A_109, %scan3A_199 = %get3A_111, %scan3A_200 = %get3A_113, %scan3A_201 = %get3A_115, %scan3A_202 = %get3A_117, %scan3A_203 = %get3A_119, %scan3A_204 = %get3A_121) -> (vector<16xf32>, vector<16xf32>, vector<16xf32>, vector<16xf32>, vector<16xf32>, vector<16xf32>, vector<16xf32>, vector<16xf32>, vector<16xf32>, vector<16xf32>, vector<16xf32>, vector<16xf32>, vector<16xf32>, vector<16xf32>, vector<16xf32>, vector<16xf32>, vector<16xf32>, vector<16xf32>, vector<16xf32>, vector<16xf32>, vector<16xf32>, vector<16xf32>, vector<16xf32>, vector<16xf32>)  : i32 {
          %mul3A_205 = arith.constant 16 : i32
          %mul3A_206 = arith.muli %scan3A_180, %mul3A_205 : i32
          %multiple_of3A_207 = tpu.assume_multiple %mul3A_206, 16 : i32
          %get3A_208 = arith.index_cast %multiple_of3A_207 : i32 to index
          %get3A_209 = tpu.vector_load %arg6[%get3A_208] {strides = array<i32>} : memref<1024xf32, #tpu.memory_space<vmem>>, vector<16xf32>,
          %get3A_210 = arith.index_cast %scan3A_180 : i32 to index
          %get3A_211 = arith.constant 0 : index
          %get3A_212 = tpu.vector_load %arg8[%get3A_210, %get3A_211] {strides = array<i32>} : memref<64x384xf32, #tpu.memory_space<vmem>>, vector<16xf32>,
          %mul3A_213 = arith.mulf %get3A_212, %get3A_209 : vector<16xf32>
          %add3A_214 = arith.addf %scan3A_181, %mul3A_213 : vector<16xf32>
          %get3A_215 = arith.index_cast %scan3A_180 : i32 to index
          %get3A_216 = arith.constant 16 : index
          %get3A_217 = tpu.vector_load %arg8[%get3A_215, %get3A_216] {strides = array<i32>} : memref<64x384xf32, #tpu.memory_space<vmem>>, vector<16xf32>,
          %mul3A_218 = arith.mulf %get3A_217, %get3A_209 : vector<16xf32>
          %add3A_219 = arith.addf %scan3A_182, %mul3A_218 : vector<16xf32>
          %get3A_220 = arith.index_cast %scan3A_180 : i32 to index
          %get3A_221 = arith.constant 32 : index
          %get3A_222 = tpu.vector_load %arg8[%get3A_220, %get3A_221] {strides = array<i32>} : memref<64x384xf32, #tpu.memory_space<vmem>>, vector<16xf32>,
          %mul3A_223 = arith.mulf %get3A_222, %get3A_209 : vector<16xf32>
          %add3A_224 = arith.addf %scan3A_183, %mul3A_223 : vector<16xf32>
          %get3A_225 = arith.index_cast %scan3A_180 : i32 to index
          %get3A_226 = arith.constant 48 : index
          %get3A_227 = tpu.vector_load %arg8[%get3A_225, %get3A_226] {strides = array<i32>} : memref<64x384xf32, #tpu.memory_space<vmem>>, vector<16xf32>,
          %mul3A_228 = arith.mulf %get3A_227, %get3A_209 : vector<16xf32>
          %add3A_229 = arith.addf %scan3A_184, %mul3A_228 : vector<16xf32>
          %get3A_230 = arith.index_cast %scan3A_180 : i32 to index
          %get3A_231 = arith.constant 64 : index
          %get3A_232 = tpu.vector_load %arg8[%get3A_230, %get3A_231] {strides = array<i32>} : memref<64x384xf32, #tpu.memory_space<vmem>>, vector<16xf32>,
          %mul3A_233 = arith.mulf %get3A_232, %get3A_209 : vector<16xf32>
          %add3A_234 = arith.addf %scan3A_185, %mul3A_233 : vector<16xf32>
          %get3A_235 = arith.index_cast %scan3A_180 : i32 to index
          %get3A_236 = arith.constant 80 : index
          %get3A_237 = tpu.vector_load %arg8[%get3A_235, %get3A_236] {strides = array<i32>} : memref<64x384xf32, #tpu.memory_space<vmem>>, vector<16xf32>,
          %mul3A_238 = arith.mulf %get3A_237, %get3A_209 : vector<16xf32>
          %add3A_239 = arith.addf %scan3A_186, %mul3A_238 : vector<16xf32>
          %get3A_240 = arith.index_cast %scan3A_180 : i32 to index
          %get3A_241 = arith.constant 96 : index
          %get3A_242 = tpu.vector_load %arg8[%get3A_240, %get3A_241] {strides = array<i32>} : memref<64x384xf32, #tpu.memory_space<vmem>>, vector<16xf32>,
          %mul3A_243 = arith.mulf %get3A_242, %get3A_209 : vector<16xf32>
          %add3A_244 = arith.addf %scan3A_187, %mul3A_243 : vector<16xf32>
          %get3A_245 = arith.index_cast %scan3A_180 : i32 to index
          %get3A_246 = arith.constant 112 : index
          %get3A_247 = tpu.vector_load %arg8[%get3A_245, %get3A_246] {strides = array<i32>} : memref<64x384xf32, #tpu.memory_space<vmem>>, vector<16xf32>,
          %mul3A_248 = arith.mulf %get3A_247, %get3A_209 : vector<16xf32>
          %add3A_249 = arith.addf %scan3A_188, %mul3A_248 : vector<16xf32>
          %get3A_250 = arith.index_cast %scan3A_180 : i32 to index
          %get3A_251 = arith.constant 128 : index
          %get3A_252 = tpu.vector_load %arg8[%get3A_250, %get3A_251] {strides = array<i32>} : memref<64x384xf32, #tpu.memory_space<vmem>>, vector<16xf32>,
          %mul3A_253 = arith.mulf %get3A_252, %get3A_209 : vector<16xf32>
          %add3A_254 = arith.addf %scan3A_189, %mul3A_253 : vector<16xf32>
          %get3A_255 = arith.index_cast %scan3A_180 : i32 to index
          %get3A_256 = arith.constant 144 : index
          %get3A_257 = tpu.vector_load %arg8[%get3A_255, %get3A_256] {strides = array<i32>} : memref<64x384xf32, #tpu.memory_space<vmem>>, vector<16xf32>,
          %mul3A_258 = arith.mulf %get3A_257, %get3A_209 : vector<16xf32>
          %add3A_259 = arith.addf %scan3A_190, %mul3A_258 : vector<16xf32>
          %get3A_260 = arith.index_cast %scan3A_180 : i32 to index
          %get3A_261 = arith.constant 160 : index
          %get3A_262 = tpu.vector_load %arg8[%get3A_260, %get3A_261] {strides = array<i32>} : memref<64x384xf32, #tpu.memory_space<vmem>>, vector<16xf32>,
          %mul3A_263 = arith.mulf %get3A_262, %get3A_209 : vector<16xf32>
          %add3A_264 = arith.addf %scan3A_191, %mul3A_263 : vector<16xf32>
          %get3A_265 = arith.index_cast %scan3A_180 : i32 to index
          %get3A_266 = arith.constant 176 : index
          %get3A_267 = tpu.vector_load %arg8[%get3A_265, %get3A_266] {strides = array<i32>} : memref<64x384xf32, #tpu.memory_space<vmem>>, vector<16xf32>,
          %mul3A_268 = arith.mulf %get3A_267, %get3A_209 : vector<16xf32>
          %add3A_269 = arith.addf %scan3A_192, %mul3A_268 : vector<16xf32>
          %get3A_270 = arith.index_cast %scan3A_180 : i32 to index
          %get3A_271 = arith.constant 192 : index
          %get3A_272 = tpu.vector_load %arg8[%get3A_270, %get3A_271] {strides = array<i32>} : memref<64x384xf32, #tpu.memory_space<vmem>>, vector<16xf32>,
          %mul3A_273 = arith.mulf %get3A_272, %get3A_209 : vector<16xf32>
          %add3A_274 = arith.addf %scan3A_193, %mul3A_273 : vector<16xf32>
          %get3A_275 = arith.index_cast %scan3A_180 : i32 to index
          %get3A_276 = arith.constant 208 : index
          %get3A_277 = tpu.vector_load %arg8[%get3A_275, %get3A_276] {strides = array<i32>} : memref<64x384xf32, #tpu.memory_space<vmem>>, vector<16xf32>,
          %mul3A_278 = arith.mulf %get3A_277, %get3A_209 : vector<16xf32>
          %add3A_279 = arith.addf %scan3A_194, %mul3A_278 : vector<16xf32>
          %get3A_280 = arith.index_cast %scan3A_180 : i32 to index
          %get3A_281 = arith.constant 224 : index
          %get3A_282 = tpu.vector_load %arg8[%get3A_280, %get3A_281] {strides = array<i32>} : memref<64x384xf32, #tpu.memory_space<vmem>>, vector<16xf32>,
          %mul3A_283 = arith.mulf %get3A_282, %get3A_209 : vector<16xf32>
          %add3A_284 = arith.addf %scan3A_195, %mul3A_283 : vector<16xf32>
          %get3A_285 = arith.index_cast %scan3A_180 : i32 to index
          %get3A_286 = arith.constant 240 : index
          %get3A_287 = tpu.vector_load %arg8[%get3A_285, %get3A_286] {strides = array<i32>} : memref<64x384xf32, #tpu.memory_space<vmem>>, vector<16xf32>,
          %mul3A_288 = arith.mulf %get3A_287, %get3A_209 : vector<16xf32>
          %add3A_289 = arith.addf %scan3A_196, %mul3A_288 : vector<16xf32>
          %get3A_290 = arith.index_cast %scan3A_180 : i32 to index
          %get3A_291 = arith.constant 256 : index
          %get3A_292 = tpu.vector_load %arg8[%get3A_290, %get3A_291] {strides = array<i32>} : memref<64x384xf32, #tpu.memory_space<vmem>>, vector<16xf32>,
          %mul3A_293 = arith.mulf %get3A_292, %get3A_209 : vector<16xf32>
          %add3A_294 = arith.addf %scan3A_197, %mul3A_293 : vector<16xf32>
          %get3A_295 = arith.index_cast %scan3A_180 : i32 to index
          %get3A_296 = arith.constant 272 : index
          %get3A_297 = tpu.vector_load %arg8[%get3A_295, %get3A_296] {strides = array<i32>} : memref<64x384xf32, #tpu.memory_space<vmem>>, vector<16xf32>,
          %mul3A_298 = arith.mulf %get3A_297, %get3A_209 : vector<16xf32>
          %add3A_299 = arith.addf %scan3A_198, %mul3A_298 : vector<16xf32>
          %get3A_300 = arith.index_cast %scan3A_180 : i32 to index
          %get3A_301 = arith.constant 288 : index
          %get3A_302 = tpu.vector_load %arg8[%get3A_300, %get3A_301] {strides = array<i32>} : memref<64x384xf32, #tpu.memory_space<vmem>>, vector<16xf32>,
          %mul3A_303 = arith.mulf %get3A_302, %get3A_209 : vector<16xf32>
          %add3A_304 = arith.addf %scan3A_199, %mul3A_303 : vector<16xf32>
          %get3A_305 = arith.index_cast %scan3A_180 : i32 to index
          %get3A_306 = arith.constant 304 : index
          %get3A_307 = tpu.vector_load %arg8[%get3A_305, %get3A_306] {strides = array<i32>} : memref<64x384xf32, #tpu.memory_space<vmem>>, vector<16xf32>,
          %mul3A_308 = arith.mulf %get3A_307, %get3A_209 : vector<16xf32>
          %add3A_309 = arith.addf %scan3A_200, %mul3A_308 : vector<16xf32>
          %get3A_310 = arith.index_cast %scan3A_180 : i32 to index
          %get3A_311 = arith.constant 320 : index
          %get3A_312 = tpu.vector_load %arg8[%get3A_310, %get3A_311] {strides = array<i32>} : memref<64x384xf32, #tpu.memory_space<vmem>>, vector<16xf32>,
          %mul3A_313 = arith.mulf %get3A_312, %get3A_209 : vector<16xf32>
          %add3A_314 = arith.addf %scan3A_201, %mul3A_313 : vector<16xf32>
          %get3A_315 = arith.index_cast %scan3A_180 : i32 to index
          %get3A_316 = arith.constant 336 : index
          %get3A_317 = tpu.vector_load %arg8[%get3A_315, %get3A_316] {strides = array<i32>} : memref<64x384xf32, #tpu.memory_space<vmem>>, vector<16xf32>,
          %mul3A_318 = arith.mulf %get3A_317, %get3A_209 : vector<16xf32>
          %add3A_319 = arith.addf %scan3A_202, %mul3A_318 : vector<16xf32>
          %get3A_320 = arith.index_cast %scan3A_180 : i32 to index
          %get3A_321 = arith.constant 352 : index
          %get3A_322 = tpu.vector_load %arg8[%get3A_320, %get3A_321] {strides = array<i32>} : memref<64x384xf32, #tpu.memory_space<vmem>>, vector<16xf32>,
          %mul3A_323 = arith.mulf %get3A_322, %get3A_209 : vector<16xf32>
          %add3A_324 = arith.addf %scan3A_203, %mul3A_323 : vector<16xf32>
          %get3A_325 = arith.index_cast %scan3A_180 : i32 to index
          %get3A_326 = arith.constant 368 : index
          %get3A_327 = tpu.vector_load %arg8[%get3A_325, %get3A_326] {strides = array<i32>} : memref<64x384xf32, #tpu.memory_space<vmem>>, vector<16xf32>,
          %mul3A_328 = arith.mulf %get3A_327, %get3A_209 : vector<16xf32>
          %add3A_329 = arith.addf %scan3A_204, %mul3A_328 : vector<16xf32>
          %scan3A_330 = arith.constant 1 : i32
          %scan3A_331 = arith.addi %scan3A_180, %scan3A_330 : i32
          %mul3A_332 = arith.constant 16 : i32
          %mul3A_333 = arith.muli %scan3A_331, %mul3A_332 : i32
          %multiple_of3A_334 = tpu.assume_multiple %mul3A_333, 16 : i32
          %get3A_335 = arith.index_cast %multiple_of3A_334 : i32 to index
          %get3A_336 = tpu.vector_load %arg6[%get3A_335] {strides = array<i32>} : memref<1024xf32, #tpu.memory_space<vmem>>, vector<16xf32>,
          %get3A_337 = arith.index_cast %scan3A_331 : i32 to index
          %get3A_338 = arith.constant 0 : index
          %get3A_339 = tpu.vector_load %arg8[%get3A_337, %get3A_338] {strides = array<i32>} : memref<64x384xf32, #tpu.memory_space<vmem>>, vector<16xf32>,
          %mul3A_340 = arith.mulf %get3A_339, %get3A_336 : vector<16xf32>
          %add3A_341 = arith.addf %add3A_214, %mul3A_340 : vector<16xf32>
          %get3A_342 = arith.index_cast %scan3A_331 : i32 to index
          %get3A_343 = arith.constant 16 : index
          %get3A_344 = tpu.vector_load %arg8[%get3A_342, %get3A_343] {strides = array<i32>} : memref<64x384xf32, #tpu.memory_space<vmem>>, vector<16xf32>,
          %mul3A_345 = arith.mulf %get3A_344, %get3A_336 : vector<16xf32>
          %add3A_346 = arith.addf %add3A_219, %mul3A_345 : vector<16xf32>
          %get3A_347 = arith.index_cast %scan3A_331 : i32 to index
          %get3A_348 = arith.constant 32 : index
          %get3A_349 = tpu.vector_load %arg8[%get3A_347, %get3A_348] {strides = array<i32>} : memref<64x384xf32, #tpu.memory_space<vmem>>, vector<16xf32>,
          %mul3A_350 = arith.mulf %get3A_349, %get3A_336 : vector<16xf32>
          %add3A_351 = arith.addf %add3A_224, %mul3A_350 : vector<16xf32>
          %get3A_352 = arith.index_cast %scan3A_331 : i32 to index
          %get3A_353 = arith.constant 48 : index
          %get3A_354 = tpu.vector_load %arg8[%get3A_352, %get3A_353] {strides = array<i32>} : memref<64x384xf32, #tpu.memory_space<vmem>>, vector<16xf32>,
          %mul3A_355 = arith.mulf %get3A_354, %get3A_336 : vector<16xf32>
          %add3A_356 = arith.addf %add3A_229, %mul3A_355 : vector<16xf32>
          %get3A_357 = arith.index_cast %scan3A_331 : i32 to index
          %get3A_358 = arith.constant 64 : index
          %get3A_359 = tpu.vector_load %arg8[%get3A_357, %get3A_358] {strides = array<i32>} : memref<64x384xf32, #tpu.memory_space<vmem>>, vector<16xf32>,
          %mul3A_360 = arith.mulf %get3A_359, %get3A_336 : vector<16xf32>
          %add3A_361 = arith.addf %add3A_234, %mul3A_360 : vector<16xf32>
          %get3A_362 = arith.index_cast %scan3A_331 : i32 to index
          %get3A_363 = arith.constant 80 : index
          %get3A_364 = tpu.vector_load %arg8[%get3A_362, %get3A_363] {strides = array<i32>} : memref<64x384xf32, #tpu.memory_space<vmem>>, vector<16xf32>,
          %mul3A_365 = arith.mulf %get3A_364, %get3A_336 : vector<16xf32>
          %add3A_366 = arith.addf %add3A_239, %mul3A_365 : vector<16xf32>
          %get3A_367 = arith.index_cast %scan3A_331 : i32 to index
          %get3A_368 = arith.constant 96 : index
          %get3A_369 = tpu.vector_load %arg8[%get3A_367, %get3A_368] {strides = array<i32>} : memref<64x384xf32, #tpu.memory_space<vmem>>, vector<16xf32>,
          %mul3A_370 = arith.mulf %get3A_369, %get3A_336 : vector<16xf32>
          %add3A_371 = arith.addf %add3A_244, %mul3A_370 : vector<16xf32>
          %get3A_372 = arith.index_cast %scan3A_331 : i32 to index
          %get3A_373 = arith.constant 112 : index
          %get3A_374 = tpu.vector_load %arg8[%get3A_372, %get3A_373] {strides = array<i32>} : memref<64x384xf32, #tpu.memory_space<vmem>>, vector<16xf32>,
          %mul3A_375 = arith.mulf %get3A_374, %get3A_336 : vector<16xf32>
          %add3A_376 = arith.addf %add3A_249, %mul3A_375 : vector<16xf32>
          %get3A_377 = arith.index_cast %scan3A_331 : i32 to index
          %get3A_378 = arith.constant 128 : index
          %get3A_379 = tpu.vector_load %arg8[%get3A_377, %get3A_378] {strides = array<i32>} : memref<64x384xf32, #tpu.memory_space<vmem>>, vector<16xf32>,
          %mul3A_380 = arith.mulf %get3A_379, %get3A_336 : vector<16xf32>
          %add3A_381 = arith.addf %add3A_254, %mul3A_380 : vector<16xf32>
          %get3A_382 = arith.index_cast %scan3A_331 : i32 to index
          %get3A_383 = arith.constant 144 : index
          %get3A_384 = tpu.vector_load %arg8[%get3A_382, %get3A_383] {strides = array<i32>} : memref<64x384xf32, #tpu.memory_space<vmem>>, vector<16xf32>,
          %mul3A_385 = arith.mulf %get3A_384, %get3A_336 : vector<16xf32>
          %add3A_386 = arith.addf %add3A_259, %mul3A_385 : vector<16xf32>
          %get3A_387 = arith.index_cast %scan3A_331 : i32 to index
          %get3A_388 = arith.constant 160 : index
          %get3A_389 = tpu.vector_load %arg8[%get3A_387, %get3A_388] {strides = array<i32>} : memref<64x384xf32, #tpu.memory_space<vmem>>, vector<16xf32>,
          %mul3A_390 = arith.mulf %get3A_389, %get3A_336 : vector<16xf32>
          %add3A_391 = arith.addf %add3A_264, %mul3A_390 : vector<16xf32>
          %get3A_392 = arith.index_cast %scan3A_331 : i32 to index
          %get3A_393 = arith.constant 176 : index
          %get3A_394 = tpu.vector_load %arg8[%get3A_392, %get3A_393] {strides = array<i32>} : memref<64x384xf32, #tpu.memory_space<vmem>>, vector<16xf32>,
          %mul3A_395 = arith.mulf %get3A_394, %get3A_336 : vector<16xf32>
          %add3A_396 = arith.addf %add3A_269, %mul3A_395 : vector<16xf32>
          %get3A_397 = arith.index_cast %scan3A_331 : i32 to index
          %get3A_398 = arith.constant 192 : index
          %get3A_399 = tpu.vector_load %arg8[%get3A_397, %get3A_398] {strides = array<i32>} : memref<64x384xf32, #tpu.memory_space<vmem>>, vector<16xf32>,
          %mul3A_400 = arith.mulf %get3A_399, %get3A_336 : vector<16xf32>
          %add3A_401 = arith.addf %add3A_274, %mul3A_400 : vector<16xf32>
          %get3A_402 = arith.index_cast %scan3A_331 : i32 to index
          %get3A_403 = arith.constant 208 : index
          %get3A_404 = tpu.vector_load %arg8[%get3A_402, %get3A_403] {strides = array<i32>} : memref<64x384xf32, #tpu.memory_space<vmem>>, vector<16xf32>,
          %mul3A_405 = arith.mulf %get3A_404, %get3A_336 : vector<16xf32>
          %add3A_406 = arith.addf %add3A_279, %mul3A_405 : vector<16xf32>
          %get3A_407 = arith.index_cast %scan3A_331 : i32 to index
          %get3A_408 = arith.constant 224 : index
          %get3A_409 = tpu.vector_load %arg8[%get3A_407, %get3A_408] {strides = array<i32>} : memref<64x384xf32, #tpu.memory_space<vmem>>, vector<16xf32>,
          %mul3A_410 = arith.mulf %get3A_409, %get3A_336 : vector<16xf32>
          %add3A_411 = arith.addf %add3A_284, %mul3A_410 : vector<16xf32>
          %get3A_412 = arith.index_cast %scan3A_331 : i32 to index
          %get3A_413 = arith.constant 240 : index
          %get3A_414 = tpu.vector_load %arg8[%get3A_412, %get3A_413] {strides = array<i32>} : memref<64x384xf32, #tpu.memory_space<vmem>>, vector<16xf32>,
          %mul3A_415 = arith.mulf %get3A_414, %get3A_336 : vector<16xf32>
          %add3A_416 = arith.addf %add3A_289, %mul3A_415 : vector<16xf32>
          %get3A_417 = arith.index_cast %scan3A_331 : i32 to index
          %get3A_418 = arith.constant 256 : index
          %get3A_419 = tpu.vector_load %arg8[%get3A_417, %get3A_418] {strides = array<i32>} : memref<64x384xf32, #tpu.memory_space<vmem>>, vector<16xf32>,
          %mul3A_420 = arith.mulf %get3A_419, %get3A_336 : vector<16xf32>
          %add3A_421 = arith.addf %add3A_294, %mul3A_420 : vector<16xf32>
          %get3A_422 = arith.index_cast %scan3A_331 : i32 to index
          %get3A_423 = arith.constant 272 : index
          %get3A_424 = tpu.vector_load %arg8[%get3A_422, %get3A_423] {strides = array<i32>} : memref<64x384xf32, #tpu.memory_space<vmem>>, vector<16xf32>,
          %mul3A_425 = arith.mulf %get3A_424, %get3A_336 : vector<16xf32>
          %add3A_426 = arith.addf %add3A_299, %mul3A_425 : vector<16xf32>
          %get3A_427 = arith.index_cast %scan3A_331 : i32 to index
          %get3A_428 = arith.constant 288 : index
          %get3A_429 = tpu.vector_load %arg8[%get3A_427, %get3A_428] {strides = array<i32>} : memref<64x384xf32, #tpu.memory_space<vmem>>, vector<16xf32>,
          %mul3A_430 = arith.mulf %get3A_429, %get3A_336 : vector<16xf32>
          %add3A_431 = arith.addf %add3A_304, %mul3A_430 : vector<16xf32>
          %get3A_432 = arith.index_cast %scan3A_331 : i32 to index
          %get3A_433 = arith.constant 304 : index
          %get3A_434 = tpu.vector_load %arg8[%get3A_432, %get3A_433] {strides = array<i32>} : memref<64x384xf32, #tpu.memory_space<vmem>>, vector<16xf32>,
          %mul3A_435 = arith.mulf %get3A_434, %get3A_336 : vector<16xf32>
          %add3A_436 = arith.addf %add3A_309, %mul3A_435 : vector<16xf32>
          %get3A_437 = arith.index_cast %scan3A_331 : i32 to index
          %get3A_438 = arith.constant 320 : index
          %get3A_439 = tpu.vector_load %arg8[%get3A_437, %get3A_438] {strides = array<i32>} : memref<64x384xf32, #tpu.memory_space<vmem>>, vector<16xf32>,
          %mul3A_440 = arith.mulf %get3A_439, %get3A_336 : vector<16xf32>
          %add3A_441 = arith.addf %add3A_314, %mul3A_440 : vector<16xf32>
          %get3A_442 = arith.index_cast %scan3A_331 : i32 to index
          %get3A_443 = arith.constant 336 : index
          %get3A_444 = tpu.vector_load %arg8[%get3A_442, %get3A_443] {strides = array<i32>} : memref<64x384xf32, #tpu.memory_space<vmem>>, vector<16xf32>,
          %mul3A_445 = arith.mulf %get3A_444, %get3A_336 : vector<16xf32>
          %add3A_446 = arith.addf %add3A_319, %mul3A_445 : vector<16xf32>
          %get3A_447 = arith.index_cast %scan3A_331 : i32 to index
          %get3A_448 = arith.constant 352 : index
          %get3A_449 = tpu.vector_load %arg8[%get3A_447, %get3A_448] {strides = array<i32>} : memref<64x384xf32, #tpu.memory_space<vmem>>, vector<16xf32>,
          %mul3A_450 = arith.mulf %get3A_449, %get3A_336 : vector<16xf32>
          %add3A_451 = arith.addf %add3A_324, %mul3A_450 : vector<16xf32>
          %get3A_452 = arith.index_cast %scan3A_331 : i32 to index
          %get3A_453 = arith.constant 368 : index
          %get3A_454 = tpu.vector_load %arg8[%get3A_452, %get3A_453] {strides = array<i32>} : memref<64x384xf32, #tpu.memory_space<vmem>>, vector<16xf32>,
          %mul3A_455 = arith.mulf %get3A_454, %get3A_336 : vector<16xf32>
          %add3A_456 = arith.addf %add3A_329, %mul3A_455 : vector<16xf32>
          scf.yield %add3A_341, %add3A_346, %add3A_351, %add3A_356, %add3A_361, %add3A_366, %add3A_371, %add3A_376, %add3A_381, %add3A_386, %add3A_391, %add3A_396, %add3A_401, %add3A_406, %add3A_411, %add3A_416, %add3A_421, %add3A_426, %add3A_431, %add3A_436, %add3A_441, %add3A_446, %add3A_451, %add3A_456 : vector<16xf32>, vector<16xf32>, vector<16xf32>, vector<16xf32>, vector<16xf32>, vector<16xf32>, vector<16xf32>, vector<16xf32>, vector<16xf32>, vector<16xf32>, vector<16xf32>, vector<16xf32>, vector<16xf32>, vector<16xf32>, vector<16xf32>, vector<16xf32>, vector<16xf32>, vector<16xf32>, vector<16xf32>, vector<16xf32>, vector<16xf32>, vector<16xf32>, vector<16xf32>, vector<16xf32>
        }
        %scan3A_126 = arith.constant 64 : i32
        %swap3A = arith.constant 0 : index
        %swap3A_127 = tpu.vector_load %arg10[%swap3A] {strides = array<i32>} : memref<384xf32, #tpu.memory_space<vmem>>, vector<16xf32>,
        tpu.vector_store %arg10[%swap3A], %scan3A_125#0 {strides = array<i32>} : memref<384xf32, #tpu.memory_space<vmem>>, vector<16xf32>,
        %swap3A_128 = arith.constant 16 : index
        %swap3A_129 = tpu.vector_load %arg10[%swap3A_128] {strides = array<i32>} : memref<384xf32, #tpu.memory_space<vmem>>, vector<16xf32>,
        tpu.vector_store %arg10[%swap3A_128], %scan3A_125#1 {strides = array<i32>} : memref<384xf32, #tpu.memory_space<vmem>>, vector<16xf32>,
        %swap3A_130 = arith.constant 32 : index
        %swap3A_131 = tpu.vector_load %arg10[%swap3A_130] {strides = array<i32>} : memref<384xf32, #tpu.memory_space<vmem>>, vector<16xf32>,
        tpu.vector_store %arg10[%swap3A_130], %scan3A_125#2 {strides = array<i32>} : memref<384xf32, #tpu.memory_space<vmem>>, vector<16xf32>,
        %swap3A_132 = arith.constant 48 : index
        %swap3A_133 = tpu.vector_load %arg10[%swap3A_132] {strides = array<i32>} : memref<384xf32, #tpu.memory_space<vmem>>, vector<16xf32>,
        tpu.vector_store %arg10[%swap3A_132], %scan3A_125#3 {strides = array<i32>} : memref<384xf32, #tpu.memory_space<vmem>>, vector<16xf32>,
        %swap3A_134 = arith.constant 64 : index
        %swap3A_135 = tpu.vector_load %arg10[%swap3A_134] {strides = array<i32>} : memref<384xf32, #tpu.memory_space<vmem>>, vector<16xf32>,
        tpu.vector_store %arg10[%swap3A_134], %scan3A_125#4 {strides = array<i32>} : memref<384xf32, #tpu.memory_space<vmem>>, vector<16xf32>,
        %swap3A_136 = arith.constant 80 : index
        %swap3A_137 = tpu.vector_load %arg10[%swap3A_136] {strides = array<i32>} : memref<384xf32, #tpu.memory_space<vmem>>, vector<16xf32>,
        tpu.vector_store %arg10[%swap3A_136], %scan3A_125#5 {strides = array<i32>} : memref<384xf32, #tpu.memory_space<vmem>>, vector<16xf32>,
        %swap3A_138 = arith.constant 96 : index
        %swap3A_139 = tpu.vector_load %arg10[%swap3A_138] {strides = array<i32>} : memref<384xf32, #tpu.memory_space<vmem>>, vector<16xf32>,
        tpu.vector_store %arg10[%swap3A_138], %scan3A_125#6 {strides = array<i32>} : memref<384xf32, #tpu.memory_space<vmem>>, vector<16xf32>,
        %swap3A_140 = arith.constant 112 : index
        %swap3A_141 = tpu.vector_load %arg10[%swap3A_140] {strides = array<i32>} : memref<384xf32, #tpu.memory_space<vmem>>, vector<16xf32>,
        tpu.vector_store %arg10[%swap3A_140], %scan3A_125#7 {strides = array<i32>} : memref<384xf32, #tpu.memory_space<vmem>>, vector<16xf32>,
        %swap3A_142 = arith.constant 128 : index
        %swap3A_143 = tpu.vector_load %arg10[%swap3A_142] {strides = array<i32>} : memref<384xf32, #tpu.memory_space<vmem>>, vector<16xf32>,
        tpu.vector_store %arg10[%swap3A_142], %scan3A_125#8 {strides = array<i32>} : memref<384xf32, #tpu.memory_space<vmem>>, vector<16xf32>,
        %swap3A_144 = arith.constant 144 : index
        %swap3A_145 = tpu.vector_load %arg10[%swap3A_144] {strides = array<i32>} : memref<384xf32, #tpu.memory_space<vmem>>, vector<16xf32>,
        tpu.vector_store %arg10[%swap3A_144], %scan3A_125#9 {strides = array<i32>} : memref<384xf32, #tpu.memory_space<vmem>>, vector<16xf32>,
        %swap3A_146 = arith.constant 160 : index
        %swap3A_147 = tpu.vector_load %arg10[%swap3A_146] {strides = array<i32>} : memref<384xf32, #tpu.memory_space<vmem>>, vector<16xf32>,
        tpu.vector_store %arg10[%swap3A_146], %scan3A_125#10 {strides = array<i32>} : memref<384xf32, #tpu.memory_space<vmem>>, vector<16xf32>,
        %swap3A_148 = arith.constant 176 : index
        %swap3A_149 = tpu.vector_load %arg10[%swap3A_148] {strides = array<i32>} : memref<384xf32, #tpu.memory_space<vmem>>, vector<16xf32>,
        tpu.vector_store %arg10[%swap3A_148], %scan3A_125#11 {strides = array<i32>} : memref<384xf32, #tpu.memory_space<vmem>>, vector<16xf32>,
        %swap3A_150 = arith.constant 192 : index
        %swap3A_151 = tpu.vector_load %arg10[%swap3A_150] {strides = array<i32>} : memref<384xf32, #tpu.memory_space<vmem>>, vector<16xf32>,
        tpu.vector_store %arg10[%swap3A_150], %scan3A_125#12 {strides = array<i32>} : memref<384xf32, #tpu.memory_space<vmem>>, vector<16xf32>,
        %swap3A_152 = arith.constant 208 : index
        %swap3A_153 = tpu.vector_load %arg10[%swap3A_152] {strides = array<i32>} : memref<384xf32, #tpu.memory_space<vmem>>, vector<16xf32>,
        tpu.vector_store %arg10[%swap3A_152], %scan3A_125#13 {strides = array<i32>} : memref<384xf32, #tpu.memory_space<vmem>>, vector<16xf32>,
        %swap3A_154 = arith.constant 224 : index
        %swap3A_155 = tpu.vector_load %arg10[%swap3A_154] {strides = array<i32>} : memref<384xf32, #tpu.memory_space<vmem>>, vector<16xf32>,
        tpu.vector_store %arg10[%swap3A_154], %scan3A_125#14 {strides = array<i32>} : memref<384xf32, #tpu.memory_space<vmem>>, vector<16xf32>,
        %swap3A_156 = arith.constant 240 : index
        %swap3A_157 = tpu.vector_load %arg10[%swap3A_156] {strides = array<i32>} : memref<384xf32, #tpu.memory_space<vmem>>, vector<16xf32>,
        tpu.vector_store %arg10[%swap3A_156], %scan3A_125#15 {strides = array<i32>} : memref<384xf32, #tpu.memory_space<vmem>>, vector<16xf32>,
        %swap3A_158 = arith.constant 256 : index
        %swap3A_159 = tpu.vector_load %arg10[%swap3A_158] {strides = array<i32>} : memref<384xf32, #tpu.memory_space<vmem>>, vector<16xf32>,
        tpu.vector_store %arg10[%swap3A_158], %scan3A_125#16 {strides = array<i32>} : memref<384xf32, #tpu.memory_space<vmem>>, vector<16xf32>,
        %swap3A_160 = arith.constant 272 : index
        %swap3A_161 = tpu.vector_load %arg10[%swap3A_160] {strides = array<i32>} : memref<384xf32, #tpu.memory_space<vmem>>, vector<16xf32>,
        tpu.vector_store %arg10[%swap3A_160], %scan3A_125#17 {strides = array<i32>} : memref<384xf32, #tpu.memory_space<vmem>>, vector<16xf32>,
        %swap3A_162 = arith.constant 288 : index
        %swap3A_163 = tpu.vector_load %arg10[%swap3A_162] {strides = array<i32>} : memref<384xf32, #tpu.memory_space<vmem>>, vector<16xf32>,
        tpu.vector_store %arg10[%swap3A_162], %scan3A_125#18 {strides = array<i32>} : memref<384xf32, #tpu.memory_space<vmem>>, vector<16xf32>,
        %swap3A_164 = arith.constant 304 : index
        %swap3A_165 = tpu.vector_load %arg10[%swap3A_164] {strides = array<i32>} : memref<384xf32, #tpu.memory_space<vmem>>, vector<16xf32>,
        tpu.vector_store %arg10[%swap3A_164], %scan3A_125#19 {strides = array<i32>} : memref<384xf32, #tpu.memory_space<vmem>>, vector<16xf32>,
        %swap3A_166 = arith.constant 320 : index
        %swap3A_167 = tpu.vector_load %arg10[%swap3A_166] {strides = array<i32>} : memref<384xf32, #tpu.memory_space<vmem>>, vector<16xf32>,
        tpu.vector_store %arg10[%swap3A_166], %scan3A_125#20 {strides = array<i32>} : memref<384xf32, #tpu.memory_space<vmem>>, vector<16xf32>,
        %swap3A_168 = arith.constant 336 : index
        %swap3A_169 = tpu.vector_load %arg10[%swap3A_168] {strides = array<i32>} : memref<384xf32, #tpu.memory_space<vmem>>, vector<16xf32>,
        tpu.vector_store %arg10[%swap3A_168], %scan3A_125#21 {strides = array<i32>} : memref<384xf32, #tpu.memory_space<vmem>>, vector<16xf32>,
        %swap3A_170 = arith.constant 352 : index
        %swap3A_171 = tpu.vector_load %arg10[%swap3A_170] {strides = array<i32>} : memref<384xf32, #tpu.memory_space<vmem>>, vector<16xf32>,
        tpu.vector_store %arg10[%swap3A_170], %scan3A_125#22 {strides = array<i32>} : memref<384xf32, #tpu.memory_space<vmem>>, vector<16xf32>,
        %swap3A_172 = arith.constant 368 : index
        %swap3A_173 = tpu.vector_load %arg10[%swap3A_172] {strides = array<i32>} : memref<384xf32, #tpu.memory_space<vmem>>, vector<16xf32>,
        tpu.vector_store %arg10[%swap3A_172], %scan3A_125#23 {strides = array<i32>} : memref<384xf32, #tpu.memory_space<vmem>>, vector<16xf32>,
        %mul3A_174 = arith.constant 32 : i32
        %mul3A_175 = arith.muli %add3A_55, %mul3A_174 : i32
        %add3A_176 = arith.addi %add3A, %mul3A_175 : i32
        %mul3A_177 = arith.constant 384 : i32
        %mul3A_178 = arith.muli %add3A_176, %mul3A_177 : i32
        %multiple_of3A = tpu.assume_multiple %mul3A_178, 128 : i32
        %dma_start3A = tpu.memref_slice %arg5[%multiple_of3A] : memref<614400xf32, #tpu.memory_space<hbm>> -> memref<384xf32, #tpu.memory_space<hbm>>
        %dma_start3A_179 = tpu.memref_slice %arg5[%multiple_of3A] : memref<614400xf32, #tpu.memory_space<hbm>> -> memref<384xf32, #tpu.memory_space<hbm>>
        tpu.enqueue_dma source(%arg10 : memref<384xf32, #tpu.memory_space<vmem>>) target(%dma_start3A_179 : memref<384xf32, #tpu.memory_space<hbm>>) target_semaphore(%arg14 : memref<!tpu.dma_semaphore, #tpu.memory_space<semaphore_mem>>)
      } else {
      }
    }
    %sub3A_36 = arith.constant 1 : i32
    %sub3A_37 = arith.subi %add3A_4, %sub3A_36 : i32
    %gt3A_38 = arith.constant 0 : i32
    %gt3A_39 = arith.cmpi sgt, %add3A_4, %gt3A_38 : i32
    %convert_element_type3A_40 = arith.extui %gt3A_39 : i1 to i32
    %cond3A_41 = arith.constant 0 : i32
    %cond3A_42 = arith.cmpi ne, %convert_element_type3A_40, %cond3A_41 : i32
    scf.if %cond3A_42 {
      %jit3A_43 = arith.constant 2 : i32
      %eq3A = arith.constant 0 : i32
      %eq3A_44 = arith.cmpi eq, %jit3A_43, %eq3A : i32
      %jit3A_45 = arith.constant 1 : i32
      %select_n3A_46 = arith.select %eq3A_44, %jit3A_45, %jit3A_43 : i32
      %rem3A_47 = arith.remsi %sub3A_37, %select_n3A_46 : i32
      %ne3A_48 = arith.constant 0 : i32
      %ne3A_49 = arith.cmpi ne, %rem3A_47, %ne3A_48 : i32
      %lt3A_50 = arith.constant 0 : i32
      %lt3A_51 = arith.cmpi slt, %rem3A_47, %lt3A_50 : i32
      %lt3A_52 = arith.constant 0 : i32
      %lt3A_53 = arith.cmpi slt, %select_n3A_46, %lt3A_52 : i32
      %ne3A_54 = arith.xori %lt3A_51, %lt3A_53 : i1
      %and3A_55 = arith.andi %ne3A_54, %ne3A_49 : i1
      %add3A_56 = arith.addi %rem3A_47, %select_n3A_46 : i32
      %select_n3A_57 = arith.select %and3A_55, %add3A_56, %rem3A_47 : i32
      %eq3A_58 = arith.constant 0 : i32
      %eq3A_59 = arith.cmpi eq, %select_n3A_57, %eq3A_58 : i32
      %convert_element_type3A_60 = arith.extui %eq3A_59 : i1 to i32
      %cond3A_61 = arith.constant 0 : i32
      %cond3A_62 = arith.cmpi ne, %convert_element_type3A_60, %cond3A_61 : i32
      scf.if %cond3A_62 {
        %dma_wait3A = arith.constant 0 : i32
        %dma_wait3A_84 = tpu.memref_slice %arg5[%dma_wait3A] : memref<614400xf32, #tpu.memory_space<hbm>> -> memref<384xf32, #tpu.memory_space<hbm>>
        %dma_wait3A_85 = arith.constant 0 : i32
        %dma_wait3A_86 = tpu.memref_slice %arg5[%dma_wait3A_85] : memref<614400xf32, #tpu.memory_space<hbm>> -> memref<384xf32, #tpu.memory_space<hbm>>
        tpu.wait_dma2 semaphore(%arg13 : memref<!tpu.dma_semaphore, #tpu.memory_space<semaphore_mem>>) src(%arg9 : memref<384xf32, #tpu.memory_space<vmem>>) dst(%dma_wait3A_86 : memref<384xf32, #tpu.memory_space<hbm>>)
      } else {
      }
      %jit3A_63 = arith.constant 2 : i32
      %eq3A_64 = arith.constant 0 : i32
      %eq3A_65 = arith.cmpi eq, %jit3A_63, %eq3A_64 : i32
      %jit3A_66 = arith.constant 1 : i32
      %select_n3A_67 = arith.select %eq3A_65, %jit3A_66, %jit3A_63 : i32
      %rem3A_68 = arith.remsi %sub3A_37, %select_n3A_67 : i32
      %ne3A_69 = arith.constant 0 : i32
      %ne3A_70 = arith.cmpi ne, %rem3A_68, %ne3A_69 : i32
      %lt3A_71 = arith.constant 0 : i32
      %lt3A_72 = arith.cmpi slt, %rem3A_68, %lt3A_71 : i32
      %lt3A_73 = arith.constant 0 : i32
      %lt3A_74 = arith.cmpi slt, %select_n3A_67, %lt3A_73 : i32
      %ne3A_75 = arith.xori %lt3A_72, %lt3A_74 : i1
      %and3A_76 = arith.andi %ne3A_75, %ne3A_70 : i1
      %add3A_77 = arith.addi %rem3A_68, %select_n3A_67 : i32
      %select_n3A_78 = arith.select %and3A_76, %add3A_77, %rem3A_68 : i32
      %eq3A_79 = arith.constant 1 : i32
      %eq3A_80 = arith.cmpi eq, %select_n3A_78, %eq3A_79 : i32
      %convert_element_type3A_81 = arith.extui %eq3A_80 : i1 to i32
      %cond3A_82 = arith.constant 0 : i32
      %cond3A_83 = arith.cmpi ne, %convert_element_type3A_81, %cond3A_82 : i32
      scf.if %cond3A_83 {
        %dma_wait3A = arith.constant 0 : i32
        %dma_wait3A_84 = tpu.memref_slice %arg5[%dma_wait3A] : memref<614400xf32, #tpu.memory_space<hbm>> -> memref<384xf32, #tpu.memory_space<hbm>>
        %dma_wait3A_85 = arith.constant 0 : i32
        %dma_wait3A_86 = tpu.memref_slice %arg5[%dma_wait3A_85] : memref<614400xf32, #tpu.memory_space<hbm>> -> memref<384xf32, #tpu.memory_space<hbm>>
        tpu.wait_dma2 semaphore(%arg14 : memref<!tpu.dma_semaphore, #tpu.memory_space<semaphore_mem>>) src(%arg10 : memref<384xf32, #tpu.memory_space<vmem>>) dst(%dma_wait3A_86 : memref<384xf32, #tpu.memory_space<hbm>>)
      } else {
      }
    } else {
    }
    return
  }
}

module attributes {stable_mosaic.version = 14 : i64} {
  func.func @_tc_body(%arg0: i32, %arg1: memref<1x64xf32, #tpu.memory_space<vmem>>, %arg2: memref<6144xf32, #tpu.memory_space<vmem>>, %arg3: memref<64x6144xf32, #tpu.memory_space<vmem>>, %arg4: memref<6144xf32, #tpu.memory_space<vmem>>) attributes {dimension_semantics = [#tpu.dimension_semantics<arbitrary>], iteration_bounds = array<i64: 63>, scalar_prefetch = 0 : i64, scratch_operands = 0 : i64, tpu.core_type = #tpu.core_type<tc>, window_params = [{pipeline_mode = #tpu.pipeline_mode<synchronous>, transform_indices = @transform_0, window_bounds = array<i64: 1, 64>}, {transform_indices = @transform_1, window_bounds = array<i64: 6144>}, {transform_indices = @transform_2, window_bounds = array<i64: 64, 6144>}, {transform_indices = @transform_3, window_bounds = array<i64: 6144>}]} {
    %get3A = arith.constant 0 : index
    %get3A_0 = arith.constant 0 : index
    %get3A_1 = vector.load %arg1[%get3A, %get3A_0] : memref<1x64xf32, #tpu.memory_space<vmem>>, vector<1x64xf32>
    %get3A_2 = arith.constant 0 : index
    %get3A_3 = arith.constant 0 : index
    %get3A_4 = vector.load %arg3[%get3A_2, %get3A_3] : memref<64x6144xf32, #tpu.memory_space<vmem>>, vector<64x6144xf32>
    %dot_general3A = arith.constant dense<0.000000e+00> : vector<1x6144xf32>
    %dot_general3A_5 = tpu.matmul %get3A_1, %get3A_4, %dot_general3A {dimension_numbers = #tpu.dot_dimension_numbers<[1], [0], [0], [1], [0, 0, 1, 1], [], []>, precision = #tpu.contract_precision<fp32>, transpose_lhs_hint = false} : vector<1x64xf32>, vector<64x6144xf32>, vector<1x6144xf32> -> vector<1x6144xf32>
    %get3A_6 = arith.constant 0 : index
    %get3A_7 = vector.load %arg2[%get3A_6] : memref<6144xf32, #tpu.memory_space<vmem>>, vector<6144xf32>
    %squeeze3A = vector.shape_cast %dot_general3A_5 : vector<1x6144xf32> to vector<6144xf32>
    %add3A = arith.addf %get3A_7, %squeeze3A : vector<6144xf32>
    %swap3A = arith.constant 0 : index
    %swap3A_8 = vector.load %arg4[%swap3A] : memref<6144xf32, #tpu.memory_space<vmem>>, vector<6144xf32>
    tpu.vector_store %arg4[%swap3A], %add3A {strides = array<i32>} : memref<6144xf32, #tpu.memory_space<vmem>>, vector<6144xf32>,
    return
  }
  func.func @transform_0(%arg0: i32) -> (i32, i32) {
    %c0_i32 = arith.constant 0 : i32
    %c0_i32_0 = arith.constant 0 : i32
    %c0_i32_1 = arith.constant 0 : i32
    return %c0_i32, %c0_i32_0 : i32, i32
  }
  func.func @transform_1(%arg0: i32) -> i32 {
    %add3A = arith.constant 100 : i32
    %add3A_0 = arith.addi %arg0, %add3A : i32
    %c0_i32 = arith.constant 0 : i32
    return %add3A_0 : i32
  }
  func.func @transform_2(%arg0: i32) -> (i32, i32) {
    %add3A = arith.constant 100 : i32
    %add3A_0 = arith.addi %arg0, %add3A : i32
    %c0_i32 = arith.constant 0 : i32
    %c0_i32_1 = arith.constant 0 : i32
    return %c0_i32, %add3A_0 : i32, i32
  }
  func.func @transform_3(%arg0: i32) -> i32 {
    %c0_i32 = arith.constant 0 : i32
    return %arg0 : i32
  }
}

</mosaic_0001>

<sc_bundles>
// kernel: _projection.4.cloned.1.call-start
scs
__scs_entry_jumppad:
0x0: {  	(pc) =	sbr.rel $0x88, $3  }
0x1: {  	(tag) =	ssettag $0x0;
	lr =	simm.s32 $0x1  }
0x2: {  	[smem:$0x3F9D] =	sst lr;
	_ =	strace $0xD0000000  }
0x3: {  	_ = 	snop  }
0x4: {  	_ = 	snop  }
0x5: {  	_ = 	snop  }
0x6: {  	_ = 	snop  }
0x7: {  	_ = 	snop  }
__scs_overlays_trampoline_lowered:
0x8: {  	[smem:$0x3FAC] =	sst s0  }
0x9: {  	[smem:$0x3FAD] =	sst s1  }
0xa: {  	[smem:$0x3FAE] =	sst s2  }
0xb: {  	[smem:$0x3FAF] =	sst s3  }
0xc: {  	[smem:$0x3FB0] =	sst s4  }
0xd: {  	[smem:$0x3FB1] =	sst s5  }
0xe: {  	[smem:$0x3FB2] =	sst s6  }
0xf: {  	[smem:$0x3FB3] =	sst s7  }
0x10: {  	[smem:$0x3FB4] =	sst s8  }
0x11: {  	[smem:$0x3FB5] =	sst s9;
	s0 =	simm.s32 @!p0 $0x0  }
0x12: {  	s1 =	sld [smem:$0x3F9B];
	s0 =	simm.s32 @p0 $0x1  }
0x13: {  	[smem:$0x3FB6] =	sst s0;
	s0 =	simm.s32 @!p1 $0x0  }
0x14: {  	s2 =	sld [smem:$0x3F9A];
	s0 =	simm.s32 @p1 $0x1  }
0x15: {  	[smem:$0x3FB7] =	sst s0;
	s0 =	simm.s32 @!p2 $0x0  }
0x16: {  	s3 =	sld [smem:$0x3FDB];
	s0 =	simm.s32 @p2 $0x1  }
0x17: {  	s4 =	simm.s32 $0x1BF5;
	[smem:$0x3FB9] =	sst s0  }
0x18: {  	s0 =	sld [smem:$0x3F9C];
	_ =	swait.ge [sflag:s4], $0x0  }
0x19: {  	s7 =	sld [smem:$0x3F9D]  }
0x1a: {  	s8 =	sadd.s32 $0xFFFFE003, lr  }
0x1b: {  	s9 =	sadd.s32 $0xFFFFFEF7, lr;
	s5 =	simm.s32 $0xFFFFFFFF;
	p2 =	slt.u32 s8, $0xFFFFF086  }
0x1c: {  	p1 =	slt.u32 s9, $0xF7A;
	s5 =	simm.s32 @!p2 $0x0  }
0x1d: {  	s5 =	simm.s32 @p1 $0x1;
	p0 =	seq.s32 s7, s2  }
0x1e: {  	s7 =	smul.u32 @!p0 $0xF7A, s2;
	p2 =	seq.s32 @!p0 s5, $0x0  }
0x1f: {  	s9 =	smul.u32 $0xF7A, s1;
	s8 =	simm.s32 @!p0 $0x1BF5;
	p2 =	por !p2, p0  }
0x20: {  	[sflag:s8] =	ssyncset.s32 @!p0 $0xFFFFF086;
	s6 =	sadd.s32 @!p0 s3, s7;
	s7 =	simm.s32 @!p0 $0x108  }
0x21: {  	s3 =	sadd.s32 s3, s9;
	s6 =	sadd.s32 @!p0 $0x88, s6;
	s7 =	simm.s32 @p2 $0x1082  }
0x22: {  	[simem:s7], [sflag:s8] =	dma.local @!p0 [hbm:s6], $0xF7A  }
0x23: {  	s9 =	sor.u32 $0xD0000000, s2;
	s6 =	simm.s32 $0x108;
	_ =	swait.ge @!p0 [sflag:s8], $0x0  }
0x24: {  	s3 =	sadd.s32 $0x88, s3;
	s6 =	simm.s32 @!p1 $0x1082;
	[sflag:s4] =	ssyncset.s32 $0xFFFFF086  }
0x25: {  	[simem:s6], [sflag:s4] =	dma.local [hbm:s3], $0xF7A  }
0x26: {  	[smem:$0x3F9D] =	sst s1;
	(tag) =	ssettag s2;
	_ =	strace s9  }
0x27: {  	s1 =	sld [smem:$0x3FAD]  }
0x28: {  	s2 =	sld [smem:$0x3FAE]  }
0x29: {  	s4 =	sld [smem:$0x3FB0]  }
0x2a: {  	p0 =	seq.s32 s5, $0x0;
	s5 =	sld [smem:$0x3FB1]  }
0x2b: {  	s6 =	sld [smem:$0x3FB2]  }
0x2c: {  	s7 =	sld [smem:$0x3FB3]  }
0x2d: {  	s3 =	simm.s32 $0x108;
	s8 =	sld [smem:$0x3FB4]  }
0x2e: {  	s3 =	simm.s32 @!p0 $0x1082;
	s9 =	sld [smem:$0x3FB5]  }
0x2f: {  	lr =	sadd.s32 s0, s3;
	s0 =	sld [smem:$0x3FAC]  }
0x30: {  	s3 =	sld [smem:$0x3FAF]  }
0x31: {  	[smem:$0x3FB8] =	sst s10  }
0x32: {  	s10 =	sld [smem:$0x3FB6];
	_ =	sdelay $0x3  }
0x33: {  	p0 =	seq.s32 s10, $0x1;
	s10 =	sld [smem:$0x3FB8];
	_ =	sdelay $0x3  }
0x34: {  	[smem:$0x3FB8] =	sst s10  }
0x35: {  	s10 =	sld [smem:$0x3FB7];
	_ =	sdelay $0x3  }
0x36: {  	p1 =	seq.s32 s10, $0x1;
	s10 =	sld [smem:$0x3FB8];
	_ =	sdelay $0x3  }
0x37: {  	[smem:$0x3FB8] =	sst s10  }
0x38: {  	s10 =	sld [smem:$0x3FB9]  }
0x39: {  	_ = 	snop;
	(pc) =	sbr.ind lr, $3  }
0x3a: {  	_ = 	snop  }
0x3b: {  	_ = 	snop  }
0x3c: {  	p2 =	seq.s32 s10, $0x1;
	s10 =	sld [smem:$0x3FB8]  }
0x3d: {  	_ =	shalt  }
0x3e: {  	_ =	shalt  }
0x3f: {  	_ =	shalt  }
0x40: {  	_ =	shalt  }
0x41: {  	_ =	shalt  }
0x42: {  	_ =	shalt  }
0x43: {  	_ =	shalt  }
0x44: {  	_ =	shalt  }
0x45: {  	_ =	shalt  }
0x46: {  	_ =	shalt  }
0x47: {  	_ =	shalt  }
0x48: {  	_ =	shalt  }
0x49: {  	_ =	shalt  }
0x4a: {  	_ =	shalt  }
0x4b: {  	_ =	shalt  }
0x4c: {  	_ =	shalt  }
0x4d: {  	_ =	shalt  }
0x4e: {  	_ =	shalt  }
0x4f: {  	_ =	shalt  }
0x50: {  	_ =	shalt  }
0x51: {  	_ =	shalt  }
0x52: {  	_ =	shalt  }
0x53: {  	_ =	shalt  }
0x54: {  	_ =	shalt  }
0x55: {  	_ =	shalt  }
0x56: {  	_ =	shalt  }
0x57: {  	_ =	shalt  }
0x58: {  	_ =	shalt  }
0x59: {  	_ =	shalt  }
0x5a: {  	_ =	shalt  }
0x5b: {  	_ =	shalt  }
0x5c: {  	_ =	shalt  }
0x5d: {  	_ =	shalt  }
0x5e: {  	_ =	shalt  }
0x5f: {  	_ =	shalt  }
0x60: {  	_ =	shalt  }
0x61: {  	_ =	shalt  }
0x62: {  	_ =	shalt  }
0x63: {  	_ =	shalt  }
0x64: {  	_ =	shalt  }
0x65: {  	_ =	shalt  }
0x66: {  	_ =	shalt  }
0x67: {  	_ =	shalt  }
0x68: {  	_ =	shalt  }
0x69: {  	_ =	shalt  }
0x6a: {  	_ =	shalt  }
0x6b: {  	_ =	shalt  }
0x6c: {  	_ =	shalt  }
0x6d: {  	_ =	shalt  }
0x6e: {  	_ =	shalt  }
0x6f: {  	_ =	shalt  }
0x70: {  	_ =	shalt  }
0x71: {  	_ =	shalt  }
0x72: {  	_ =	shalt  }
0x73: {  	_ =	shalt  }
0x74: {  	_ =	shalt  }
0x75: {  	_ =	shalt  }
0x76: {  	_ =	shalt  }
0x77: {  	_ =	shalt  }
0x78: {  	_ =	shalt  }
0x79: {  	_ =	shalt  }
0x7a: {  	_ =	shalt  }
0x7b: {  	_ =	shalt  }
0x7c: {  	_ =	shalt  }
0x7d: {  	_ =	shalt  }
0x7e: {  	_ =	shalt  }
0x7f: {  	_ =	shalt  }
0x80: {  	_ =	shalt  }
0x81: {  	_ =	shalt  }
0x82: {  	_ =	shalt  }
0x83: {  	_ =	shalt  }
0x84: {  	_ =	shalt  }
0x85: {  	_ =	shalt  }
0x86: {  	_ =	shalt  }
0x87: {  	_ =	shalt  }
.Lfunc_end0:
.L_simem_size_0:
called_computation_lowered:
.L_overlay_start_0:
0x88: {  	s2 =	sld [smem:$0x3FD9]  }
0x89: {  	s3 =	sld [smem:$0x3FFE];
	_ =	sdelay $0x1  }
0x8a: {  	s1 =	srdreg.scid  }
0x8b: {  	s0 =	sand.u32 $0x1, s1  }
0x8c: {  	s17 =	sshll.u32 s0, $0xA;
	s2 =	sadd.s32 s3, s2  }
0x8d: {  	s2 =	sadd.s32 s2, s17  }
0x8e: {  	[smem:$0x3FC4] =	sst s2  }
0x8f: {  	_ = 	snop  }
0x90: {  	s2 =	sld [smem:$0x3FC9]  }
0x91: {  	s18 =	sld [smem:$0x3FC7]  }
0x92: {  	s4 =	sld [smem:$0x3FC6];
	(tm) =	ssettm $0x1  }
0x93: {  	s5 =	sld [smem:$0x3FFB];
	_ =	sdelay $0x3  }
0x94: {  	_ =	strace s5  }
0x95: {  	s5 =	sld [smem:$0x3FFC];
	_ =	sdelay $0x3  }
0x96: {  	_ =	strace s5  }
0x97: {  	s5 =	sld [smem:$0x3FFD];
	_ =	sdelay $0x3  }
0x98: {  	_ =	strace s5  }
0x99: {  	_ =	strace $0x8FFFFFFF  }
0x9a: {  	s19 =	sld [smem:$0x3FDB];
	_ =	sdelay $0x1  }
0x9b: {  	s6 =	simm.s32 $_scs_section_size  }
0x9c: {  	s7 =	simm.s32 $_size__tile_overlayer_lowered;
	s8 =	simm.s32 $_tile_overlayer_lowered  }
0x9d: {  	s22 =	simm.s32 $0x1BFF;
	s21 =	sshll.u32 s8, $0x1;
	s5 =	sadd.s32 s6, s19  }
0x9e: {  	s9 =	simm.s32 $0x0;
	s20 =	sshll.u32 s7, $0x1;
	s7 =	sadd.s32 s21, s5  }
0x9f: {  	[timem:s9], [sflag:s22] =	dma.local [hbm:s7], s20  }
0xa0: {  	_ =	swait.ge [sflag:s22], s20  }
0xa1: {  	s6 =	ssub.s32 $0x0, s20;
	[sflag:s22] =	ssyncset.done $0x0  }
0xa2: {  	[sflag:s22] =	ssyncadd.s32 s6;
	_ =	sdelay $0x1  }
0xa3: {  	s23 =	simm.s32 $0x1B8B  }
0xa4: {  	_ =	swait.ge [sflag:s23], $0x1  }
0xa5: {  	[sflag:s23] =	ssyncset.done $0x0  }
0xa6: {  	s25 =	simm.s32 $0x1B8E;
	s24 =	sld [smem:$0x3FFE];
	[sflag:s23] =	ssyncadd.s32 $0xFFFFFFFF  }
0xa7: {  	s26 =	simm.s32 $execute0_lowered;
	[smem:$0x3FD2] =	sst s25  }
0xa8: {  	s7 =	sshll.u32 s26, $0x1;
	_ =	strace $0x80000046;
	[dreg:$0x1] =	wrdreg $0xFFFFFFFF  }
0xa9: {  	s28 =	simm.s32 $_size_execute0_lowered;
	s5 =	sadd.s32 s5, s7;
	[dreg:$0x0] =	wrdreg $0x0  }
0xaa: {  	s7 =	sshll.u32 s28, $0x1;
	[dreg:$0x2] =	wrdreg s5  }
0xab: {  	[dreg:$0x3] =	wrdreg s7  }
0xac: {  	[dreg:$0x4] =	wrdreg $0xC0  }
0xad: {  	_ =	task [dreg:s9], $0x5FFFF  }
0xae: {  	[dreg:$0x1] =	wrdreg $0xFFFFFFFF  }
0xaf: {  	[dreg:$0x0] =	wrdreg $0x60  }
0xb0: {  	[dreg:$0x2] =	wrdreg s2  }
0xb1: {  	[dreg:$0x3] =	wrdreg s18  }
0xb2: {  	[dreg:$0x4] =	wrdreg s4  }
0xb3: {  	[dreg:$0x5] =	wrdreg s24  }
0xb4: {  	[dreg:$0x6] =	wrdreg $0x9  }
0xb5: {  	_ =	task.clear_ibuf [dreg:s9], $0x7FFFF;
	_ =	strace $0x90000046  }
0xb6: {  	s29 =	simm.s32 $0x9;
	_ =	strace $0x80000048  }
0xb7: {  	_ =	swait.ge [sflag:s29], $0x1  }
0xb8: {  	[sflag:s29] =	ssyncadd.s32 $0xFFFFFFFF  }
0xb9: {  	_ =	strace $0x90000048  }
0xba: {  	_ =	sfence  }
0xbb: {  	s30 =	sld [smem:$0x0];
	_ =	sdelay $0x2  }
0xbc: {  	s31 =	sshll.u32 s1, $0xD;
	s1 =	sshrl.u32 s1, $0x2  }
0xbd: {  	s3 =	sand.u32 $0x4000, s31;
	s1 =	sadd.s32 s1, s30  }
0xbe: {  	s0 =	sor.u32 s3, s0;
	s1 =	sshll.u32 s1, $0x11  }
0xbf: {  	s0 =	sor.u32 s1, s0  }
0xc0: {  	s0 =	sadd.s32 $0x8F2B, s0  }
0xc1: {  	[sflag:s0] =	ssyncadd.remote.s32 $0x1  }
0xc2: {  	_ =	sfence.sel $0xFFFF  }
0xc3: {  	[dreg:$0x0] =	wrdreg $0xFFFFFFFF;
	(pc) =	sbr.abs _section_cstart, $3  }
0xc4: {  	[dreg:$0x1] =	wrdreg $0xFFFFFFFF  }
0xc5: {  	_ =	task.clear_ibuf [dreg:s9], $0x2FFFF;
	_ =	strace $0x9FFFFFFF  }
0xc6: {  	(tm) =	ssettm $0x7FFFFFFF  }
0xc7: {  	_ =	shalt  }
tec
execute0_lowered:
.L_overlay_start_1:
0x0: {  	(tag) =	ssettag $0x1  }
0x1: {  	s2 =	rddreg [dreg:$0x1]  }
0x2: {  	s4 =	rddreg [dreg:$0x2];
	s0 =	srdreg.scid  }
0x3: {  	s3 =	stileid.u32;
	s1 =	rddreg [dreg:$0x3]  }
0x4: {  	s6 =	simm.s32 $0x0;
	s12 =	simm.s32 $0x5;
	s13 =	simm.s32 $0xC00  }
0x5: {  	s14 =	simm.s32 $0x7A3400;
	s16 =	simm.s32 $0xC400;
	s17 =	simm.s32 $0x6400  }
0x6: {  	s18 =	simm.s32 $0xC580;
	s19 =	simm.s32 $0x1;
	s20 =	simm.s32 $0x2  }
0x7: {  	s21 =	simm.s32 $0x4;
	s0 =	sand.u32 $0x1, s0;
	s3 =	sshll.u32 s3, $0x1  }
0x8: {  	s22 =	simm.s32 $0x0;
	[smem:$0x7FF] =	sst s6;
	s5 =	sor.u32 s0, s3  }
0x9: {  	s7 =	sadd.s32 $0x800, s1;
	s0 =	ssub.s32 $0x2, s0;
	s3 =	smul.u32 $0x180, s5  }
0xa: {  	_ =	strace $0x80000047;
	s8 =	sshrl.u32 s0, $0x1;
	s9 =	smul.u32 $0x30, s5  }
0xb: {  	s10 =	sor.u32 $0x40, s5;
	s0 =	ssub.s32 s0, s8;
	s31 =	sadd.s32 s4, s3  }
0xc: {  	s9 =	sadd.s32 s2, s9;
	s11 =	smax.u32 s0, $0x1;
	[dreg:$0x5] =	wrdreg s31  }
.LBB2_1:
0xd: {  	s0 =	rddreg [dreg:$0x0]  }
0xe: {  	[tilespmem:s6], [sflag:$0x5] =	stream.linear.gather [hbm4b:s0+s6], $0x400, $0x38;
	[tilespmem:$0xC700] =	vst v63  }
0xf: {  	_ =	swait.ge [sflag:s12], $0x400  }
0x10: {  	[sflag:s12] =	ssyncset.done $0x0  }
0x11: {  	s1 =	simm.s32 $0x400;
	s31 =	rddreg [dreg:$0x5];
	[sflag:s12] =	ssyncadd.s32 $0xFFFFFC00  }
0x12: {  	[tilespmem:s1], [sflag:$0x1] =	stream.strided.gather [hbm4b:s31+s13], $0x6000, s14, s13, $0x38;
	[tilespmem:$0xC700] =	vst v63  }
0x13: {  	s23 =	simm.s32 $0x0  }
0x14: {  	[tilespmem:s16], [sflag:$0x1] =	stream.linear.gather [hbm4b:s9+s6], $0x180, $0x38;
	[tilespmem:$0xC700] =	vst v63  }
.LBB2_2:
0x15: {  	s25 =	sshll.u32 s23, $0x6  }
0x16: {  	p0 =	seq.s32 s23, $0x0;
	s26 =	sor.u32 s25, s5  }
0x17: {  	s0 =	simm.s32 @!p0 $0x4;
	s1 =	sor.u32 $0x20, s26  }
0x18: {  	_ =	swait.ge @!p0 [sflag:s0], $0x180;
	s3 =	smul.u32 $0x180, s1  }
0x19: {  	[sflag:s0] =	ssyncset.done @!p0 $0x0  }
0x1a: {  	s24 =	smul.u32 $0x30, s1;
	[sflag:s0] =	ssyncadd.s32 @!p0 $0xFFFFFE80;
	s15 =	sadd.s32 s4, s3  }
0x1b: {  	[tilespmem:s17], [sflag:$0x2] =	stream.strided.gather [hbm4b:s15+s13], $0x6000, s14, s13, $0x38;
	[tilespmem:$0xC700] =	vst v63  }
0x1c: {  	s1 =	sadd.s32 s2, s24  }
0x1d: {  	[tilespmem:s18], [sflag:$0x2] =	stream.linear.gather [hbm4b:s1+s6], $0x180, $0x38;
	[tilespmem:$0xC700] =	vst v63  }
0x1e: {  	_ =	swait.ge [sflag:s19], $0x6000  }
0x1f: {  	[sflag:s19] =	ssyncset.done $0x0  }
0x20: {  	[sflag:s19] =	ssyncadd.s32 $0xFFFFA000  }
0x21: {  	_ =	swait.ge [sflag:s19], $0x180  }
0x22: {  	[sflag:s19] =	ssyncset.done $0x0  }
0x23: {  	[sflag:s19] =	ssyncadd.s32 $0xFFFFFE80  }
0x24: {  	v14 =	vld [tilespmem:$0xC400]  }
0x25: {  	v15 =	vld [tilespmem:$0xC410]  }
0x26: {  	v16 =	vld [tilespmem:$0xC420]  }
0x27: {  	v17 =	vld [tilespmem:$0xC430]  }
0x28: {  	v20 =	vld [tilespmem:$0xC440]  }
0x29: {  	v21 =	vld [tilespmem:$0xC450]  }
0x2a: {  	v22 =	vld [tilespmem:$0xC460]  }
0x2b: {  	v23 =	vld [tilespmem:$0xC470]  }
0x2c: {  	v25 =	vld [tilespmem:$0xC480]  }
0x2d: {  	v27 =	vld [tilespmem:$0xC490]  }
0x2e: {  	v28 =	vld [tilespmem:$0xC4A0]  }
0x2f: {  	v30 =	vld [tilespmem:$0xC4B0]  }
0x30: {  	v13 =	vld [tilespmem:$0xC4C0]  }
0x31: {  	v12 =	vld [tilespmem:$0xC4D0]  }
0x32: {  	v10 =	vld [tilespmem:$0xC4E0]  }
0x33: {  	v8 =	vld [tilespmem:$0xC4F0]  }
0x34: {  	v9 =	vld [tilespmem:$0xC500]  }
0x35: {  	v7 =	vld [tilespmem:$0xC510]  }
0x36: {  	v6 =	vld [tilespmem:$0xC520]  }
0x37: {  	v5 =	vld [tilespmem:$0xC530]  }
0x38: {  	s3 =	simm.s32 $0x0;
	v4 =	vld [tilespmem:$0xC540]  }
0x39: {  	s0 =	smul.u32 $0x3000, s3;
	v3 =	vld [tilespmem:$0xC550]  }
0x3a: {  	v1 =	vld [tilespmem:$0xC560]  }
0x3b: {  	s28 =	simm.s32 $0x80;
	s29 =	simm.s32 $0x10;
	s0 =	sshra.s32 s0, $0x2;
	v2 =	vld [tilespmem:$0xC570]  }
0x3c: {  	s3 =	sand.u32 $0x380, s28;
	s1 =	sadd.s32 $0x400, s0;
	v0 =	vld [tilespmem:s29+$0x0]  }
0x3d: {  	s15 =	sor.u32 s3, s1;
	v11 =	vld [tilespmem:s29+$0xFFFFFFF0]  }
0x3e: {  	v18 =	vld [tilespmem:s15+$0x0]  }
0x3f: {  	v19 =	vld [tilespmem:s15+$0x10]  }
0x40: {  	v24 =	vld [tilespmem:s15+$0x20]  }
0x41: {  	v26 =	vld [tilespmem:s15+$0x30]  }
0x42: {  	v29 =	vld [tilespmem:s15+$0x40]  }
0x43: {  	v31 =	vld [tilespmem:s15+$0x50]  }
0x44: {  	s31 =	sadd.s32 $0x800, s0;
	v32 =	vld [tilespmem:s15+$0x60]  }
0x45: {  	s8 =	sor.u32 s3, s31;
	v33 =	vld [tilespmem:s15+$0x70]  }
0x46: {  	v34 =	vld [tilespmem:s8+$0x0]  }
0x47: {  	v35 =	vld [tilespmem:s8+$0x10]  }
0x48: {  	v36 =	vld [tilespmem:s8+$0x20]  }
0x49: {  	v37 =	vld [tilespmem:s8+$0x30]  }
0x4a: {  	v38 =	vld [tilespmem:s8+$0x40]  }
0x4b: {  	v39 =	vld [tilespmem:s8+$0x50]  }
0x4c: {  	s0 =	sadd.s32 $0xC00, s0;
	v40 =	vld [tilespmem:s8+$0x60]  }
0x4d: {  	s30 =	sor.u32 s3, s0;
	v41 =	vld [tilespmem:s8+$0x70]  }
0x4e: {  	v42 =	vld [tilespmem:s30+$0x0];
	s8 =	simm.s32 $0x0  }
0x4f: {  	v43 =	vld [tilespmem:s30+$0x10];
	s3 =	sand.u32 $0x300, s8  }
0x50: {  	v53 =	vld [tilespmem:s30+$0x50];
	s1 =	sor.u32 s3, s1;
	v44 =	vmul.f32 v18, v0  }
0x51: {  	v54 =	vld [tilespmem:s1+$0x0];
	v45 =	vmul.f32 v19, v0;
	v46 =	vmul.f32 v24, v0  }
0x52: {  	v57 =	vld [tilespmem:s1+$0x10];
	v47 =	vmul.f32 v26, v0;
	v48 =	vmul.f32 v29, v0  }
0x53: {  	v60 =	vld [tilespmem:s1+$0x40];
	v49 =	vmul.f32 v31, v0;
	v51 =	vmul.f32 v32, v0  }
0x54: {  	v61 =	vld [tilespmem:s1+$0x50];
	v52 =	vmul.f32 v33, v0;
	v55 =	vmul.f32 v34, v0  }
0x55: {  	v62 =	vld [tilespmem:s1+$0x60];
	v56 =	vmul.f32 v35, v0;
	v58 =	vmul.f32 v36, v0  }
0x56: {  	v18 =	vld [tilespmem:s30+$0x20];
	v59 =	vmul.f32 v37, v0;
	v35 =	vmul.f32 v38, v0  }
0x57: {  	v36 =	vld [tilespmem:s1+$0x20];
	v34 =	vmul.f32 v39, v0;
	v33 =	vmul.f32 v40, v0  }
0x58: {  	v37 =	vld [tilespmem:s1+$0x30];
	v32 =	vmul.f32 v41, v0;
	v31 =	vmul.f32 v42, v0  }
0x59: {  	v50 =	vld [tilespmem:s30+$0x40];
	v63 =	vmul.f32 v54, v11;
	v38 =	vmul.f32 v60, v11  }
0x5a: {  	v19 =	vld [tilespmem:s30+$0x30];
	v61 =	vmul.f32 v61, v11;
	v62 =	vmul.f32 v62, v11  }
0x5b: {  	s15 =	sor.u32 s3, s31;
	v54 =	vld [tilespmem:s1+$0x70];
	v26 =	vmul.f32 v18, v0;
	v18 =	vmul.f32 v53, v0  }
0x5c: {  	v60 =	vld [tilespmem:s15+$0x10];
	v53 =	vmul.f32 v57, v11;
	v36 =	vmul.f32 v36, v11;
	v14 =	vadd.f32 v63, v14  }
0x5d: {  	v37 =	vmul.f32 v37, v11;
	v57 =	vld [tilespmem:s15+$0x0];
	v20 =	vadd.f32 v38, v20;
	v21 =	vadd.f32 v61, v21  }
0x5e: {  	v29 =	vmul.f32 v43, v0;
	v40 =	vld [tilespmem:s15+$0x30];
	v22 =	vadd.f32 v62, v22;
	v15 =	vadd.f32 v53, v15  }
0x5f: {  	v24 =	vmul.f32 v19, v0;
	v16 =	vadd.f32 v36, v16;
	v17 =	vadd.f32 v37, v17;
	v37 =	vld [tilespmem:s15+$0x20]  }
0x60: {  	v19 =	vmul.f32 v50, v0;
	v61 =	vld [tilespmem:s15+$0x60];
	v14 =	vadd.f32 v44, v14;
	v20 =	vadd.f32 v48, v20  }
0x61: {  	v53 =	vld [tilespmem:s15+$0x40];
	v21 =	vadd.f32 v49, v21;
	v22 =	vadd.f32 v51, v22;
	v63 =	vmul.f32 v54, v11  }
0x62: {  	v60 =	vmul.f32 v60, v11;
	v15 =	vadd.f32 v45, v15;
	v54 =	vmul.f32 v57, v11;
	v57 =	vld [tilespmem:s15+$0x50]  }
0x63: {  	s0 =	sor.u32 s3, s0;
	v62 =	vld [tilespmem:s15+$0x70];
	v40 =	vmul.f32 v40, v11;
	v16 =	vadd.f32 v46, v16;
	v17 =	vadd.f32 v47, v17  }
0x64: {  	v38 =	vld [tilespmem:s0+$0x0];
	v23 =	vadd.f32 v63, v23;
	v27 =	vadd.f32 v60, v27;
	v37 =	vmul.f32 v37, v11  }
0x65: {  	v39 =	vld [tilespmem:s0+$0x10];
	v63 =	vadd.f32 v40, v30;
	v42 =	vmul.f32 v61, v11;
	v25 =	vadd.f32 v54, v25  }
0x66: {  	v40 =	vld [tilespmem:s0+$0x20];
	v23 =	vadd.f32 v52, v23;
	v41 =	vmul.f32 v53, v11;
	v28 =	vadd.f32 v37, v28  }
0x67: {  	v27 =	vadd.f32 v56, v27;
	v37 =	vld [tilespmem:s0+$0x30];
	v30 =	vadd.f32 v55, v25;
	v43 =	vmul.f32 v57, v11  }
0x68: {  	s31 =	simm.s32 $0x0;
	v36 =	vld [tilespmem:s0+$0x40];
	v44 =	vmul.f32 v62, v11;
	v25 =	vadd.f32 v59, v63;
	v28 =	vadd.f32 v58, v28  }
.LBB2_3:
0x69: {  	s31 =	sadd.s32 $0x2, s31;
	v13 =	vadd.f32 v41, v13;
	v12 =	vadd.f32 v43, v12;
	v38 =	vmul.f32 v38, v11;
	v41 =	vld [tilespmem:s0+$0x50]  }
0x6a: {  	v10 =	vadd.f32 v42, v10;
	s1 =	sshrl.u32 s31, $0x3;
	p0 =	slt.u32 s31, $0x3E;
	v8 =	vadd.f32 v44, v8;
	v39 =	vmul.f32 v39, v11;
	v42 =	vld [tilespmem:s0+$0x60]  }
0x6b: {  	s1 =	smul.u32 $0x3000, s1;
	v40 =	vmul.f32 v40, v11;
	v43 =	vld [tilespmem:s0+$0x70];
	v13 =	vadd.f32 v35, v13;
	v12 =	vadd.f32 v34, v12  }
0x6c: {  	v10 =	vadd.f32 v33, v10;
	v34 =	vmul.f32 v37, v11;
	v8 =	vadd.f32 v32, v8;
	v32 =	vld [tilespmem:s30+$0x60]  }
0x6d: {  	s28 =	sadd.s32 $0x100, s28;
	s29 =	sadd.s32 $0x20, s29;
	v9 =	vadd.f32 v38, v9;
	v7 =	vadd.f32 v39, v7;
	s1 =	sshra.s32 s1, $0x2;
	v33 =	vmul.f32 v36, v11;
	v35 =	vld [tilespmem:s30+$0x70]  }
0x6e: {  	s30 =	sand.u32 $0x380, s28;
	v6 =	vadd.f32 v40, v6;
	s0 =	sadd.s32 $0x400, s1;
	v36 =	vld [tilespmem:s29+$0x0];
	v5 =	vadd.f32 v34, v5;
	v34 =	vmul.f32 v41, v11  }
0x6f: {  	v9 =	vadd.f32 v31, v9;
	v7 =	vadd.f32 v29, v7;
	v37 =	vld [tilespmem:s29+$0xFFFFFFF0];
	s3 =	sor.u32 s30, s0;
	v38 =	vmul.f32 v42, v11  }
0x70: {  	v6 =	vadd.f32 v26, v6;
	v29 =	vld [tilespmem:s3+$0x0];
	v11 =	vmul.f32 v43, v11;
	v5 =	vadd.f32 v24, v5  }
0x71: {  	v4 =	vadd.f32 v33, v4;
	v3 =	vadd.f32 v34, v3;
	v24 =	vld [tilespmem:s3+$0x10];
	v26 =	vmul.f32 v32, v0  }
0x72: {  	v1 =	vadd.f32 v38, v1;
	v31 =	vld [tilespmem:s3+$0x20];
	v2 =	vadd.f32 v11, v2;
	v33 =	vmul.f32 v35, v0  }
0x73: {  	v4 =	vadd.f32 v19, v4;
	v3 =	vadd.f32 v18, v3;
	v32 =	vld [tilespmem:s3+$0x30];
	v0 =	vmov v36  }
0x74: {  	v1 =	vadd.f32 v26, v1;
	v18 =	vld [tilespmem:s3+$0x40];
	v2 =	vadd.f32 v33, v2;
	v11 =	vmov v37  }
0x75: {  	v19 =	vld [tilespmem:s3+$0x50]  }
0x76: {  	s15 =	sadd.s32 $0x800, s1;
	v26 =	vld [tilespmem:s3+$0x60]  }
0x77: {  	s8 =	sor.u32 s30, s15;
	v33 =	vld [tilespmem:s3+$0x70]  }
0x78: {  	v34 =	vld [tilespmem:s8+$0x0]  }
0x79: {  	v35 =	vld [tilespmem:s8+$0x10]  }
0x7a: {  	v36 =	vld [tilespmem:s8+$0x20]  }
0x7b: {  	v37 =	vld [tilespmem:s8+$0x30]  }
0x7c: {  	v38 =	vld [tilespmem:s8+$0x40]  }
0x7d: {  	v39 =	vld [tilespmem:s8+$0x50]  }
0x7e: {  	s3 =	sadd.s32 $0xC00, s1;
	v40 =	vld [tilespmem:s8+$0x60]  }
0x7f: {  	s30 =	sor.u32 s30, s3;
	v41 =	vld [tilespmem:s8+$0x70]  }
0x80: {  	v42 =	vld [tilespmem:s30+$0x0]  }
0x81: {  	v43 =	vld [tilespmem:s30+$0x10]  }
0x82: {  	v44 =	vmul.f32 v29, v0;
	v45 =	vmul.f32 v24, v0;
	v24 =	vld [tilespmem:s30+$0x20]  }
0x83: {  	s1 =	sadd.s32 $0xFFFFFF80, s28;
	v46 =	vmul.f32 v31, v0;
	v47 =	vmul.f32 v32, v0;
	v48 =	vld [tilespmem:s30+$0x30]  }
0x84: {  	s1 =	sand.u32 $0x300, s1;
	v49 =	vmul.f32 v18, v0;
	v50 =	vmul.f32 v19, v0;
	v18 =	vld [tilespmem:s30+$0x40]  }
0x85: {  	s0 =	sor.u32 s1, s0;
	v51 =	vmul.f32 v26, v0;
	v52 =	vmul.f32 v33, v0;
	v53 =	vld [tilespmem:s30+$0x50]  }
0x86: {  	v55 =	vmul.f32 v34, v0;
	v56 =	vmul.f32 v35, v0;
	v54 =	vld [tilespmem:s0+$0x0]  }
0x87: {  	v58 =	vmul.f32 v36, v0;
	v59 =	vmul.f32 v37, v0;
	v57 =	vld [tilespmem:s0+$0x10]  }
0x88: {  	v35 =	vmul.f32 v38, v0;
	v34 =	vmul.f32 v39, v0;
	v36 =	vld [tilespmem:s0+$0x20]  }
0x89: {  	v33 =	vmul.f32 v40, v0;
	v32 =	vmul.f32 v41, v0;
	v37 =	vld [tilespmem:s0+$0x30]  }
0x8a: {  	v31 =	vmul.f32 v42, v0;
	v29 =	vmul.f32 v43, v0;
	v38 =	vld [tilespmem:s0+$0x40]  }
0x8b: {  	v26 =	vmul.f32 v24, v0;
	v24 =	vmul.f32 v48, v0;
	v39 =	vld [tilespmem:s0+$0x50]  }
0x8c: {  	v19 =	vmul.f32 v18, v0;
	v18 =	vmul.f32 v53, v0;
	v40 =	vld [tilespmem:s0+$0x60]  }
0x8d: {  	v41 =	vmul.f32 v54, v11;
	v42 =	vmul.f32 v57, v11;
	v43 =	vld [tilespmem:s0+$0x70];
	s0 =	sor.u32 s1, s15  }
0x8e: {  	v36 =	vmul.f32 v36, v11;
	v37 =	vmul.f32 v37, v11;
	v48 =	vld [tilespmem:s0+$0x0]  }
0x8f: {  	v14 =	vadd.f32 v41, v14;
	v15 =	vadd.f32 v42, v15;
	v38 =	vmul.f32 v38, v11;
	v41 =	vld [tilespmem:s0+$0x10]  }
0x90: {  	v16 =	vadd.f32 v36, v16;
	v17 =	vadd.f32 v37, v17;
	v36 =	vmul.f32 v39, v11;
	v37 =	vld [tilespmem:s0+$0x20]  }
0x91: {  	v14 =	vadd.f32 v44, v14;
	v15 =	vadd.f32 v45, v15;
	v39 =	vmul.f32 v40, v11;
	v40 =	vld [tilespmem:s0+$0x30]  }
0x92: {  	v16 =	vadd.f32 v46, v16;
	v42 =	vmul.f32 v43, v11;
	v43 =	vld [tilespmem:s0+$0x40];
	v17 =	vadd.f32 v47, v17  }
0x93: {  	v20 =	vadd.f32 v38, v20;
	v21 =	vadd.f32 v36, v21;
	v36 =	vmul.f32 v48, v11;
	v44 =	vld [tilespmem:s0+$0x50]  }
0x94: {  	v22 =	vadd.f32 v39, v22;
	v23 =	vadd.f32 v42, v23;
	v39 =	vmul.f32 v41, v11;
	v42 =	vld [tilespmem:s0+$0x60]  }
0x95: {  	v20 =	vadd.f32 v49, v20;
	v21 =	vadd.f32 v50, v21;
	v37 =	vmul.f32 v37, v11;
	v45 =	vld [tilespmem:s0+$0x70];
	s0 =	sor.u32 s1, s3  }
.Ltmp0:
0x96: {  	v22 =	vadd.f32 v51, v22;
	v40 =	vmul.f32 v40, v11;
	v38 =	vld [tilespmem:s0+$0x0];
	v23 =	vadd.f32 v52, v23;
	(pc) =	sbr.rel @p0 .LBB2_3-.Ltmp0, $4  }
0x97: {  	v30 =	vadd.f32 v36, v30;
	v27 =	vadd.f32 v39, v27;
	v41 =	vmul.f32 v43, v11;
	v39 =	vld [tilespmem:s0+$0x10]  }
0x98: {  	v28 =	vadd.f32 v37, v28;
	v25 =	vadd.f32 v40, v25;
	v43 =	vmul.f32 v44, v11;
	v40 =	vld [tilespmem:s0+$0x20]  }
0x99: {  	v30 =	vadd.f32 v55, v30;
	v27 =	vadd.f32 v56, v27;
	v42 =	vmul.f32 v42, v11;
	v37 =	vld [tilespmem:s0+$0x30]  }
0x9a: {  	v28 =	vadd.f32 v58, v28;
	v44 =	vmul.f32 v45, v11;
	v36 =	vld [tilespmem:s0+$0x40];
	v25 =	vadd.f32 v59, v25  }
0x9b: {  	v45 =	vld [tilespmem:s0+$0x50]  }
0x9c: {  	v46 =	vld [tilespmem:s0+$0x60]  }
0x9d: {  	v47 =	vld [tilespmem:s0+$0x70]  }
0x9e: {  	v48 =	vld [tilespmem:s30+$0x60]  }
0x9f: {  	v49 =	vld [tilespmem:s30+$0x70];
	[tilespmem:$0xC400] =	vst v14  }
0xa0: {  	[tilespmem:$0xC410] =	vst v15  }
0xa1: {  	[tilespmem:$0xC420] =	vst v16  }
0xa2: {  	[tilespmem:$0xC430] =	vst v17  }
0xa3: {  	[tilespmem:$0xC440] =	vst v20  }
0xa4: {  	[tilespmem:$0xC450] =	vst v21  }
0xa5: {  	[tilespmem:$0xC460] =	vst v22  }
0xa6: {  	[tilespmem:$0xC470] =	vst v23  }
0xa7: {  	v13 =	vadd.f32 v41, v13;
	[tilespmem:$0xC480] =	vst v30  }
0xa8: {  	v12 =	vadd.f32 v43, v12;
	[tilespmem:$0xC490] =	vst v27  }
0xa9: {  	v14 =	vmul.f32 v38, v11;
	v10 =	vadd.f32 v42, v10;
	[tilespmem:$0xC4A0] =	vst v28;
	v13 =	vadd.f32 v35, v13  }
0xaa: {  	v8 =	vadd.f32 v44, v8;
	v15 =	vmul.f32 v39, v11;
	[tilespmem:$0xC4B0] =	vst v25;
	v12 =	vadd.f32 v34, v12  }
0xab: {  	v16 =	vmul.f32 v40, v11;
	v10 =	vadd.f32 v33, v10;
	v9 =	vadd.f32 v14, v9;
	[tilespmem:$0xC4C0] =	vst v13  }
0xac: {  	v8 =	vadd.f32 v32, v8;
	v7 =	vadd.f32 v15, v7;
	v13 =	vmul.f32 v37, v11;
	[tilespmem:$0xC4D0] =	vst v12  }
0xad: {  	v12 =	vmul.f32 v36, v11;
	v6 =	vadd.f32 v16, v6;
	v9 =	vadd.f32 v31, v9;
	[tilespmem:$0xC4E0] =	vst v10  }
0xae: {  	v10 =	vmul.f32 v45, v11;
	v7 =	vadd.f32 v29, v7;
	[tilespmem:$0xC4F0] =	vst v8;
	v5 =	vadd.f32 v13, v5  }
0xaf: {  	v8 =	vmul.f32 v46, v11;
	v6 =	vadd.f32 v26, v6;
	v4 =	vadd.f32 v12, v4;
	[tilespmem:$0xC500] =	vst v9  }
0xb0: {  	v9 =	vmul.f32 v47, v11;
	v3 =	vadd.f32 v10, v3;
	[tilespmem:$0xC510] =	vst v7;
	v5 =	vadd.f32 v24, v5  }
0xb1: {  	v7 =	vmul.f32 v48, v0;
	v1 =	vadd.f32 v8, v1;
	v4 =	vadd.f32 v19, v4;
	[tilespmem:$0xC520] =	vst v6  }
0xb2: {  	v0 =	vmul.f32 v49, v0;
	v2 =	vadd.f32 v9, v2;
	v3 =	vadd.f32 v18, v3;
	[tilespmem:$0xC530] =	vst v5  }
0xb3: {  	v1 =	vadd.f32 v7, v1;
	[tilespmem:$0xC540] =	vst v4  }
0xb4: {  	s15 =	smul.u32 $0x30, s26;
	v0 =	vadd.f32 v0, v2;
	[tilespmem:$0xC550] =	vst v3  }
0xb5: {  	[tilespmem:$0xC560] =	vst v1  }
0xb6: {  	p0 =	seq.s32 s23, $0x18;
	s0 =	sadd.s32 s7, s15;
	[tilespmem:$0xC570] =	vst v0  }
0xb7: {  	[hbm4b:s0+s6] =	stream.linear.scatter [tilespmem:s16], [sflag:$0x3], $0x180, $0x38;
	[tilespmem:$0xC700] =	vst v63  }
0xb8: {  	s1 =	sadd.s32 @!p0 s10, s25;
	s0 =	simm.s32 @!p0 $0x3  }
0xb9: {  	s8 =	simm.s32 @!p0 $0x7A3400;
	s3 =	smul.u32 @!p0 $0x180, s1;
	_ =	swait.ge @!p0 [sflag:s0], $0x180  }
0xba: {  	s15 =	simm.s32 @!p0 $0x400;
	s1 =	smul.u32 @!p0 $0x30, s1;
	[sflag:s0] =	ssyncset.done @!p0 $0x0  }
0xbb: {  	[sflag:s0] =	ssyncadd.s32 @!p0 $0xFFFFFE80;
	s0 =	sadd.s32 @!p0 s4, s3;
	s3 =	simm.s32 @!p0 $0xC00  }
0xbc: {  	[tilespmem:s15], [sflag:$0x1] =	stream.strided.gather @!p0 [hbm4b:s0+s3], $0x6000, s8, s3, $0x38;
	[tilespmem:$0xC700] =	vst v63  }
0xbd: {  	s0 =	sadd.s32 @!p0 s2, s1;
	s1 =	simm.s32 @!p0 $0x0;
	s3 =	simm.s32 @!p0 $0xC400  }
0xbe: {  	[tilespmem:s3], [sflag:$0x1] =	stream.linear.gather @!p0 [hbm4b:s0+s1], $0x180, $0x38;
	[tilespmem:$0xC700] =	vst v63  }
0xbf: {  	_ =	swait.ge [sflag:s20], $0x6000  }
0xc0: {  	[sflag:s20] =	ssyncset.done $0x0  }
0xc1: {  	[sflag:s20] =	ssyncadd.s32 $0xFFFFA000  }
0xc2: {  	_ =	swait.ge [sflag:s20], $0x180  }
0xc3: {  	[sflag:s20] =	ssyncset.done $0x0  }
0xc4: {  	[sflag:s20] =	ssyncadd.s32 $0xFFFFFE80  }
0xc5: {  	v14 =	vld [tilespmem:$0xC580]  }
0xc6: {  	v15 =	vld [tilespmem:$0xC590]  }
0xc7: {  	v16 =	vld [tilespmem:$0xC5A0]  }
0xc8: {  	v17 =	vld [tilespmem:$0xC5B0]  }
0xc9: {  	v20 =	vld [tilespmem:$0xC5C0]  }
0xca: {  	v21 =	vld [tilespmem:$0xC5D0]  }
0xcb: {  	v22 =	vld [tilespmem:$0xC5E0]  }
0xcc: {  	v23 =	vld [tilespmem:$0xC5F0]  }
0xcd: {  	v25 =	vld [tilespmem:$0xC600]  }
0xce: {  	v27 =	vld [tilespmem:$0xC610]  }
0xcf: {  	v28 =	vld [tilespmem:$0xC620]  }
0xd0: {  	v30 =	vld [tilespmem:$0xC630]  }
0xd1: {  	v13 =	vld [tilespmem:$0xC640]  }
0xd2: {  	v12 =	vld [tilespmem:$0xC650]  }
0xd3: {  	v10 =	vld [tilespmem:$0xC660]  }
0xd4: {  	v8 =	vld [tilespmem:$0xC670]  }
0xd5: {  	v9 =	vld [tilespmem:$0xC680]  }
0xd6: {  	v7 =	vld [tilespmem:$0xC690]  }
0xd7: {  	v6 =	vld [tilespmem:$0xC6A0]  }
0xd8: {  	v5 =	vld [tilespmem:$0xC6B0]  }
0xd9: {  	s26 =	simm.s32 $0x0;
	v4 =	vld [tilespmem:$0xC6C0]  }
0xda: {  	s0 =	smul.u32 $0x3000, s26;
	v3 =	vld [tilespmem:$0xC6D0]  }
0xdb: {  	v1 =	vld [tilespmem:$0xC6E0]  }
0xdc: {  	s25 =	simm.s32 $0x80;
	s26 =	simm.s32 $0x10;
	s0 =	sshra.s32 s0, $0x2;
	v2 =	vld [tilespmem:$0xC6F0]  }
0xdd: {  	s3 =	sand.u32 $0x380, s25;
	s1 =	sadd.s32 $0x6400, s0;
	v0 =	vld [tilespmem:s26+$0x0]  }
0xde: {  	s30 =	sor.u32 s3, s1;
	v11 =	vld [tilespmem:s26+$0xFFFFFFF0]  }
0xdf: {  	v18 =	vld [tilespmem:s30+$0x0]  }
0xe0: {  	v19 =	vld [tilespmem:s30+$0x10]  }
0xe1: {  	v24 =	vld [tilespmem:s30+$0x20]  }
0xe2: {  	v26 =	vld [tilespmem:s30+$0x30]  }
0xe3: {  	v29 =	vld [tilespmem:s30+$0x40]  }
0xe4: {  	v31 =	vld [tilespmem:s30+$0x50]  }
0xe5: {  	s15 =	sadd.s32 $0x6800, s0;
	v56 =	vld [tilespmem:s30+$0x60]  }
0xe6: {  	s31 =	sor.u32 s3, s15;
	v57 =	vld [tilespmem:s30+$0x70]  }
0xe7: {  	v58 =	vld [tilespmem:s31+$0x0]  }
0xe8: {  	v59 =	vld [tilespmem:s31+$0x10]  }
0xe9: {  	v36 =	vld [tilespmem:s31+$0x20]  }
0xea: {  	v37 =	vld [tilespmem:s31+$0x30]  }
0xeb: {  	v38 =	vld [tilespmem:s31+$0x40]  }
0xec: {  	v39 =	vld [tilespmem:s31+$0x50]  }
0xed: {  	s0 =	sadd.s32 $0x6C00, s0;
	v60 =	vld [tilespmem:s31+$0x60]  }
0xee: {  	s28 =	sor.u32 s3, s0;
	v61 =	vld [tilespmem:s31+$0x70]  }
0xef: {  	v62 =	vld [tilespmem:s28+$0x0]  }
0xf0: {  	v63 =	vld [tilespmem:s28+$0x10];
	s30 =	simm.s32 $0x0  }
0xf1: {  	v50 =	vld [tilespmem:s28+$0x40];
	s3 =	sand.u32 $0x300, s30;
	v44 =	vmul.f32 v18, v0  }
0xf2: {  	v53 =	vld [tilespmem:s28+$0x50];
	s1 =	sor.u32 s3, s1;
	v45 =	vmul.f32 v19, v0;
	v46 =	vmul.f32 v24, v0  }
0xf3: {  	v54 =	vld [tilespmem:s1+$0x0];
	v47 =	vmul.f32 v26, v0;
	v48 =	vmul.f32 v29, v0  }
0xf4: {  	v18 =	vld [tilespmem:s28+$0x20];
	v49 =	vmul.f32 v31, v0;
	v51 =	vmul.f32 v56, v0  }
0xf5: {  	v52 =	vmul.f32 v57, v0;
	v55 =	vmul.f32 v58, v0;
	v57 =	vld [tilespmem:s1+$0x10]  }
0xf6: {  	v56 =	vmul.f32 v59, v0;
	v58 =	vmul.f32 v36, v0;
	v36 =	vld [tilespmem:s1+$0x20]  }
0xf7: {  	v59 =	vmul.f32 v37, v0;
	v35 =	vmul.f32 v38, v0;
	v37 =	vld [tilespmem:s1+$0x30]  }
0xf8: {  	v34 =	vmul.f32 v39, v0;
	v33 =	vmul.f32 v60, v0;
	v60 =	vld [tilespmem:s1+$0x40]  }
0xf9: {  	v32 =	vmul.f32 v61, v0;
	v31 =	vmul.f32 v62, v0;
	v61 =	vld [tilespmem:s1+$0x50]  }
0xfa: {  	s31 =	sor.u32 s3, s15;
	v29 =	vmul.f32 v63, v0;
	v62 =	vld [tilespmem:s1+$0x60];
	v63 =	vmul.f32 v54, v11  }
0xfb: {  	v40 =	vld [tilespmem:s31+$0x30];
	v26 =	vmul.f32 v18, v0;
	v18 =	vmul.f32 v53, v0  }
0xfc: {  	v54 =	vld [tilespmem:s1+$0x70];
	v53 =	vmul.f32 v57, v11;
	v36 =	vmul.f32 v36, v11  }
0xfd: {  	v19 =	vld [tilespmem:s28+$0x30];
	v37 =	vmul.f32 v37, v11;
	v14 =	vadd.f32 v63, v14;
	v38 =	vmul.f32 v60, v11  }
0xfe: {  	v57 =	vld [tilespmem:s31+$0x0];
	v61 =	vmul.f32 v61, v11;
	v15 =	vadd.f32 v53, v15;
	v16 =	vadd.f32 v36, v16  }
0xff: {  	v60 =	vld [tilespmem:s31+$0x10];
	v62 =	vmul.f32 v62, v11;
	v17 =	vadd.f32 v37, v17;
	v14 =	vadd.f32 v44, v14  }
0x100: {  	v40 =	vmul.f32 v40, v11;
	v37 =	vld [tilespmem:s31+$0x20];
	v20 =	vadd.f32 v38, v20;
	v21 =	vadd.f32 v61, v21  }
0x101: {  	v53 =	vld [tilespmem:s31+$0x40];
	v22 =	vadd.f32 v62, v22;
	v63 =	vmul.f32 v54, v11;
	v15 =	vadd.f32 v45, v15  }
0x102: {  	v24 =	vmul.f32 v19, v0;
	v61 =	vld [tilespmem:s31+$0x60];
	v16 =	vadd.f32 v46, v16;
	v17 =	vadd.f32 v47, v17  }
0x103: {  	v20 =	vadd.f32 v48, v20;
	v54 =	vmul.f32 v57, v11;
	v57 =	vld [tilespmem:s31+$0x50];
	v23 =	vadd.f32 v63, v23  }
0x104: {  	s0 =	sor.u32 s3, s0;
	v62 =	vld [tilespmem:s31+$0x70];
	v21 =	vadd.f32 v49, v21;
	v22 =	vadd.f32 v51, v22;
	v60 =	vmul.f32 v60, v11  }
0x105: {  	v38 =	vld [tilespmem:s0+$0x0];
	v63 =	vadd.f32 v40, v30;
	v37 =	vmul.f32 v37, v11;
	v23 =	vadd.f32 v52, v23  }
0x106: {  	v39 =	vld [tilespmem:s0+$0x10];
	v19 =	vmul.f32 v50, v0;
	v25 =	vadd.f32 v54, v25;
	v27 =	vadd.f32 v60, v27  }
0x107: {  	v40 =	vld [tilespmem:s0+$0x20];
	v41 =	vmul.f32 v53, v11;
	v42 =	vmul.f32 v61, v11;
	v28 =	vadd.f32 v37, v28  }
0x108: {  	v37 =	vld [tilespmem:s0+$0x30];
	v30 =	vadd.f32 v55, v25;
	v27 =	vadd.f32 v56, v27;
	v43 =	vmul.f32 v57, v11  }
0x109: {  	s29 =	simm.s32 $0x0;
	v36 =	vld [tilespmem:s0+$0x40];
	v44 =	vmul.f32 v62, v11;
	v25 =	vadd.f32 v59, v63;
	v28 =	vadd.f32 v58, v28  }
.LBB2_5:
0x10a: {  	s29 =	sadd.s32 $0x2, s29;
	v13 =	vadd.f32 v41, v13;
	v12 =	vadd.f32 v43, v12;
	v38 =	vmul.f32 v38, v11;
	v41 =	vld [tilespmem:s0+$0x50]  }
0x10b: {  	v10 =	vadd.f32 v42, v10;
	s1 =	sshrl.u32 s29, $0x3;
	p0 =	slt.u32 s29, $0x3E;
	v8 =	vadd.f32 v44, v8;
	v39 =	vmul.f32 v39, v11;
	v42 =	vld [tilespmem:s0+$0x60]  }
0x10c: {  	s1 =	smul.u32 $0x3000, s1;
	v40 =	vmul.f32 v40, v11;
	v43 =	vld [tilespmem:s0+$0x70];
	v13 =	vadd.f32 v35, v13;
	v12 =	vadd.f32 v34, v12  }
0x10d: {  	v10 =	vadd.f32 v33, v10;
	v34 =	vmul.f32 v37, v11;
	v8 =	vadd.f32 v32, v8;
	v32 =	vld [tilespmem:s28+$0x60]  }
0x10e: {  	s25 =	sadd.s32 $0x100, s25;
	s26 =	sadd.s32 $0x20, s26;
	v9 =	vadd.f32 v38, v9;
	v7 =	vadd.f32 v39, v7;
	s1 =	sshra.s32 s1, $0x2;
	v33 =	vmul.f32 v36, v11;
	v35 =	vld [tilespmem:s28+$0x70]  }
0x10f: {  	s8 =	sand.u32 $0x380, s25;
	v6 =	vadd.f32 v40, v6;
	s0 =	sadd.s32 $0x6400, s1;
	v36 =	vld [tilespmem:s26+$0x0];
	v5 =	vadd.f32 v34, v5;
	v34 =	vmul.f32 v41, v11  }
0x110: {  	v9 =	vadd.f32 v31, v9;
	v7 =	vadd.f32 v29, v7;
	v37 =	vld [tilespmem:s26+$0xFFFFFFF0];
	s3 =	sor.u32 s8, s0;
	v38 =	vmul.f32 v42, v11  }
0x111: {  	v6 =	vadd.f32 v26, v6;
	v29 =	vld [tilespmem:s3+$0x0];
	v11 =	vmul.f32 v43, v11;
	v5 =	vadd.f32 v24, v5  }
0x112: {  	v4 =	vadd.f32 v33, v4;
	v3 =	vadd.f32 v34, v3;
	v24 =	vld [tilespmem:s3+$0x10];
	v26 =	vmul.f32 v32, v0  }
0x113: {  	v1 =	vadd.f32 v38, v1;
	v31 =	vld [tilespmem:s3+$0x20];
	v2 =	vadd.f32 v11, v2;
	v33 =	vmul.f32 v35, v0  }
0x114: {  	v4 =	vadd.f32 v19, v4;
	v3 =	vadd.f32 v18, v3;
	v32 =	vld [tilespmem:s3+$0x30];
	v0 =	vmov v36  }
0x115: {  	v1 =	vadd.f32 v26, v1;
	v18 =	vld [tilespmem:s3+$0x40];
	v2 =	vadd.f32 v33, v2;
	v11 =	vmov v37  }
0x116: {  	v19 =	vld [tilespmem:s3+$0x50]  }
0x117: {  	s15 =	sadd.s32 $0x6800, s1;
	v26 =	vld [tilespmem:s3+$0x60]  }
0x118: {  	s28 =	sor.u32 s8, s15;
	v33 =	vld [tilespmem:s3+$0x70]  }
0x119: {  	v34 =	vld [tilespmem:s28+$0x0]  }
0x11a: {  	v35 =	vld [tilespmem:s28+$0x10]  }
0x11b: {  	v36 =	vld [tilespmem:s28+$0x20]  }
0x11c: {  	v37 =	vld [tilespmem:s28+$0x30]  }
0x11d: {  	v38 =	vld [tilespmem:s28+$0x40]  }
0x11e: {  	v39 =	vld [tilespmem:s28+$0x50]  }
0x11f: {  	s3 =	sadd.s32 $0x6C00, s1;
	v40 =	vld [tilespmem:s28+$0x60]  }
0x120: {  	v41 =	vld [tilespmem:s28+$0x70];
	s28 =	sor.u32 s8, s3  }
0x121: {  	v42 =	vld [tilespmem:s28+$0x0]  }
0x122: {  	v43 =	vld [tilespmem:s28+$0x10]  }
0x123: {  	v44 =	vmul.f32 v29, v0;
	v45 =	vmul.f32 v24, v0;
	v24 =	vld [tilespmem:s28+$0x20]  }
0x124: {  	s1 =	sadd.s32 $0xFFFFFF80, s25;
	v46 =	vmul.f32 v31, v0;
	v47 =	vmul.f32 v32, v0;
	v48 =	vld [tilespmem:s28+$0x30]  }
0x125: {  	s1 =	sand.u32 $0x300, s1;
	v49 =	vmul.f32 v18, v0;
	v50 =	vmul.f32 v19, v0;
	v18 =	vld [tilespmem:s28+$0x40]  }
0x126: {  	s0 =	sor.u32 s1, s0;
	v51 =	vmul.f32 v26, v0;
	v52 =	vmul.f32 v33, v0;
	v53 =	vld [tilespmem:s28+$0x50]  }
0x127: {  	v55 =	vmul.f32 v34, v0;
	v56 =	vmul.f32 v35, v0;
	v54 =	vld [tilespmem:s0+$0x0]  }
0x128: {  	v58 =	vmul.f32 v36, v0;
	v59 =	vmul.f32 v37, v0;
	v57 =	vld [tilespmem:s0+$0x10]  }
0x129: {  	v35 =	vmul.f32 v38, v0;
	v34 =	vmul.f32 v39, v0;
	v36 =	vld [tilespmem:s0+$0x20]  }
0x12a: {  	v33 =	vmul.f32 v40, v0;
	v32 =	vmul.f32 v41, v0;
	v37 =	vld [tilespmem:s0+$0x30]  }
0x12b: {  	v31 =	vmul.f32 v42, v0;
	v29 =	vmul.f32 v43, v0;
	v38 =	vld [tilespmem:s0+$0x40]  }
0x12c: {  	v26 =	vmul.f32 v24, v0;
	v24 =	vmul.f32 v48, v0;
	v39 =	vld [tilespmem:s0+$0x50]  }
0x12d: {  	v19 =	vmul.f32 v18, v0;
	v18 =	vmul.f32 v53, v0;
	v40 =	vld [tilespmem:s0+$0x60]  }
0x12e: {  	v41 =	vmul.f32 v54, v11;
	v42 =	vmul.f32 v57, v11;
	v43 =	vld [tilespmem:s0+$0x70];
	s0 =	sor.u32 s1, s15  }
0x12f: {  	v36 =	vmul.f32 v36, v11;
	v37 =	vmul.f32 v37, v11;
	v48 =	vld [tilespmem:s0+$0x0]  }
0x130: {  	v14 =	vadd.f32 v41, v14;
	v15 =	vadd.f32 v42, v15;
	v38 =	vmul.f32 v38, v11;
	v41 =	vld [tilespmem:s0+$0x10]  }
0x131: {  	v16 =	vadd.f32 v36, v16;
	v17 =	vadd.f32 v37, v17;
	v36 =	vmul.f32 v39, v11;
	v37 =	vld [tilespmem:s0+$0x20]  }
0x132: {  	v14 =	vadd.f32 v44, v14;
	v15 =	vadd.f32 v45, v15;
	v39 =	vmul.f32 v40, v11;
	v40 =	vld [tilespmem:s0+$0x30]  }
0x133: {  	v16 =	vadd.f32 v46, v16;
	v42 =	vmul.f32 v43, v11;
	v43 =	vld [tilespmem:s0+$0x40];
	v17 =	vadd.f32 v47, v17  }
0x134: {  	v20 =	vadd.f32 v38, v20;
	v21 =	vadd.f32 v36, v21;
	v36 =	vmul.f32 v48, v11;
	v44 =	vld [tilespmem:s0+$0x50]  }
0x135: {  	v22 =	vadd.f32 v39, v22;
	v23 =	vadd.f32 v42, v23;
	v39 =	vmul.f32 v41, v11;
	v42 =	vld [tilespmem:s0+$0x60]  }
0x136: {  	v20 =	vadd.f32 v49, v20;
	v21 =	vadd.f32 v50, v21;
	v37 =	vmul.f32 v37, v11;
	v45 =	vld [tilespmem:s0+$0x70];
	s0 =	sor.u32 s1, s3  }
.Ltmp1:
0x137: {  	v22 =	vadd.f32 v51, v22;
	v40 =	vmul.f32 v40, v11;
	v38 =	vld [tilespmem:s0+$0x0];
	v23 =	vadd.f32 v52, v23;
	(pc) =	sbr.rel @p0 .LBB2_5-.Ltmp1, $4  }
0x138: {  	v30 =	vadd.f32 v36, v30;
	v27 =	vadd.f32 v39, v27;
	v41 =	vmul.f32 v43, v11;
	v39 =	vld [tilespmem:s0+$0x10]  }
0x139: {  	v28 =	vadd.f32 v37, v28;
	v25 =	vadd.f32 v40, v25;
	v43 =	vmul.f32 v44, v11;
	v40 =	vld [tilespmem:s0+$0x20]  }
0x13a: {  	v30 =	vadd.f32 v55, v30;
	v27 =	vadd.f32 v56, v27;
	v42 =	vmul.f32 v42, v11;
	v37 =	vld [tilespmem:s0+$0x30]  }
0x13b: {  	v28 =	vadd.f32 v58, v28;
	v44 =	vmul.f32 v45, v11;
	v36 =	vld [tilespmem:s0+$0x40];
	v25 =	vadd.f32 v59, v25  }
0x13c: {  	v45 =	vld [tilespmem:s0+$0x50]  }
0x13d: {  	v46 =	vld [tilespmem:s0+$0x60]  }
0x13e: {  	v47 =	vld [tilespmem:s0+$0x70]  }
0x13f: {  	v48 =	vld [tilespmem:s28+$0x60]  }
0x140: {  	v49 =	vld [tilespmem:s28+$0x70];
	[tilespmem:$0xC580] =	vst v14  }
0x141: {  	[tilespmem:$0xC590] =	vst v15  }
0x142: {  	[tilespmem:$0xC5A0] =	vst v16  }
0x143: {  	[tilespmem:$0xC5B0] =	vst v17  }
0x144: {  	[tilespmem:$0xC5C0] =	vst v20  }
0x145: {  	[tilespmem:$0xC5D0] =	vst v21  }
0x146: {  	[tilespmem:$0xC5E0] =	vst v22  }
0x147: {  	[tilespmem:$0xC5F0] =	vst v23  }
0x148: {  	v13 =	vadd.f32 v41, v13;
	[tilespmem:$0xC600] =	vst v30  }
0x149: {  	v12 =	vadd.f32 v43, v12;
	[tilespmem:$0xC610] =	vst v27  }
0x14a: {  	v54 =	vmul.f32 v38, v11;
	v10 =	vadd.f32 v42, v10;
	[tilespmem:$0xC620] =	vst v28;
	v13 =	vadd.f32 v35, v13  }
0x14b: {  	v8 =	vadd.f32 v44, v8;
	v55 =	vmul.f32 v39, v11;
	[tilespmem:$0xC630] =	vst v25;
	v12 =	vadd.f32 v34, v12  }
0x14c: {  	v56 =	vmul.f32 v40, v11;
	v10 =	vadd.f32 v33, v10;
	v9 =	vadd.f32 v54, v9;
	[tilespmem:$0xC640] =	vst v13  }
0x14d: {  	v57 =	vmul.f32 v37, v11;
	v8 =	vadd.f32 v32, v8;
	v7 =	vadd.f32 v55, v7;
	[tilespmem:$0xC650] =	vst v12  }
0x14e: {  	v58 =	vmul.f32 v36, v11;
	v6 =	vadd.f32 v56, v6;
	v9 =	vadd.f32 v31, v9;
	[tilespmem:$0xC660] =	vst v10  }
0x14f: {  	v5 =	vadd.f32 v57, v5;
	v59 =	vmul.f32 v45, v11;
	v7 =	vadd.f32 v29, v7;
	[tilespmem:$0xC670] =	vst v8  }
0x150: {  	v60 =	vmul.f32 v46, v11;
	v6 =	vadd.f32 v26, v6;
	v4 =	vadd.f32 v58, v4;
	[tilespmem:$0xC680] =	vst v9  }
0x151: {  	v61 =	vmul.f32 v47, v11;
	v5 =	vadd.f32 v24, v5;
	v3 =	vadd.f32 v59, v3;
	[tilespmem:$0xC690] =	vst v7  }
0x152: {  	s23 =	sadd.s32 $0x1, s23;
	v62 =	vmul.f32 v48, v0;
	v1 =	vadd.f32 v60, v1;
	v4 =	vadd.f32 v19, v4;
	[tilespmem:$0xC6A0] =	vst v6  }
0x153: {  	p0 =	sne.s32 s23, $0x19;
	v63 =	vmul.f32 v49, v0;
	v2 =	vadd.f32 v61, v2;
	v3 =	vadd.f32 v18, v3;
	[tilespmem:$0xC6B0] =	vst v5  }
.Ltmp2:
0x154: {  	v1 =	vadd.f32 v62, v1;
	[tilespmem:$0xC6C0] =	vst v4;
	(pc) =	sbr.rel @p0 .LBB2_2-.Ltmp2, $4  }
0x155: {  	v0 =	vadd.f32 v63, v2;
	[tilespmem:$0xC6D0] =	vst v3  }
0x156: {  	[tilespmem:$0xC6E0] =	vst v1  }
0x157: {  	s31 =	sadd.s32 s7, s24;
	[tilespmem:$0xC6F0] =	vst v0  }
0x158: {  	[hbm4b:s31+s6] =	stream.linear.scatter [tilespmem:s18], [sflag:$0x4], $0x180, $0x38;
	[tilespmem:$0xC700] =	vst v63  }
0x159: {  	s22 =	sadd.s32 $0x1, s22  }
0x15a: {  	p0 =	sne.s32 s22, s11  }
.Ltmp3:
0x15b: {  	_ = 	snop;
	(pc) =	sbr.rel @p0 .LBB2_1-.Ltmp3, $4  }
0x15c: {  	_ = 	snop  }
0x15d: {  	_ =	swait.ge [sflag:s21], $0x180  }
0x15e: {  	[sflag:s21] =	ssyncset.done $0x0  }
0x15f: {  	[sflag:s21] =	ssyncadd.s32 $0xFFFFFE80  }
0x160: {  	_ =	sfence.sel $0x180000  }
0x161: {  	[bflag:$0x0] =	sbarrier.arrive $0xFFFF  }
0x162: {  	_ =	strace $0x90000047  }
0x163: {  	s0 =	stileid.u32;
	[bflag:$0x2] =	sbarrier.arrive $0xFFFF  }
0x164: {  	p0 =	sne.s32 s0, $0x0;
	s0 =	rddreg [dreg:$0x4]  }
0x165: {  	s0 =	sadd.s32 @!p0 $0x100000, s0  }
0x166: {  	[sflag:s0] =	ssyncadd.tile.s32 @!p0 $0x1;
	_ =	shalt  }
.Lfunc_end2:
_tile_overlayer_lowered:
.L_overlay_start_2:
0x167: {  	(tag) =	ssettag $0x2  }
0x168: {  	s0 =	rddreg [dreg:$0x0];
	s2 =	stileid.u32  }
0x169: {  	s1 =	rddreg [dreg:$0x1];
	p0 =	sne.s32 s2, $0x0  }
0x16a: {  	s3 =	rddreg [dreg:$0x2];
	[bflag:$0x3] =	sbarrier.arrive $0xFFFF;
	s2 =	simm.s32 @!p0 $0x1C05  }
0x16b: {  	[timem:s3], [sflag:s2] =	dma.local @!p0 [hbm:s0], s1  }
0x16c: {  	s0 =	simm.s32 @!p0 $0x5  }
0x16d: {  	_ =	swait.ge @!p0 [sflag:s0], s1  }
0x16e: {  	s1 =	ssub.s32 @!p0 $0x0, s1;
	[sflag:s0] =	ssyncset.done @!p0 $0x0  }
0x16f: {  	[sflag:s0] =	ssyncadd.s32 @!p0 s1  }
0x170: {  	[bflag:$0x3] =	sbarrier.arrive $0xFFFF  }
0x171: {  	_ =	shalt  }

</sc_bundles>
